<compile_context>
chip_gen: v7x
topology: tpu7x:2x2x1
jax: 0.10.2.dev20260603
libtpu: 0.0.44.dev20260713+nightly
codegen_flags: <defaults>
</compile_context>

<pallas_src>
import jax
import jax.numpy as jnp
from jax import lax
from jax.experimental import pallas as pl
from jax.experimental.pallas import tpu as pltpu
from jax.experimental.pallas import tpu_sc as plsc

B, T, D = 4, 8192, 768
L = 16
NC, NS = 2, 16
NW = NC * NS
TPW = T // NW
C = 8
NSTEPS = TPW // C
GRP = D // L
NSLOT = 4


def _issue_loads(refs, s, tok0):
    (x_hbm, tab_hbm, pos_hbm, _, idx_c, xb, peb, s_in, s_pe, _) = refs
    slot = s % NSLOT
    tok = tok0 + s * C
    pltpu.async_copy(x_hbm.at[:, pl.ds(tok, C)], xb.at[slot], s_in.at[slot])
    pltpu.async_copy(tab_hbm.at[idx_c.at[pl.ds(s * C, C)]], peb.at[slot],
                     s_pe.at[slot])


def _wait_loads(refs, s, tok0):
    (x_hbm, tab_hbm, _, _, idx_c, xb, peb, s_in, s_pe, _) = refs
    slot = s % NSLOT
    tok = tok0 + s * C
    pltpu.make_async_copy(x_hbm.at[:, pl.ds(tok, C)], xb.at[slot],
                          s_in.at[slot]).wait()
    pltpu.make_async_copy(tab_hbm.at[idx_c.at[pl.ds(s * C, C)]],
                          peb.at[slot], s_pe.at[slot]).wait()


def _issue_store(refs, s, tok0):
    (_, _, _, out_hbm, _, xb, _, _, _, s_out) = refs
    slot = s % NSLOT
    tok = tok0 + s * C
    pltpu.async_copy(xb.at[slot], out_hbm.at[:, pl.ds(tok, C)],
                     s_out.at[slot])


def _wait_store(refs, s, tok0):
    (_, _, _, out_hbm, _, xb, _, _, _, s_out) = refs
    slot = s % NSLOT
    tok = tok0 + s * C
    pltpu.make_async_copy(xb.at[slot], out_hbm.at[:, pl.ds(tok, C)],
                          s_out.at[slot]).wait()


def _compute(refs, s):
    (_, _, _, _, _, xb, peb, _, _, _) = refs
    slot = s % NSLOT

    @plsc.parallel_loop(0, C, 1, unroll=1)
    def row_body(r):
        @plsc.parallel_loop(0, GRP, 1, unroll=4)
        def grp_body(g):
            pe = peb[slot, r, pl.ds(g * L, L)]
            for b in range(B):
                plsc.addupdate(xb.at[slot, b, r, pl.ds(g * L, L)], pe)


def _sc_kernel(x_hbm, tab_hbm, pos_hbm, out_hbm, idx_c, xb, peb,
               s_in, s_pe, s_out):
    refs = (x_hbm, tab_hbm, pos_hbm, out_hbm, idx_c, xb, peb,
            s_in, s_pe, s_out)
    wid = lax.axis_index("s") * NC + lax.axis_index("c")
    tok0 = wid * TPW

    pltpu.sync_copy(pos_hbm.at[pl.ds(tok0, TPW)], idx_c)

    for s in range(NSLOT - 1):
        _issue_loads(refs, s, tok0)
    _wait_loads(refs, 0, tok0)
    _compute(refs, 0)
    _issue_store(refs, 0, tok0)
    _issue_loads(refs, NSLOT - 1, tok0)

    def super_step(ss, _):
        for h in range(NSLOT):
            s = 1 + NSLOT * ss + h
            _wait_loads(refs, s, tok0)
            _compute(refs, s)
            _issue_store(refs, s, tok0)
            _wait_store(refs, s - 1, tok0)
            _issue_loads(refs, s + NSLOT - 1, tok0)
        return 0

    lax.fori_loop(0, (NSTEPS - NSLOT) // NSLOT, super_step, 0)

    for s in range(NSTEPS - NSLOT + 1, NSTEPS):
        _wait_loads(refs, s, tok0)
        _compute(refs, s)
        _issue_store(refs, s, tok0)
        _wait_store(refs, s - 1, tok0)
    _wait_store(refs, NSTEPS - 1, tok0)


@jax.jit
def _pos_encode(x2, table, positions):
    mesh = plsc.VectorSubcoreMesh(core_axis_name="c", subcore_axis_name="s")
    return pl.kernel(
        _sc_kernel,
        out_type=jax.ShapeDtypeStruct((B, T, D), jnp.float32),
        mesh=mesh,
        scratch_types=[
            pltpu.VMEM((TPW,), jnp.int32),
            pltpu.VMEM((NSLOT, B, C, D), jnp.float32),
            pltpu.VMEM((NSLOT, C, D), jnp.float32),
            pltpu.SemaphoreType.DMA((NSLOT,)),
            pltpu.SemaphoreType.DMA((NSLOT,)),
            pltpu.SemaphoreType.DMA((NSLOT,)),
        ],
    )(x2, table, positions)


def kernel(encoded_tokens, position_table, positions):
    return _pos_encode(encoded_tokens, position_table, positions)

# --- scband reference (transcript-rebuilt; emitter-appended) ---
"""Pipeline reference for scband-positional-encoder-10015863734761 (READ-ONLY COPY).

The authoritative reference and input builder live on the scoring server;
editing this copy changes nothing except your own understanding.
"""

import jax, jax.numpy as jnp
import numpy as np

BATCH = 4
NUM_TOKENS = 8192
EMBED_DIM = 768

def setup_inputs(seed: int = 0) -> dict:
    key = jax.random.key(seed)
    k1, k2 = jax.random.split(key)
    encoded_tokens = jax.random.normal(k1, (BATCH, NUM_TOKENS, EMBED_DIM), dtype=jnp.float32)
    # learned position embedding table, sized [num_tokens, embed_dim]
    position_table = jax.random.normal(k2, (NUM_TOKENS, EMBED_DIM), dtype=jnp.float32) * 0.02
    positions = jnp.arange(NUM_TOKENS, dtype=jnp.int32)
    return {"encoded_tokens": encoded_tokens, "position_table": position_table, "positions": positions}

def reference(encoded_tokens, position_table, positions):
    # Embedding lookup: gather rows of the table by position ids (0..num_tokens-1)
    encoded_positions = jnp.take(position_table, positions, axis=0)  # [num_tokens, embed_dim]
    # Broadcast-add over the batch dimension, matching `encoded_tokens += encoded_positions`
    out = encoded_tokens + encoded_positions[None, :, :]
    return out

if __name__ == "__main__":
    import jax
    _d = setup_inputs()
    print(jax.jit(kernel)(*tuple(_d.values())))

</pallas_src>

<mosaic_0001>
#map = affine_map<(d0, d1) -> (0, 0, 0)>
#map1 = affine_map<(d0, d1) -> (0, 0)>
#map2 = affine_map<(d0, d1) -> (0)>
module attributes {stable_mosaic.version = 14 : i64} {
  func.func @_sc_kernel(%arg0: i32, %arg1: i32, %arg2: memref<4x8192x768xf32, #tpu.memory_space<hbm>>, %arg3: memref<8192x768xf32, #tpu.memory_space<hbm>>, %arg4: memref<8192xi32, #tpu.memory_space<hbm>>, %arg5: memref<4x8192x768xf32, #tpu.memory_space<hbm>>, %arg6: memref<256xi32, #tpu.memory_space<vmem>>, %arg7: memref<4x4x8x768xf32, #tpu.memory_space<vmem>>, %arg8: memref<4x8x768xf32, #tpu.memory_space<vmem>>, %arg9: memref<4x!tpu.dma_semaphore, #tpu.memory_space<semaphore_mem>>, %arg10: memref<4x!tpu.dma_semaphore, #tpu.memory_space<semaphore_mem>>, %arg11: memref<4x!tpu.dma_semaphore, #tpu.memory_space<semaphore_mem>>) attributes {dimension_semantics = [#tpu.dimension_semantics<core_parallel>, #tpu.dimension_semantics<subcore_parallel>], iteration_bounds = array<i64: 2, 16>, scalar_prefetch = 0 : i64, scratch_operands = 6 : i64, tpu.core_type = #tpu.core_type<sc_vector_subcore>, window_params = [{transform_indices = #map}, {transform_indices = #map1}, {transform_indices = #map2}, {transform_indices = #map}]} {
    %mul3A = arith.constant 2 : i32
    %mul3A_0 = arith.muli %arg1, %mul3A : i32
    %add3A = arith.addi %mul3A_0, %arg0 : i32
    %mul3A_1 = arith.constant 256 : i32
    %mul3A_2 = arith.muli %add3A, %mul3A_1 : i32
    "tpu.region"() ({
      %run_scoped3A = tpu.sem_alloc : memref<!tpu.dma_semaphore, #tpu.memory_space<semaphore_mem>>
      %dma_start3A_474 = tpu.memref_slice %arg4[%mul3A_2] : memref<8192xi32, #tpu.memory_space<hbm>> -> memref<256xi32, #tpu.memory_space<hbm>>
      %dma_start3A_475 = tpu.memref_slice %arg4[%mul3A_2] : memref<8192xi32, #tpu.memory_space<hbm>> -> memref<256xi32, #tpu.memory_space<hbm>>
      tpu.enqueue_dma source(%dma_start3A_475 : memref<256xi32, #tpu.memory_space<hbm>>) target(%arg6 : memref<256xi32, #tpu.memory_space<vmem>>) target_semaphore(%run_scoped3A : memref<!tpu.dma_semaphore, #tpu.memory_space<semaphore_mem>>)
      %dma_wait3A_476 = tpu.memref_slice %arg4[%mul3A_2] : memref<8192xi32, #tpu.memory_space<hbm>> -> memref<256xi32, #tpu.memory_space<hbm>>
      %dma_wait3A_477 = tpu.memref_slice %arg4[%mul3A_2] : memref<8192xi32, #tpu.memory_space<hbm>> -> memref<256xi32, #tpu.memory_space<hbm>>
      tpu.wait_dma2 semaphore(%run_scoped3A : memref<!tpu.dma_semaphore, #tpu.memory_space<semaphore_mem>>) src(%dma_wait3A_477 : memref<256xi32, #tpu.memory_space<hbm>>) dst(%arg6 : memref<256xi32, #tpu.memory_space<vmem>>)
      tpu.yield
    }) : () -> ()
    %add3A_3 = arith.constant 0 : i32
    %add3A_4 = arith.addi %mul3A_2, %add3A_3 : i32
    %dma_start3A = arith.constant 0 : i32
    %dma_start3A_5 = arith.constant 0 : i32
    %dma_start3A_6 = arith.constant 0 : i32
    %dma_start3A_7 = arith.constant 0 : i32
    %dma_start3A_8 = arith.constant 0 : i32
    %dma_start3A_9 = tpu.memref_slice %arg7[%dma_start3A, %dma_start3A_6, %dma_start3A_7, %dma_start3A_8] : memref<4x4x8x768xf32, #tpu.memory_space<vmem>> -> memref<1x4x8x768xf32, #tpu.memory_space<vmem>>
    %dma_start3A_10 = tpu.memref_squeeze %dma_start3A_9 : memref<1x4x8x768xf32, #tpu.memory_space<vmem>> -> memref<4x8x768xf32, #tpu.memory_space<vmem>>
    %dma_start3A_11 = arith.constant 0 : i32
    %dma_start3A_12 = arith.constant 0 : i32
    %dma_start3A_13 = tpu.memref_slice %arg2[%dma_start3A_11, %add3A_4, %dma_start3A_12] : memref<4x8192x768xf32, #tpu.memory_space<hbm>> -> memref<4x8x768xf32, #tpu.memory_space<hbm>>
    %dma_start3A_14 = tpu.memref_slice %arg9[%dma_start3A_5] : memref<4x!tpu.dma_semaphore, #tpu.memory_space<semaphore_mem>> -> memref<1x!tpu.dma_semaphore, #tpu.memory_space<semaphore_mem>>
    %dma_start3A_15 = tpu.memref_squeeze %dma_start3A_14 : memref<1x!tpu.dma_semaphore, #tpu.memory_space<semaphore_mem>> -> memref<!tpu.dma_semaphore, #tpu.memory_space<semaphore_mem>>
    %dma_start3A_16 = arith.constant 0 : i32
    %dma_start3A_17 = arith.constant 0 : i32
    %dma_start3A_18 = arith.constant 0 : i32
    %dma_start3A_19 = tpu.memref_slice %arg7[%dma_start3A, %dma_start3A_16, %dma_start3A_17, %dma_start3A_18] : memref<4x4x8x768xf32, #tpu.memory_space<vmem>> -> memref<1x4x8x768xf32, #tpu.memory_space<vmem>>
    %dma_start3A_20 = tpu.memref_squeeze %dma_start3A_19 : memref<1x4x8x768xf32, #tpu.memory_space<vmem>> -> memref<4x8x768xf32, #tpu.memory_space<vmem>>
    %dma_start3A_21 = arith.constant 0 : i32
    %dma_start3A_22 = arith.constant 0 : i32
    %dma_start3A_23 = tpu.memref_slice %arg2[%dma_start3A_21, %add3A_4, %dma_start3A_22] : memref<4x8192x768xf32, #tpu.memory_space<hbm>> -> memref<4x8x768xf32, #tpu.memory_space<hbm>>
    tpu.enqueue_dma source(%dma_start3A_23 : memref<4x8x768xf32, #tpu.memory_space<hbm>>) target(%dma_start3A_20 : memref<4x8x768xf32, #tpu.memory_space<vmem>>) target_semaphore(%dma_start3A_15 : memref<!tpu.dma_semaphore, #tpu.memory_space<semaphore_mem>>)
    %dma_start3A_24 = arith.constant 0 : i32
    %dma_start3A_25 = arith.constant 0 : i32
    %dma_start3A_26 = arith.constant 0 : i32
    %dma_start3A_27 = arith.constant 0 : i32
    %dma_start3A_28 = tpu.memref_slice %arg8[%dma_start3A_24, %dma_start3A_26, %dma_start3A_27] : memref<4x8x768xf32, #tpu.memory_space<vmem>> -> memref<1x8x768xf32, #tpu.memory_space<vmem>>
    %dma_start3A_29 = tpu.memref_squeeze %dma_start3A_28 : memref<1x8x768xf32, #tpu.memory_space<vmem>> -> memref<8x768xf32, #tpu.memory_space<vmem>>
    %dma_start3A_30 = arith.constant 0 : i32
    %dma_start3A_31 = tpu.memref_slice %arg6[%dma_start3A_30] : memref<256xi32, #tpu.memory_space<vmem>> -> memref<8xi32, #tpu.memory_space<vmem>>
    %dma_start3A_32 = arith.constant 0 : i32
    %dma_start3A_33 = arith.constant 0 : i32
    %dma_start3A_34 = tpu.memref_slice %arg3[%dma_start3A_32, %dma_start3A_33] : memref<8192x768xf32, #tpu.memory_space<hbm>> -> memref<8192x768xf32, #tpu.memory_space<hbm>>
    %dma_start3A_35 = tpu.memref_slice %arg10[%dma_start3A_25] : memref<4x!tpu.dma_semaphore, #tpu.memory_space<semaphore_mem>> -> memref<1x!tpu.dma_semaphore, #tpu.memory_space<semaphore_mem>>
    %dma_start3A_36 = tpu.memref_squeeze %dma_start3A_35 : memref<1x!tpu.dma_semaphore, #tpu.memory_space<semaphore_mem>> -> memref<!tpu.dma_semaphore, #tpu.memory_space<semaphore_mem>>
    tpu.enqueue_indirect_dma source(%dma_start3A_34 : memref<8192x768xf32, #tpu.memory_space<hbm>>) target(%dma_start3A_29 : memref<8x768xf32, #tpu.memory_space<vmem>>) offsets(%dma_start3A_31 : memref<8xi32, #tpu.memory_space<vmem>>) semaphore(%dma_start3A_36 : memref<!tpu.dma_semaphore, #tpu.memory_space<semaphore_mem>>)
    %add3A_37 = arith.constant 8 : i32
    %add3A_38 = arith.addi %mul3A_2, %add3A_37 : i32
    %dma_start3A_39 = arith.constant 1 : i32
    %dma_start3A_40 = arith.constant 1 : i32
    %dma_start3A_41 = arith.constant 0 : i32
    %dma_start3A_42 = arith.constant 0 : i32
    %dma_start3A_43 = arith.constant 0 : i32
    %dma_start3A_44 = tpu.memref_slice %arg7[%dma_start3A_39, %dma_start3A_41, %dma_start3A_42, %dma_start3A_43] : memref<4x4x8x768xf32, #tpu.memory_space<vmem>> -> memref<1x4x8x768xf32, #tpu.memory_space<vmem>>
    %dma_start3A_45 = tpu.memref_squeeze %dma_start3A_44 : memref<1x4x8x768xf32, #tpu.memory_space<vmem>> -> memref<4x8x768xf32, #tpu.memory_space<vmem>>
    %dma_start3A_46 = arith.constant 0 : i32
    %dma_start3A_47 = arith.constant 0 : i32
    %dma_start3A_48 = tpu.memref_slice %arg2[%dma_start3A_46, %add3A_38, %dma_start3A_47] : memref<4x8192x768xf32, #tpu.memory_space<hbm>> -> memref<4x8x768xf32, #tpu.memory_space<hbm>>
    %dma_start3A_49 = tpu.memref_slice %arg9[%dma_start3A_40] : memref<4x!tpu.dma_semaphore, #tpu.memory_space<semaphore_mem>> -> memref<1x!tpu.dma_semaphore, #tpu.memory_space<semaphore_mem>>
    %dma_start3A_50 = tpu.memref_squeeze %dma_start3A_49 : memref<1x!tpu.dma_semaphore, #tpu.memory_space<semaphore_mem>> -> memref<!tpu.dma_semaphore, #tpu.memory_space<semaphore_mem>>
    %dma_start3A_51 = arith.constant 0 : i32
    %dma_start3A_52 = arith.constant 0 : i32
    %dma_start3A_53 = arith.constant 0 : i32
    %dma_start3A_54 = tpu.memref_slice %arg7[%dma_start3A_39, %dma_start3A_51, %dma_start3A_52, %dma_start3A_53] : memref<4x4x8x768xf32, #tpu.memory_space<vmem>> -> memref<1x4x8x768xf32, #tpu.memory_space<vmem>>
    %dma_start3A_55 = tpu.memref_squeeze %dma_start3A_54 : memref<1x4x8x768xf32, #tpu.memory_space<vmem>> -> memref<4x8x768xf32, #tpu.memory_space<vmem>>
    %dma_start3A_56 = arith.constant 0 : i32
    %dma_start3A_57 = arith.constant 0 : i32
    %dma_start3A_58 = tpu.memref_slice %arg2[%dma_start3A_56, %add3A_38, %dma_start3A_57] : memref<4x8192x768xf32, #tpu.memory_space<hbm>> -> memref<4x8x768xf32, #tpu.memory_space<hbm>>
    tpu.enqueue_dma source(%dma_start3A_58 : memref<4x8x768xf32, #tpu.memory_space<hbm>>) target(%dma_start3A_55 : memref<4x8x768xf32, #tpu.memory_space<vmem>>) target_semaphore(%dma_start3A_50 : memref<!tpu.dma_semaphore, #tpu.memory_space<semaphore_mem>>)
    %dma_start3A_59 = arith.constant 1 : i32
    %dma_start3A_60 = arith.constant 1 : i32
    %dma_start3A_61 = arith.constant 0 : i32
    %dma_start3A_62 = arith.constant 0 : i32
    %dma_start3A_63 = tpu.memref_slice %arg8[%dma_start3A_59, %dma_start3A_61, %dma_start3A_62] : memref<4x8x768xf32, #tpu.memory_space<vmem>> -> memref<1x8x768xf32, #tpu.memory_space<vmem>>
    %dma_start3A_64 = tpu.memref_squeeze %dma_start3A_63 : memref<1x8x768xf32, #tpu.memory_space<vmem>> -> memref<8x768xf32, #tpu.memory_space<vmem>>
    %dma_start3A_65 = arith.constant 8 : i32
    %dma_start3A_66 = tpu.memref_slice %arg6[%dma_start3A_65] : memref<256xi32, #tpu.memory_space<vmem>> -> memref<8xi32, #tpu.memory_space<vmem>>
    %dma_start3A_67 = arith.constant 0 : i32
    %dma_start3A_68 = arith.constant 0 : i32
    %dma_start3A_69 = tpu.memref_slice %arg3[%dma_start3A_67, %dma_start3A_68] : memref<8192x768xf32, #tpu.memory_space<hbm>> -> memref<8192x768xf32, #tpu.memory_space<hbm>>
    %dma_start3A_70 = tpu.memref_slice %arg10[%dma_start3A_60] : memref<4x!tpu.dma_semaphore, #tpu.memory_space<semaphore_mem>> -> memref<1x!tpu.dma_semaphore, #tpu.memory_space<semaphore_mem>>
    %dma_start3A_71 = tpu.memref_squeeze %dma_start3A_70 : memref<1x!tpu.dma_semaphore, #tpu.memory_space<semaphore_mem>> -> memref<!tpu.dma_semaphore, #tpu.memory_space<semaphore_mem>>
    tpu.enqueue_indirect_dma source(%dma_start3A_69 : memref<8192x768xf32, #tpu.memory_space<hbm>>) target(%dma_start3A_64 : memref<8x768xf32, #tpu.memory_space<vmem>>) offsets(%dma_start3A_66 : memref<8xi32, #tpu.memory_space<vmem>>) semaphore(%dma_start3A_71 : memref<!tpu.dma_semaphore, #tpu.memory_space<semaphore_mem>>)
    %add3A_72 = arith.constant 16 : i32
    %add3A_73 = arith.addi %mul3A_2, %add3A_72 : i32
    %dma_start3A_74 = arith.constant 2 : i32
    %dma_start3A_75 = arith.constant 2 : i32
    %dma_start3A_76 = arith.constant 0 : i32
    %dma_start3A_77 = arith.constant 0 : i32
    %dma_start3A_78 = arith.constant 0 : i32
    %dma_start3A_79 = tpu.memref_slice %arg7[%dma_start3A_74, %dma_start3A_76, %dma_start3A_77, %dma_start3A_78] : memref<4x4x8x768xf32, #tpu.memory_space<vmem>> -> memref<1x4x8x768xf32, #tpu.memory_space<vmem>>
    %dma_start3A_80 = tpu.memref_squeeze %dma_start3A_79 : memref<1x4x8x768xf32, #tpu.memory_space<vmem>> -> memref<4x8x768xf32, #tpu.memory_space<vmem>>
    %dma_start3A_81 = arith.constant 0 : i32
    %dma_start3A_82 = arith.constant 0 : i32
    %dma_start3A_83 = tpu.memref_slice %arg2[%dma_start3A_81, %add3A_73, %dma_start3A_82] : memref<4x8192x768xf32, #tpu.memory_space<hbm>> -> memref<4x8x768xf32, #tpu.memory_space<hbm>>
    %dma_start3A_84 = tpu.memref_slice %arg9[%dma_start3A_75] : memref<4x!tpu.dma_semaphore, #tpu.memory_space<semaphore_mem>> -> memref<1x!tpu.dma_semaphore, #tpu.memory_space<semaphore_mem>>
    %dma_start3A_85 = tpu.memref_squeeze %dma_start3A_84 : memref<1x!tpu.dma_semaphore, #tpu.memory_space<semaphore_mem>> -> memref<!tpu.dma_semaphore, #tpu.memory_space<semaphore_mem>>
    %dma_start3A_86 = arith.constant 0 : i32
    %dma_start3A_87 = arith.constant 0 : i32
    %dma_start3A_88 = arith.constant 0 : i32
    %dma_start3A_89 = tpu.memref_slice %arg7[%dma_start3A_74, %dma_start3A_86, %dma_start3A_87, %dma_start3A_88] : memref<4x4x8x768xf32, #tpu.memory_space<vmem>> -> memref<1x4x8x768xf32, #tpu.memory_space<vmem>>
    %dma_start3A_90 = tpu.memref_squeeze %dma_start3A_89 : memref<1x4x8x768xf32, #tpu.memory_space<vmem>> -> memref<4x8x768xf32, #tpu.memory_space<vmem>>
    %dma_start3A_91 = arith.constant 0 : i32
    %dma_start3A_92 = arith.constant 0 : i32
    %dma_start3A_93 = tpu.memref_slice %arg2[%dma_start3A_91, %add3A_73, %dma_start3A_92] : memref<4x8192x768xf32, #tpu.memory_space<hbm>> -> memref<4x8x768xf32, #tpu.memory_space<hbm>>
    tpu.enqueue_dma source(%dma_start3A_93 : memref<4x8x768xf32, #tpu.memory_space<hbm>>) target(%dma_start3A_90 : memref<4x8x768xf32, #tpu.memory_space<vmem>>) target_semaphore(%dma_start3A_85 : memref<!tpu.dma_semaphore, #tpu.memory_space<semaphore_mem>>)
    %dma_start3A_94 = arith.constant 2 : i32
    %dma_start3A_95 = arith.constant 2 : i32
    %dma_start3A_96 = arith.constant 0 : i32
    %dma_start3A_97 = arith.constant 0 : i32
    %dma_start3A_98 = tpu.memref_slice %arg8[%dma_start3A_94, %dma_start3A_96, %dma_start3A_97] : memref<4x8x768xf32, #tpu.memory_space<vmem>> -> memref<1x8x768xf32, #tpu.memory_space<vmem>>
    %dma_start3A_99 = tpu.memref_squeeze %dma_start3A_98 : memref<1x8x768xf32, #tpu.memory_space<vmem>> -> memref<8x768xf32, #tpu.memory_space<vmem>>
    %dma_start3A_100 = arith.constant 16 : i32
    %dma_start3A_101 = tpu.memref_slice %arg6[%dma_start3A_100] : memref<256xi32, #tpu.memory_space<vmem>> -> memref<8xi32, #tpu.memory_space<vmem>>
    %dma_start3A_102 = arith.constant 0 : i32
    %dma_start3A_103 = arith.constant 0 : i32
    %dma_start3A_104 = tpu.memref_slice %arg3[%dma_start3A_102, %dma_start3A_103] : memref<8192x768xf32, #tpu.memory_space<hbm>> -> memref<8192x768xf32, #tpu.memory_space<hbm>>
    %dma_start3A_105 = tpu.memref_slice %arg10[%dma_start3A_95] : memref<4x!tpu.dma_semaphore, #tpu.memory_space<semaphore_mem>> -> memref<1x!tpu.dma_semaphore, #tpu.memory_space<semaphore_mem>>
    %dma_start3A_106 = tpu.memref_squeeze %dma_start3A_105 : memref<1x!tpu.dma_semaphore, #tpu.memory_space<semaphore_mem>> -> memref<!tpu.dma_semaphore, #tpu.memory_space<semaphore_mem>>
    tpu.enqueue_indirect_dma source(%dma_start3A_104 : memref<8192x768xf32, #tpu.memory_space<hbm>>) target(%dma_start3A_99 : memref<8x768xf32, #tpu.memory_space<vmem>>) offsets(%dma_start3A_101 : memref<8xi32, #tpu.memory_space<vmem>>) semaphore(%dma_start3A_106 : memref<!tpu.dma_semaphore, #tpu.memory_space<semaphore_mem>>)
    %add3A_107 = arith.constant 0 : i32
    %add3A_108 = arith.addi %mul3A_2, %add3A_107 : i32
    %dma_wait3A = arith.constant 0 : i32
    %dma_wait3A_109 = arith.constant 0 : i32
    %dma_wait3A_110 = arith.constant 0 : i32
    %dma_wait3A_111 = arith.constant 0 : i32
    %dma_wait3A_112 = arith.constant 0 : i32
    %dma_wait3A_113 = tpu.memref_slice %arg7[%dma_wait3A, %dma_wait3A_110, %dma_wait3A_111, %dma_wait3A_112] : memref<4x4x8x768xf32, #tpu.memory_space<vmem>> -> memref<1x4x8x768xf32, #tpu.memory_space<vmem>>
    %dma_wait3A_114 = tpu.memref_squeeze %dma_wait3A_113 : memref<1x4x8x768xf32, #tpu.memory_space<vmem>> -> memref<4x8x768xf32, #tpu.memory_space<vmem>>
    %dma_wait3A_115 = arith.constant 0 : i32
    %dma_wait3A_116 = arith.constant 0 : i32
    %dma_wait3A_117 = tpu.memref_slice %arg2[%dma_wait3A_115, %add3A_108, %dma_wait3A_116] : memref<4x8192x768xf32, #tpu.memory_space<hbm>> -> memref<4x8x768xf32, #tpu.memory_space<hbm>>
    %dma_wait3A_118 = tpu.memref_slice %arg9[%dma_wait3A_109] : memref<4x!tpu.dma_semaphore, #tpu.memory_space<semaphore_mem>> -> memref<1x!tpu.dma_semaphore, #tpu.memory_space<semaphore_mem>>
    %dma_wait3A_119 = tpu.memref_squeeze %dma_wait3A_118 : memref<1x!tpu.dma_semaphore, #tpu.memory_space<semaphore_mem>> -> memref<!tpu.dma_semaphore, #tpu.memory_space<semaphore_mem>>
    %dma_wait3A_120 = arith.constant 0 : i32
    %dma_wait3A_121 = arith.constant 0 : i32
    %dma_wait3A_122 = arith.constant 0 : i32
    %dma_wait3A_123 = tpu.memref_slice %arg7[%dma_wait3A, %dma_wait3A_120, %dma_wait3A_121, %dma_wait3A_122] : memref<4x4x8x768xf32, #tpu.memory_space<vmem>> -> memref<1x4x8x768xf32, #tpu.memory_space<vmem>>
    %dma_wait3A_124 = tpu.memref_squeeze %dma_wait3A_123 : memref<1x4x8x768xf32, #tpu.memory_space<vmem>> -> memref<4x8x768xf32, #tpu.memory_space<vmem>>
    %dma_wait3A_125 = arith.constant 0 : i32
    %dma_wait3A_126 = arith.constant 0 : i32
    %dma_wait3A_127 = tpu.memref_slice %arg2[%dma_wait3A_125, %add3A_108, %dma_wait3A_126] : memref<4x8192x768xf32, #tpu.memory_space<hbm>> -> memref<4x8x768xf32, #tpu.memory_space<hbm>>
    tpu.wait_dma2 semaphore(%dma_wait3A_119 : memref<!tpu.dma_semaphore, #tpu.memory_space<semaphore_mem>>) src(%dma_wait3A_127 : memref<4x8x768xf32, #tpu.memory_space<hbm>>) dst(%dma_wait3A_124 : memref<4x8x768xf32, #tpu.memory_space<vmem>>)
    %dma_wait3A_128 = arith.constant 0 : i32
    %dma_wait3A_129 = arith.constant 0 : i32
    %dma_wait3A_130 = arith.constant 0 : i32
    %dma_wait3A_131 = arith.constant 0 : i32
    %dma_wait3A_132 = tpu.memref_slice %arg8[%dma_wait3A_128, %dma_wait3A_130, %dma_wait3A_131] : memref<4x8x768xf32, #tpu.memory_space<vmem>> -> memref<1x8x768xf32, #tpu.memory_space<vmem>>
    %dma_wait3A_133 = tpu.memref_squeeze %dma_wait3A_132 : memref<1x8x768xf32, #tpu.memory_space<vmem>> -> memref<8x768xf32, #tpu.memory_space<vmem>>
    %dma_wait3A_134 = arith.constant 0 : i32
    %dma_wait3A_135 = tpu.memref_slice %arg6[%dma_wait3A_134] : memref<256xi32, #tpu.memory_space<vmem>> -> memref<8xi32, #tpu.memory_space<vmem>>
    %dma_wait3A_136 = arith.constant 0 : i32
    %dma_wait3A_137 = arith.constant 0 : i32
    %dma_wait3A_138 = tpu.memref_slice %arg3[%dma_wait3A_136, %dma_wait3A_137] : memref<8192x768xf32, #tpu.memory_space<hbm>> -> memref<8192x768xf32, #tpu.memory_space<hbm>>
    %dma_wait3A_139 = tpu.memref_slice %arg10[%dma_wait3A_129] : memref<4x!tpu.dma_semaphore, #tpu.memory_space<semaphore_mem>> -> memref<1x!tpu.dma_semaphore, #tpu.memory_space<semaphore_mem>>
    %dma_wait3A_140 = tpu.memref_squeeze %dma_wait3A_139 : memref<1x!tpu.dma_semaphore, #tpu.memory_space<semaphore_mem>> -> memref<!tpu.dma_semaphore, #tpu.memory_space<semaphore_mem>>
    tpu.wait_indirect_dma semaphore(%dma_wait3A_140 : memref<!tpu.dma_semaphore, #tpu.memory_space<semaphore_mem>>) src(%dma_wait3A_138 : memref<8192x768xf32, #tpu.memory_space<hbm>>) dst(%dma_wait3A_133 : memref<8x768xf32, #tpu.memory_space<vmem>>)
    %parallel_loop3A = arith.constant 0 : i32
    %parallel_loop3A_141 = arith.constant 8 : i32
    %parallel_loop3A_142 = arith.constant 1 : i32
    scf.for %parallel_loop3A_474 = %parallel_loop3A to %parallel_loop3A_141 step %parallel_loop3A_142  : i32 {
      %parallel_loop3A_475 = arith.constant 0 : i32
      %parallel_loop3A_476 = arith.constant 48 : i32
      %parallel_loop3A_477 = arith.constant 1 : i32
      scf.for %parallel_loop3A_478 = %parallel_loop3A_475 to %parallel_loop3A_476 step %parallel_loop3A_477  : i32 {
        %parallel_loop3A_479 = arith.constant 16 : i32
        %parallel_loop3A_480 = arith.muli %parallel_loop3A_478, %parallel_loop3A_479 : i32
        %parallel_loop3A_481 = arith.constant 0 : i32
        %parallel_loop3A_482 = arith.index_cast %parallel_loop3A_481 : i32 to index
        %parallel_loop3A_483 = arith.index_cast %parallel_loop3A_474 : i32 to index
        %parallel_loop3A_484 = arith.index_cast %parallel_loop3A_480 : i32 to index
        %parallel_loop3A_485 = tpu.vector_load %arg8[%parallel_loop3A_482, %parallel_loop3A_483, %parallel_loop3A_484] {strides = array<i32>} : memref<4x8x768xf32, #tpu.memory_space<vmem>>, vector<1x1x16xf32>,
        %parallel_loop3A_486 = vector.shape_cast %parallel_loop3A_485 : vector<1x1x16xf32> to vector<16xf32>
        %parallel_loop3A_487 = arith.constant 16 : i32
        %parallel_loop3A_488 = arith.muli %parallel_loop3A_478, %parallel_loop3A_487 : i32
        %parallel_loop3A_489 = arith.constant 0 : i32
        %parallel_loop3A_490 = arith.constant 0 : i32
        %parallel_loop3A_491 = arith.index_cast %parallel_loop3A_489 : i32 to index
        %parallel_loop3A_492 = arith.index_cast %parallel_loop3A_490 : i32 to index
        %parallel_loop3A_493 = arith.index_cast %parallel_loop3A_474 : i32 to index
        %parallel_loop3A_494 = arith.index_cast %parallel_loop3A_488 : i32 to index
        %parallel_loop3A_495 = tpu.vector_load %arg7[%parallel_loop3A_491, %parallel_loop3A_492, %parallel_loop3A_493, %parallel_loop3A_494] {strides = array<i32>} : memref<4x4x8x768xf32, #tpu.memory_space<vmem>>, vector<1x1x1x16xf32>,
        %parallel_loop3A_496 = vector.shape_cast %parallel_loop3A_495 : vector<1x1x1x16xf32> to vector<16xf32>
        %parallel_loop3A_497 = vector.shape_cast %parallel_loop3A_486 : vector<16xf32> to vector<1x1x1x16xf32>
        tpu.vector_store %arg7[%parallel_loop3A_491, %parallel_loop3A_492, %parallel_loop3A_493, %parallel_loop3A_494], %parallel_loop3A_497 {add = true, strides = array<i32>} : memref<4x4x8x768xf32, #tpu.memory_space<vmem>>, vector<1x1x1x16xf32>,
        %parallel_loop3A_498 = arith.constant 16 : i32
        %parallel_loop3A_499 = arith.muli %parallel_loop3A_478, %parallel_loop3A_498 : i32
        %parallel_loop3A_500 = arith.constant 0 : i32
        %parallel_loop3A_501 = arith.constant 1 : i32
        %parallel_loop3A_502 = arith.index_cast %parallel_loop3A_500 : i32 to index
        %parallel_loop3A_503 = arith.index_cast %parallel_loop3A_501 : i32 to index
        %parallel_loop3A_504 = arith.index_cast %parallel_loop3A_474 : i32 to index
        %parallel_loop3A_505 = arith.index_cast %parallel_loop3A_499 : i32 to index
        %parallel_loop3A_506 = tpu.vector_load %arg7[%parallel_loop3A_502, %parallel_loop3A_503, %parallel_loop3A_504, %parallel_loop3A_505] {strides = array<i32>} : memref<4x4x8x768xf32, #tpu.memory_space<vmem>>, vector<1x1x1x16xf32>,
        %parallel_loop3A_507 = vector.shape_cast %parallel_loop3A_506 : vector<1x1x1x16xf32> to vector<16xf32>
        %parallel_loop3A_508 = vector.shape_cast %parallel_loop3A_486 : vector<16xf32> to vector<1x1x1x16xf32>
        tpu.vector_store %arg7[%parallel_loop3A_502, %parallel_loop3A_503, %parallel_loop3A_504, %parallel_loop3A_505], %parallel_loop3A_508 {add = true, strides = array<i32>} : memref<4x4x8x768xf32, #tpu.memory_space<vmem>>, vector<1x1x1x16xf32>,
        %parallel_loop3A_509 = arith.constant 16 : i32
        %parallel_loop3A_510 = arith.muli %parallel_loop3A_478, %parallel_loop3A_509 : i32
        %parallel_loop3A_511 = arith.constant 0 : i32
        %parallel_loop3A_512 = arith.constant 2 : i32
        %parallel_loop3A_513 = arith.index_cast %parallel_loop3A_511 : i32 to index
        %parallel_loop3A_514 = arith.index_cast %parallel_loop3A_512 : i32 to index
        %parallel_loop3A_515 = arith.index_cast %parallel_loop3A_474 : i32 to index
        %parallel_loop3A_516 = arith.index_cast %parallel_loop3A_510 : i32 to index
        %parallel_loop3A_517 = tpu.vector_load %arg7[%parallel_loop3A_513, %parallel_loop3A_514, %parallel_loop3A_515, %parallel_loop3A_516] {strides = array<i32>} : memref<4x4x8x768xf32, #tpu.memory_space<vmem>>, vector<1x1x1x16xf32>,
        %parallel_loop3A_518 = vector.shape_cast %parallel_loop3A_517 : vector<1x1x1x16xf32> to vector<16xf32>
        %parallel_loop3A_519 = vector.shape_cast %parallel_loop3A_486 : vector<16xf32> to vector<1x1x1x16xf32>
        tpu.vector_store %arg7[%parallel_loop3A_513, %parallel_loop3A_514, %parallel_loop3A_515, %parallel_loop3A_516], %parallel_loop3A_519 {add = true, strides = array<i32>} : memref<4x4x8x768xf32, #tpu.memory_space<vmem>>, vector<1x1x1x16xf32>,
        %parallel_loop3A_520 = arith.constant 16 : i32
        %parallel_loop3A_521 = arith.muli %parallel_loop3A_478, %parallel_loop3A_520 : i32
        %parallel_loop3A_522 = arith.constant 0 : i32
        %parallel_loop3A_523 = arith.constant 3 : i32
        %parallel_loop3A_524 = arith.index_cast %parallel_loop3A_522 : i32 to index
        %parallel_loop3A_525 = arith.index_cast %parallel_loop3A_523 : i32 to index
        %parallel_loop3A_526 = arith.index_cast %parallel_loop3A_474 : i32 to index
        %parallel_loop3A_527 = arith.index_cast %parallel_loop3A_521 : i32 to index
        %parallel_loop3A_528 = tpu.vector_load %arg7[%parallel_loop3A_524, %parallel_loop3A_525, %parallel_loop3A_526, %parallel_loop3A_527] {strides = array<i32>} : memref<4x4x8x768xf32, #tpu.memory_space<vmem>>, vector<1x1x1x16xf32>,
        %parallel_loop3A_529 = vector.shape_cast %parallel_loop3A_528 : vector<1x1x1x16xf32> to vector<16xf32>
        %parallel_loop3A_530 = vector.shape_cast %parallel_loop3A_486 : vector<16xf32> to vector<1x1x1x16xf32>
        tpu.vector_store %arg7[%parallel_loop3A_524, %parallel_loop3A_525, %parallel_loop3A_526, %parallel_loop3A_527], %parallel_loop3A_530 {add = true, strides = array<i32>} : memref<4x4x8x768xf32, #tpu.memory_space<vmem>>, vector<1x1x1x16xf32>,
      } {sc.loop_unroll_factor = 4 : i64, sc.parallel_access}
    } {sc.loop_unroll_factor = 1 : i64, sc.parallel_access}
    %add3A_143 = arith.constant 0 : i32
    %add3A_144 = arith.addi %mul3A_2, %add3A_143 : i32
    %dma_start3A_145 = arith.constant 0 : i32
    %dma_start3A_146 = arith.constant 0 : i32
    %dma_start3A_147 = arith.constant 0 : i32
    %dma_start3A_148 = arith.constant 0 : i32
    %dma_start3A_149 = arith.constant 0 : i32
    %dma_start3A_150 = tpu.memref_slice %arg7[%dma_start3A_145, %dma_start3A_147, %dma_start3A_148, %dma_start3A_149] : memref<4x4x8x768xf32, #tpu.memory_space<vmem>> -> memref<1x4x8x768xf32, #tpu.memory_space<vmem>>
    %dma_start3A_151 = tpu.memref_squeeze %dma_start3A_150 : memref<1x4x8x768xf32, #tpu.memory_space<vmem>> -> memref<4x8x768xf32, #tpu.memory_space<vmem>>
    %dma_start3A_152 = arith.constant 0 : i32
    %dma_start3A_153 = arith.constant 0 : i32
    %dma_start3A_154 = tpu.memref_slice %arg5[%dma_start3A_152, %add3A_144, %dma_start3A_153] : memref<4x8192x768xf32, #tpu.memory_space<hbm>> -> memref<4x8x768xf32, #tpu.memory_space<hbm>>
    %dma_start3A_155 = tpu.memref_slice %arg11[%dma_start3A_146] : memref<4x!tpu.dma_semaphore, #tpu.memory_space<semaphore_mem>> -> memref<1x!tpu.dma_semaphore, #tpu.memory_space<semaphore_mem>>
    %dma_start3A_156 = tpu.memref_squeeze %dma_start3A_155 : memref<1x!tpu.dma_semaphore, #tpu.memory_space<semaphore_mem>> -> memref<!tpu.dma_semaphore, #tpu.memory_space<semaphore_mem>>
    %dma_start3A_157 = arith.constant 0 : i32
    %dma_start3A_158 = arith.constant 0 : i32
    %dma_start3A_159 = tpu.memref_slice %arg5[%dma_start3A_157, %add3A_144, %dma_start3A_158] : memref<4x8192x768xf32, #tpu.memory_space<hbm>> -> memref<4x8x768xf32, #tpu.memory_space<hbm>>
    %dma_start3A_160 = arith.constant 0 : i32
    %dma_start3A_161 = arith.constant 0 : i32
    %dma_start3A_162 = arith.constant 0 : i32
    %dma_start3A_163 = tpu.memref_slice %arg7[%dma_start3A_145, %dma_start3A_160, %dma_start3A_161, %dma_start3A_162] : memref<4x4x8x768xf32, #tpu.memory_space<vmem>> -> memref<1x4x8x768xf32, #tpu.memory_space<vmem>>
    %dma_start3A_164 = tpu.memref_squeeze %dma_start3A_163 : memref<1x4x8x768xf32, #tpu.memory_space<vmem>> -> memref<4x8x768xf32, #tpu.memory_space<vmem>>
    tpu.enqueue_dma source(%dma_start3A_164 : memref<4x8x768xf32, #tpu.memory_space<vmem>>) target(%dma_start3A_159 : memref<4x8x768xf32, #tpu.memory_space<hbm>>) target_semaphore(%dma_start3A_156 : memref<!tpu.dma_semaphore, #tpu.memory_space<semaphore_mem>>)
    %add3A_165 = arith.constant 24 : i32
    %add3A_166 = arith.addi %mul3A_2, %add3A_165 : i32
    %dma_start3A_167 = arith.constant 3 : i32
    %dma_start3A_168 = arith.constant 3 : i32
    %dma_start3A_169 = arith.constant 0 : i32
    %dma_start3A_170 = arith.constant 0 : i32
    %dma_start3A_171 = arith.constant 0 : i32
    %dma_start3A_172 = tpu.memref_slice %arg7[%dma_start3A_167, %dma_start3A_169, %dma_start3A_170, %dma_start3A_171] : memref<4x4x8x768xf32, #tpu.memory_space<vmem>> -> memref<1x4x8x768xf32, #tpu.memory_space<vmem>>
    %dma_start3A_173 = tpu.memref_squeeze %dma_start3A_172 : memref<1x4x8x768xf32, #tpu.memory_space<vmem>> -> memref<4x8x768xf32, #tpu.memory_space<vmem>>
    %dma_start3A_174 = arith.constant 0 : i32
    %dma_start3A_175 = arith.constant 0 : i32
    %dma_start3A_176 = tpu.memref_slice %arg2[%dma_start3A_174, %add3A_166, %dma_start3A_175] : memref<4x8192x768xf32, #tpu.memory_space<hbm>> -> memref<4x8x768xf32, #tpu.memory_space<hbm>>
    %dma_start3A_177 = tpu.memref_slice %arg9[%dma_start3A_168] : memref<4x!tpu.dma_semaphore, #tpu.memory_space<semaphore_mem>> -> memref<1x!tpu.dma_semaphore, #tpu.memory_space<semaphore_mem>>
    %dma_start3A_178 = tpu.memref_squeeze %dma_start3A_177 : memref<1x!tpu.dma_semaphore, #tpu.memory_space<semaphore_mem>> -> memref<!tpu.dma_semaphore, #tpu.memory_space<semaphore_mem>>
    %dma_start3A_179 = arith.constant 0 : i32
    %dma_start3A_180 = arith.constant 0 : i32
    %dma_start3A_181 = arith.constant 0 : i32
    %dma_start3A_182 = tpu.memref_slice %arg7[%dma_start3A_167, %dma_start3A_179, %dma_start3A_180, %dma_start3A_181] : memref<4x4x8x768xf32, #tpu.memory_space<vmem>> -> memref<1x4x8x768xf32, #tpu.memory_space<vmem>>
    %dma_start3A_183 = tpu.memref_squeeze %dma_start3A_182 : memref<1x4x8x768xf32, #tpu.memory_space<vmem>> -> memref<4x8x768xf32, #tpu.memory_space<vmem>>
    %dma_start3A_184 = arith.constant 0 : i32
    %dma_start3A_185 = arith.constant 0 : i32
    %dma_start3A_186 = tpu.memref_slice %arg2[%dma_start3A_184, %add3A_166, %dma_start3A_185] : memref<4x8192x768xf32, #tpu.memory_space<hbm>> -> memref<4x8x768xf32, #tpu.memory_space<hbm>>
    tpu.enqueue_dma source(%dma_start3A_186 : memref<4x8x768xf32, #tpu.memory_space<hbm>>) target(%dma_start3A_183 : memref<4x8x768xf32, #tpu.memory_space<vmem>>) target_semaphore(%dma_start3A_178 : memref<!tpu.dma_semaphore, #tpu.memory_space<semaphore_mem>>)
    %dma_start3A_187 = arith.constant 3 : i32
    %dma_start3A_188 = arith.constant 3 : i32
    %dma_start3A_189 = arith.constant 0 : i32
    %dma_start3A_190 = arith.constant 0 : i32
    %dma_start3A_191 = tpu.memref_slice %arg8[%dma_start3A_187, %dma_start3A_189, %dma_start3A_190] : memref<4x8x768xf32, #tpu.memory_space<vmem>> -> memref<1x8x768xf32, #tpu.memory_space<vmem>>
    %dma_start3A_192 = tpu.memref_squeeze %dma_start3A_191 : memref<1x8x768xf32, #tpu.memory_space<vmem>> -> memref<8x768xf32, #tpu.memory_space<vmem>>
    %dma_start3A_193 = arith.constant 24 : i32
    %dma_start3A_194 = tpu.memref_slice %arg6[%dma_start3A_193] : memref<256xi32, #tpu.memory_space<vmem>> -> memref<8xi32, #tpu.memory_space<vmem>>
    %dma_start3A_195 = arith.constant 0 : i32
    %dma_start3A_196 = arith.constant 0 : i32
    %dma_start3A_197 = tpu.memref_slice %arg3[%dma_start3A_195, %dma_start3A_196] : memref<8192x768xf32, #tpu.memory_space<hbm>> -> memref<8192x768xf32, #tpu.memory_space<hbm>>
    %dma_start3A_198 = tpu.memref_slice %arg10[%dma_start3A_188] : memref<4x!tpu.dma_semaphore, #tpu.memory_space<semaphore_mem>> -> memref<1x!tpu.dma_semaphore, #tpu.memory_space<semaphore_mem>>
    %dma_start3A_199 = tpu.memref_squeeze %dma_start3A_198 : memref<1x!tpu.dma_semaphore, #tpu.memory_space<semaphore_mem>> -> memref<!tpu.dma_semaphore, #tpu.memory_space<semaphore_mem>>
    tpu.enqueue_indirect_dma source(%dma_start3A_197 : memref<8192x768xf32, #tpu.memory_space<hbm>>) target(%dma_start3A_192 : memref<8x768xf32, #tpu.memory_space<vmem>>) offsets(%dma_start3A_194 : memref<8xi32, #tpu.memory_space<vmem>>) semaphore(%dma_start3A_199 : memref<!tpu.dma_semaphore, #tpu.memory_space<semaphore_mem>>)
    %scan3A = arith.constant 0 : i32
    %scan3A_200 = arith.constant 0 : i32
    %scan3A_201 = arith.constant 7 : i32
    %scan3A_202 = arith.addi %scan3A_200, %scan3A_201 : i32
    %scan3A_203 = arith.constant 1 : i32
    %scan3A_204 = scf.for %scan3A_474 = %scan3A_200 to %scan3A_202 step %scan3A_203 iter_args(%scan3A_475 = %scan3A) -> (i32)  : i32 {
      %mul3A_476 = arith.constant 4 : i32
      %mul3A_477 = arith.muli %mul3A_476, %scan3A_474 : i32
      %add3A_478 = arith.constant 1 : i32
      %add3A_479 = arith.addi %add3A_478, %mul3A_477 : i32
      %add3A_480 = arith.constant 0 : i32
      %add3A_481 = arith.addi %add3A_479, %add3A_480 : i32
      %jit3A = arith.constant 4 : i32
      %eq3A = arith.constant 0 : i32
      %eq3A_482 = arith.cmpi eq, %jit3A, %eq3A : i32
      %jit3A_483 = arith.constant 1 : i32
      %select_n3A = arith.select %eq3A_482, %jit3A_483, %jit3A : i32
      %rem3A = arith.remsi %add3A_481, %select_n3A : i32
      %ne3A = arith.constant 0 : i32
      %ne3A_484 = arith.cmpi ne, %rem3A, %ne3A : i32
      %lt3A = arith.constant 0 : i32
      %lt3A_485 = arith.cmpi slt, %rem3A, %lt3A : i32
      %lt3A_486 = arith.constant 0 : i32
      %lt3A_487 = arith.cmpi slt, %select_n3A, %lt3A_486 : i32
      %ne3A_488 = arith.xori %lt3A_485, %lt3A_487 : i1
      %and3A = arith.andi %ne3A_488, %ne3A_484 : i1
      %add3A_489 = arith.addi %rem3A, %select_n3A : i32
      %select_n3A_490 = arith.select %and3A, %add3A_489, %rem3A : i32
      %mul3A_491 = arith.constant 8 : i32
      %mul3A_492 = arith.muli %add3A_481, %mul3A_491 : i32
      %add3A_493 = arith.addi %mul3A_2, %mul3A_492 : i32
      %dma_wait3A_494 = arith.constant 0 : i32
      %dma_wait3A_495 = arith.constant 0 : i32
      %dma_wait3A_496 = arith.constant 0 : i32
      %dma_wait3A_497 = tpu.memref_slice %arg7[%select_n3A_490, %dma_wait3A_494, %dma_wait3A_495, %dma_wait3A_496] : memref<4x4x8x768xf32, #tpu.memory_space<vmem>> -> memref<1x4x8x768xf32, #tpu.memory_space<vmem>>
      %dma_wait3A_498 = tpu.memref_squeeze %dma_wait3A_497 : memref<1x4x8x768xf32, #tpu.memory_space<vmem>> -> memref<4x8x768xf32, #tpu.memory_space<vmem>>
      %dma_wait3A_499 = arith.constant 0 : i32
      %dma_wait3A_500 = arith.constant 0 : i32
      %dma_wait3A_501 = tpu.memref_slice %arg2[%dma_wait3A_499, %add3A_493, %dma_wait3A_500] : memref<4x8192x768xf32, #tpu.memory_space<hbm>> -> memref<4x8x768xf32, #tpu.memory_space<hbm>>
      %dma_wait3A_502 = tpu.memref_slice %arg9[%select_n3A_490] : memref<4x!tpu.dma_semaphore, #tpu.memory_space<semaphore_mem>> -> memref<1x!tpu.dma_semaphore, #tpu.memory_space<semaphore_mem>>
      %dma_wait3A_503 = tpu.memref_squeeze %dma_wait3A_502 : memref<1x!tpu.dma_semaphore, #tpu.memory_space<semaphore_mem>> -> memref<!tpu.dma_semaphore, #tpu.memory_space<semaphore_mem>>
      %dma_wait3A_504 = arith.constant 0 : i32
      %dma_wait3A_505 = arith.constant 0 : i32
      %dma_wait3A_506 = arith.constant 0 : i32
      %dma_wait3A_507 = tpu.memref_slice %arg7[%select_n3A_490, %dma_wait3A_504, %dma_wait3A_505, %dma_wait3A_506] : memref<4x4x8x768xf32, #tpu.memory_space<vmem>> -> memref<1x4x8x768xf32, #tpu.memory_space<vmem>>
      %dma_wait3A_508 = tpu.memref_squeeze %dma_wait3A_507 : memref<1x4x8x768xf32, #tpu.memory_space<vmem>> -> memref<4x8x768xf32, #tpu.memory_space<vmem>>
      %dma_wait3A_509 = arith.constant 0 : i32
      %dma_wait3A_510 = arith.constant 0 : i32
      %dma_wait3A_511 = tpu.memref_slice %arg2[%dma_wait3A_509, %add3A_493, %dma_wait3A_510] : memref<4x8192x768xf32, #tpu.memory_space<hbm>> -> memref<4x8x768xf32, #tpu.memory_space<hbm>>
      tpu.wait_dma2 semaphore(%dma_wait3A_503 : memref<!tpu.dma_semaphore, #tpu.memory_space<semaphore_mem>>) src(%dma_wait3A_511 : memref<4x8x768xf32, #tpu.memory_space<hbm>>) dst(%dma_wait3A_508 : memref<4x8x768xf32, #tpu.memory_space<vmem>>)
      %mul3A_512 = arith.constant 8 : i32
      %mul3A_513 = arith.muli %add3A_481, %mul3A_512 : i32
      %dma_wait3A_514 = arith.constant 0 : i32
      %dma_wait3A_515 = arith.constant 0 : i32
      %dma_wait3A_516 = tpu.memref_slice %arg8[%select_n3A_490, %dma_wait3A_514, %dma_wait3A_515] : memref<4x8x768xf32, #tpu.memory_space<vmem>> -> memref<1x8x768xf32, #tpu.memory_space<vmem>>
      %dma_wait3A_517 = tpu.memref_squeeze %dma_wait3A_516 : memref<1x8x768xf32, #tpu.memory_space<vmem>> -> memref<8x768xf32, #tpu.memory_space<vmem>>
      %dma_wait3A_518 = tpu.memref_slice %arg6[%mul3A_513] : memref<256xi32, #tpu.memory_space<vmem>> -> memref<8xi32, #tpu.memory_space<vmem>>
      %dma_wait3A_519 = arith.constant 0 : i32
      %dma_wait3A_520 = arith.constant 0 : i32
      %dma_wait3A_521 = tpu.memref_slice %arg3[%dma_wait3A_519, %dma_wait3A_520] : memref<8192x768xf32, #tpu.memory_space<hbm>> -> memref<8192x768xf32, #tpu.memory_space<hbm>>
      %dma_wait3A_522 = tpu.memref_slice %arg10[%select_n3A_490] : memref<4x!tpu.dma_semaphore, #tpu.memory_space<semaphore_mem>> -> memref<1x!tpu.dma_semaphore, #tpu.memory_space<semaphore_mem>>
      %dma_wait3A_523 = tpu.memref_squeeze %dma_wait3A_522 : memref<1x!tpu.dma_semaphore, #tpu.memory_space<semaphore_mem>> -> memref<!tpu.dma_semaphore, #tpu.memory_space<semaphore_mem>>
      tpu.wait_indirect_dma semaphore(%dma_wait3A_523 : memref<!tpu.dma_semaphore, #tpu.memory_space<semaphore_mem>>) src(%dma_wait3A_521 : memref<8192x768xf32, #tpu.memory_space<hbm>>) dst(%dma_wait3A_517 : memref<8x768xf32, #tpu.memory_space<vmem>>)
      %jit3A_524 = arith.constant 4 : i32
      %eq3A_525 = arith.constant 0 : i32
      %eq3A_526 = arith.cmpi eq, %jit3A_524, %eq3A_525 : i32
      %jit3A_527 = arith.constant 1 : i32
      %select_n3A_528 = arith.select %eq3A_526, %jit3A_527, %jit3A_524 : i32
      %rem3A_529 = arith.remsi %add3A_481, %select_n3A_528 : i32
      %ne3A_530 = arith.constant 0 : i32
      %ne3A_531 = arith.cmpi ne, %rem3A_529, %ne3A_530 : i32
      %lt3A_532 = arith.constant 0 : i32
      %lt3A_533 = arith.cmpi slt, %rem3A_529, %lt3A_532 : i32
      %lt3A_534 = arith.constant 0 : i32
      %lt3A_535 = arith.cmpi slt, %select_n3A_528, %lt3A_534 : i32
      %ne3A_536 = arith.xori %lt3A_533, %lt3A_535 : i1
      %and3A_537 = arith.andi %ne3A_536, %ne3A_531 : i1
      %add3A_538 = arith.addi %rem3A_529, %select_n3A_528 : i32
      %select_n3A_539 = arith.select %and3A_537, %add3A_538, %rem3A_529 : i32
      %parallel_loop3A_540 = arith.constant 0 : i32
      %parallel_loop3A_541 = arith.constant 8 : i32
      %parallel_loop3A_542 = arith.constant 1 : i32
      scf.for %parallel_loop3A_1281 = %parallel_loop3A_540 to %parallel_loop3A_541 step %parallel_loop3A_542  : i32 {
        %parallel_loop3A_1282 = arith.constant 0 : i32
        %parallel_loop3A_1283 = arith.constant 48 : i32
        %parallel_loop3A_1284 = arith.constant 1 : i32
        scf.for %parallel_loop3A_1285 = %parallel_loop3A_1282 to %parallel_loop3A_1283 step %parallel_loop3A_1284  : i32 {
          %parallel_loop3A_1286 = arith.constant 16 : i32
          %parallel_loop3A_1287 = arith.muli %parallel_loop3A_1285, %parallel_loop3A_1286 : i32
          %parallel_loop3A_1288 = arith.index_cast %select_n3A_539 : i32 to index
          %parallel_loop3A_1289 = arith.index_cast %parallel_loop3A_1281 : i32 to index
          %parallel_loop3A_1290 = arith.index_cast %parallel_loop3A_1287 : i32 to index
          %parallel_loop3A_1291 = tpu.vector_load %arg8[%parallel_loop3A_1288, %parallel_loop3A_1289, %parallel_loop3A_1290] {strides = array<i32>} : memref<4x8x768xf32, #tpu.memory_space<vmem>>, vector<1x1x16xf32>,
          %parallel_loop3A_1292 = vector.shape_cast %parallel_loop3A_1291 : vector<1x1x16xf32> to vector<16xf32>
          %parallel_loop3A_1293 = arith.constant 16 : i32
          %parallel_loop3A_1294 = arith.muli %parallel_loop3A_1285, %parallel_loop3A_1293 : i32
          %parallel_loop3A_1295 = arith.constant 0 : i32
          %parallel_loop3A_1296 = arith.index_cast %select_n3A_539 : i32 to index
          %parallel_loop3A_1297 = arith.index_cast %parallel_loop3A_1295 : i32 to index
          %parallel_loop3A_1298 = arith.index_cast %parallel_loop3A_1281 : i32 to index
          %parallel_loop3A_1299 = arith.index_cast %parallel_loop3A_1294 : i32 to index
          %parallel_loop3A_1300 = tpu.vector_load %arg7[%parallel_loop3A_1296, %parallel_loop3A_1297, %parallel_loop3A_1298, %parallel_loop3A_1299] {strides = array<i32>} : memref<4x4x8x768xf32, #tpu.memory_space<vmem>>, vector<1x1x1x16xf32>,
          %parallel_loop3A_1301 = vector.shape_cast %parallel_loop3A_1300 : vector<1x1x1x16xf32> to vector<16xf32>
          %parallel_loop3A_1302 = vector.shape_cast %parallel_loop3A_1292 : vector<16xf32> to vector<1x1x1x16xf32>
          tpu.vector_store %arg7[%parallel_loop3A_1296, %parallel_loop3A_1297, %parallel_loop3A_1298, %parallel_loop3A_1299], %parallel_loop3A_1302 {add = true, strides = array<i32>} : memref<4x4x8x768xf32, #tpu.memory_space<vmem>>, vector<1x1x1x16xf32>,
          %parallel_loop3A_1303 = arith.constant 16 : i32
          %parallel_loop3A_1304 = arith.muli %parallel_loop3A_1285, %parallel_loop3A_1303 : i32
          %parallel_loop3A_1305 = arith.constant 1 : i32
          %parallel_loop3A_1306 = arith.index_cast %select_n3A_539 : i32 to index
          %parallel_loop3A_1307 = arith.index_cast %parallel_loop3A_1305 : i32 to index
          %parallel_loop3A_1308 = arith.index_cast %parallel_loop3A_1281 : i32 to index
          %parallel_loop3A_1309 = arith.index_cast %parallel_loop3A_1304 : i32 to index
          %parallel_loop3A_1310 = tpu.vector_load %arg7[%parallel_loop3A_1306, %parallel_loop3A_1307, %parallel_loop3A_1308, %parallel_loop3A_1309] {strides = array<i32>} : memref<4x4x8x768xf32, #tpu.memory_space<vmem>>, vector<1x1x1x16xf32>,
          %parallel_loop3A_1311 = vector.shape_cast %parallel_loop3A_1310 : vector<1x1x1x16xf32> to vector<16xf32>
          %parallel_loop3A_1312 = vector.shape_cast %parallel_loop3A_1292 : vector<16xf32> to vector<1x1x1x16xf32>
          tpu.vector_store %arg7[%parallel_loop3A_1306, %parallel_loop3A_1307, %parallel_loop3A_1308, %parallel_loop3A_1309], %parallel_loop3A_1312 {add = true, strides = array<i32>} : memref<4x4x8x768xf32, #tpu.memory_space<vmem>>, vector<1x1x1x16xf32>,
          %parallel_loop3A_1313 = arith.constant 16 : i32
          %parallel_loop3A_1314 = arith.muli %parallel_loop3A_1285, %parallel_loop3A_1313 : i32
          %parallel_loop3A_1315 = arith.constant 2 : i32
          %parallel_loop3A_1316 = arith.index_cast %select_n3A_539 : i32 to index
          %parallel_loop3A_1317 = arith.index_cast %parallel_loop3A_1315 : i32 to index
          %parallel_loop3A_1318 = arith.index_cast %parallel_loop3A_1281 : i32 to index
          %parallel_loop3A_1319 = arith.index_cast %parallel_loop3A_1314 : i32 to index
          %parallel_loop3A_1320 = tpu.vector_load %arg7[%parallel_loop3A_1316, %parallel_loop3A_1317, %parallel_loop3A_1318, %parallel_loop3A_1319] {strides = array<i32>} : memref<4x4x8x768xf32, #tpu.memory_space<vmem>>, vector<1x1x1x16xf32>,
          %parallel_loop3A_1321 = vector.shape_cast %parallel_loop3A_1320 : vector<1x1x1x16xf32> to vector<16xf32>
          %parallel_loop3A_1322 = vector.shape_cast %parallel_loop3A_1292 : vector<16xf32> to vector<1x1x1x16xf32>
          tpu.vector_store %arg7[%parallel_loop3A_1316, %parallel_loop3A_1317, %parallel_loop3A_1318, %parallel_loop3A_1319], %parallel_loop3A_1322 {add = true, strides = array<i32>} : memref<4x4x8x768xf32, #tpu.memory_space<vmem>>, vector<1x1x1x16xf32>,
          %parallel_loop3A_1323 = arith.constant 16 : i32
          %parallel_loop3A_1324 = arith.muli %parallel_loop3A_1285, %parallel_loop3A_1323 : i32
          %parallel_loop3A_1325 = arith.constant 3 : i32
          %parallel_loop3A_1326 = arith.index_cast %select_n3A_539 : i32 to index
          %parallel_loop3A_1327 = arith.index_cast %parallel_loop3A_1325 : i32 to index
          %parallel_loop3A_1328 = arith.index_cast %parallel_loop3A_1281 : i32 to index
          %parallel_loop3A_1329 = arith.index_cast %parallel_loop3A_1324 : i32 to index
          %parallel_loop3A_1330 = tpu.vector_load %arg7[%parallel_loop3A_1326, %parallel_loop3A_1327, %parallel_loop3A_1328, %parallel_loop3A_1329] {strides = array<i32>} : memref<4x4x8x768xf32, #tpu.memory_space<vmem>>, vector<1x1x1x16xf32>,
          %parallel_loop3A_1331 = vector.shape_cast %parallel_loop3A_1330 : vector<1x1x1x16xf32> to vector<16xf32>
          %parallel_loop3A_1332 = vector.shape_cast %parallel_loop3A_1292 : vector<16xf32> to vector<1x1x1x16xf32>
          tpu.vector_store %arg7[%parallel_loop3A_1326, %parallel_loop3A_1327, %parallel_loop3A_1328, %parallel_loop3A_1329], %parallel_loop3A_1332 {add = true, strides = array<i32>} : memref<4x4x8x768xf32, #tpu.memory_space<vmem>>, vector<1x1x1x16xf32>,
        } {sc.loop_unroll_factor = 4 : i64, sc.parallel_access}
      } {sc.loop_unroll_factor = 1 : i64, sc.parallel_access}
      %jit3A_543 = arith.constant 4 : i32
      %eq3A_544 = arith.constant 0 : i32
      %eq3A_545 = arith.cmpi eq, %jit3A_543, %eq3A_544 : i32
      %jit3A_546 = arith.constant 1 : i32
      %select_n3A_547 = arith.select %eq3A_545, %jit3A_546, %jit3A_543 : i32
      %rem3A_548 = arith.remsi %add3A_481, %select_n3A_547 : i32
      %ne3A_549 = arith.constant 0 : i32
      %ne3A_550 = arith.cmpi ne, %rem3A_548, %ne3A_549 : i32
      %lt3A_551 = arith.constant 0 : i32
      %lt3A_552 = arith.cmpi slt, %rem3A_548, %lt3A_551 : i32
      %lt3A_553 = arith.constant 0 : i32
      %lt3A_554 = arith.cmpi slt, %select_n3A_547, %lt3A_553 : i32
      %ne3A_555 = arith.xori %lt3A_552, %lt3A_554 : i1
      %and3A_556 = arith.andi %ne3A_555, %ne3A_550 : i1
      %add3A_557 = arith.addi %rem3A_548, %select_n3A_547 : i32
      %select_n3A_558 = arith.select %and3A_556, %add3A_557, %rem3A_548 : i32
      %mul3A_559 = arith.constant 8 : i32
      %mul3A_560 = arith.muli %add3A_481, %mul3A_559 : i32
      %add3A_561 = arith.addi %mul3A_2, %mul3A_560 : i32
      %dma_start3A_562 = arith.constant 0 : i32
      %dma_start3A_563 = arith.constant 0 : i32
      %dma_start3A_564 = arith.constant 0 : i32
      %dma_start3A_565 = tpu.memref_slice %arg7[%select_n3A_558, %dma_start3A_562, %dma_start3A_563, %dma_start3A_564] : memref<4x4x8x768xf32, #tpu.memory_space<vmem>> -> memref<1x4x8x768xf32, #tpu.memory_space<vmem>>
      %dma_start3A_566 = tpu.memref_squeeze %dma_start3A_565 : memref<1x4x8x768xf32, #tpu.memory_space<vmem>> -> memref<4x8x768xf32, #tpu.memory_space<vmem>>
      %dma_start3A_567 = arith.constant 0 : i32
      %dma_start3A_568 = arith.constant 0 : i32
      %dma_start3A_569 = tpu.memref_slice %arg5[%dma_start3A_567, %add3A_561, %dma_start3A_568] : memref<4x8192x768xf32, #tpu.memory_space<hbm>> -> memref<4x8x768xf32, #tpu.memory_space<hbm>>
      %dma_start3A_570 = tpu.memref_slice %arg11[%select_n3A_558] : memref<4x!tpu.dma_semaphore, #tpu.memory_space<semaphore_mem>> -> memref<1x!tpu.dma_semaphore, #tpu.memory_space<semaphore_mem>>
      %dma_start3A_571 = tpu.memref_squeeze %dma_start3A_570 : memref<1x!tpu.dma_semaphore, #tpu.memory_space<semaphore_mem>> -> memref<!tpu.dma_semaphore, #tpu.memory_space<semaphore_mem>>
      %dma_start3A_572 = arith.constant 0 : i32
      %dma_start3A_573 = arith.constant 0 : i32
      %dma_start3A_574 = tpu.memref_slice %arg5[%dma_start3A_572, %add3A_561, %dma_start3A_573] : memref<4x8192x768xf32, #tpu.memory_space<hbm>> -> memref<4x8x768xf32, #tpu.memory_space<hbm>>
      %dma_start3A_575 = arith.constant 0 : i32
      %dma_start3A_576 = arith.constant 0 : i32
      %dma_start3A_577 = arith.constant 0 : i32
      %dma_start3A_578 = tpu.memref_slice %arg7[%select_n3A_558, %dma_start3A_575, %dma_start3A_576, %dma_start3A_577] : memref<4x4x8x768xf32, #tpu.memory_space<vmem>> -> memref<1x4x8x768xf32, #tpu.memory_space<vmem>>
      %dma_start3A_579 = tpu.memref_squeeze %dma_start3A_578 : memref<1x4x8x768xf32, #tpu.memory_space<vmem>> -> memref<4x8x768xf32, #tpu.memory_space<vmem>>
      tpu.enqueue_dma source(%dma_start3A_579 : memref<4x8x768xf32, #tpu.memory_space<vmem>>) target(%dma_start3A_574 : memref<4x8x768xf32, #tpu.memory_space<hbm>>) target_semaphore(%dma_start3A_571 : memref<!tpu.dma_semaphore, #tpu.memory_space<semaphore_mem>>)
      %sub3A = arith.constant 1 : i32
      %sub3A_580 = arith.subi %add3A_481, %sub3A : i32
      %jit3A_581 = arith.constant 4 : i32
      %eq3A_582 = arith.constant 0 : i32
      %eq3A_583 = arith.cmpi eq, %jit3A_581, %eq3A_582 : i32
      %jit3A_584 = arith.constant 1 : i32
      %select_n3A_585 = arith.select %eq3A_583, %jit3A_584, %jit3A_581 : i32
      %rem3A_586 = arith.remsi %sub3A_580, %select_n3A_585 : i32
      %ne3A_587 = arith.constant 0 : i32
      %ne3A_588 = arith.cmpi ne, %rem3A_586, %ne3A_587 : i32
      %lt3A_589 = arith.constant 0 : i32
      %lt3A_590 = arith.cmpi slt, %rem3A_586, %lt3A_589 : i32
      %lt3A_591 = arith.constant 0 : i32
      %lt3A_592 = arith.cmpi slt, %select_n3A_585, %lt3A_591 : i32
      %ne3A_593 = arith.xori %lt3A_590, %lt3A_592 : i1
      %and3A_594 = arith.andi %ne3A_593, %ne3A_588 : i1
      %add3A_595 = arith.addi %rem3A_586, %select_n3A_585 : i32
      %select_n3A_596 = arith.select %and3A_594, %add3A_595, %rem3A_586 : i32
      %mul3A_597 = arith.constant 8 : i32
      %mul3A_598 = arith.muli %sub3A_580, %mul3A_597 : i32
      %add3A_599 = arith.addi %mul3A_2, %mul3A_598 : i32
      %dma_wait3A_600 = arith.constant 0 : i32
      %dma_wait3A_601 = arith.constant 0 : i32
      %dma_wait3A_602 = arith.constant 0 : i32
      %dma_wait3A_603 = tpu.memref_slice %arg7[%select_n3A_596, %dma_wait3A_600, %dma_wait3A_601, %dma_wait3A_602] : memref<4x4x8x768xf32, #tpu.memory_space<vmem>> -> memref<1x4x8x768xf32, #tpu.memory_space<vmem>>
      %dma_wait3A_604 = tpu.memref_squeeze %dma_wait3A_603 : memref<1x4x8x768xf32, #tpu.memory_space<vmem>> -> memref<4x8x768xf32, #tpu.memory_space<vmem>>
      %dma_wait3A_605 = arith.constant 0 : i32
      %dma_wait3A_606 = arith.constant 0 : i32
      %dma_wait3A_607 = tpu.memref_slice %arg5[%dma_wait3A_605, %add3A_599, %dma_wait3A_606] : memref<4x8192x768xf32, #tpu.memory_space<hbm>> -> memref<4x8x768xf32, #tpu.memory_space<hbm>>
      %dma_wait3A_608 = tpu.memref_slice %arg11[%select_n3A_596] : memref<4x!tpu.dma_semaphore, #tpu.memory_space<semaphore_mem>> -> memref<1x!tpu.dma_semaphore, #tpu.memory_space<semaphore_mem>>
      %dma_wait3A_609 = tpu.memref_squeeze %dma_wait3A_608 : memref<1x!tpu.dma_semaphore, #tpu.memory_space<semaphore_mem>> -> memref<!tpu.dma_semaphore, #tpu.memory_space<semaphore_mem>>
      %dma_wait3A_610 = arith.constant 0 : i32
      %dma_wait3A_611 = arith.constant 0 : i32
      %dma_wait3A_612 = tpu.memref_slice %arg5[%dma_wait3A_610, %add3A_599, %dma_wait3A_611] : memref<4x8192x768xf32, #tpu.memory_space<hbm>> -> memref<4x8x768xf32, #tpu.memory_space<hbm>>
      %dma_wait3A_613 = arith.constant 0 : i32
      %dma_wait3A_614 = arith.constant 0 : i32
      %dma_wait3A_615 = arith.constant 0 : i32
      %dma_wait3A_616 = tpu.memref_slice %arg7[%select_n3A_596, %dma_wait3A_613, %dma_wait3A_614, %dma_wait3A_615] : memref<4x4x8x768xf32, #tpu.memory_space<vmem>> -> memref<1x4x8x768xf32, #tpu.memory_space<vmem>>
      %dma_wait3A_617 = tpu.memref_squeeze %dma_wait3A_616 : memref<1x4x8x768xf32, #tpu.memory_space<vmem>> -> memref<4x8x768xf32, #tpu.memory_space<vmem>>
      tpu.wait_dma2 semaphore(%dma_wait3A_609 : memref<!tpu.dma_semaphore, #tpu.memory_space<semaphore_mem>>) src(%dma_wait3A_617 : memref<4x8x768xf32, #tpu.memory_space<vmem>>) dst(%dma_wait3A_612 : memref<4x8x768xf32, #tpu.memory_space<hbm>>)
      %add3A_618 = arith.constant 4 : i32
      %add3A_619 = arith.addi %add3A_481, %add3A_618 : i32
      %sub3A_620 = arith.constant 1 : i32
      %sub3A_621 = arith.subi %add3A_619, %sub3A_620 : i32
      %jit3A_622 = arith.constant 4 : i32
      %eq3A_623 = arith.constant 0 : i32
      %eq3A_624 = arith.cmpi eq, %jit3A_622, %eq3A_623 : i32
      %jit3A_625 = arith.constant 1 : i32
      %select_n3A_626 = arith.select %eq3A_624, %jit3A_625, %jit3A_622 : i32
      %rem3A_627 = arith.remsi %sub3A_621, %select_n3A_626 : i32
      %ne3A_628 = arith.constant 0 : i32
      %ne3A_629 = arith.cmpi ne, %rem3A_627, %ne3A_628 : i32
      %lt3A_630 = arith.constant 0 : i32
      %lt3A_631 = arith.cmpi slt, %rem3A_627, %lt3A_630 : i32
      %lt3A_632 = arith.constant 0 : i32
      %lt3A_633 = arith.cmpi slt, %select_n3A_626, %lt3A_632 : i32
      %ne3A_634 = arith.xori %lt3A_631, %lt3A_633 : i1
      %and3A_635 = arith.andi %ne3A_634, %ne3A_629 : i1
      %add3A_636 = arith.addi %rem3A_627, %select_n3A_626 : i32
      %select_n3A_637 = arith.select %and3A_635, %add3A_636, %rem3A_627 : i32
      %mul3A_638 = arith.constant 8 : i32
      %mul3A_639 = arith.muli %sub3A_621, %mul3A_638 : i32
      %add3A_640 = arith.addi %mul3A_2, %mul3A_639 : i32
      %dma_start3A_641 = arith.constant 0 : i32
      %dma_start3A_642 = arith.constant 0 : i32
      %dma_start3A_643 = arith.constant 0 : i32
      %dma_start3A_644 = tpu.memref_slice %arg7[%select_n3A_637, %dma_start3A_641, %dma_start3A_642, %dma_start3A_643] : memref<4x4x8x768xf32, #tpu.memory_space<vmem>> -> memref<1x4x8x768xf32, #tpu.memory_space<vmem>>
      %dma_start3A_645 = tpu.memref_squeeze %dma_start3A_644 : memref<1x4x8x768xf32, #tpu.memory_space<vmem>> -> memref<4x8x768xf32, #tpu.memory_space<vmem>>
      %dma_start3A_646 = arith.constant 0 : i32
      %dma_start3A_647 = arith.constant 0 : i32
      %dma_start3A_648 = tpu.memref_slice %arg2[%dma_start3A_646, %add3A_640, %dma_start3A_647] : memref<4x8192x768xf32, #tpu.memory_space<hbm>> -> memref<4x8x768xf32, #tpu.memory_space<hbm>>
      %dma_start3A_649 = tpu.memref_slice %arg9[%select_n3A_637] : memref<4x!tpu.dma_semaphore, #tpu.memory_space<semaphore_mem>> -> memref<1x!tpu.dma_semaphore, #tpu.memory_space<semaphore_mem>>
      %dma_start3A_650 = tpu.memref_squeeze %dma_start3A_649 : memref<1x!tpu.dma_semaphore, #tpu.memory_space<semaphore_mem>> -> memref<!tpu.dma_semaphore, #tpu.memory_space<semaphore_mem>>
      %dma_start3A_651 = arith.constant 0 : i32
      %dma_start3A_652 = arith.constant 0 : i32
      %dma_start3A_653 = arith.constant 0 : i32
      %dma_start3A_654 = tpu.memref_slice %arg7[%select_n3A_637, %dma_start3A_651, %dma_start3A_652, %dma_start3A_653] : memref<4x4x8x768xf32, #tpu.memory_space<vmem>> -> memref<1x4x8x768xf32, #tpu.memory_space<vmem>>
      %dma_start3A_655 = tpu.memref_squeeze %dma_start3A_654 : memref<1x4x8x768xf32, #tpu.memory_space<vmem>> -> memref<4x8x768xf32, #tpu.memory_space<vmem>>
      %dma_start3A_656 = arith.constant 0 : i32
      %dma_start3A_657 = arith.constant 0 : i32
      %dma_start3A_658 = tpu.memref_slice %arg2[%dma_start3A_656, %add3A_640, %dma_start3A_657] : memref<4x8192x768xf32, #tpu.memory_space<hbm>> -> memref<4x8x768xf32, #tpu.memory_space<hbm>>
      tpu.enqueue_dma source(%dma_start3A_658 : memref<4x8x768xf32, #tpu.memory_space<hbm>>) target(%dma_start3A_655 : memref<4x8x768xf32, #tpu.memory_space<vmem>>) target_semaphore(%dma_start3A_650 : memref<!tpu.dma_semaphore, #tpu.memory_space<semaphore_mem>>)
      %mul3A_659 = arith.constant 8 : i32
      %mul3A_660 = arith.muli %sub3A_621, %mul3A_659 : i32
      %dma_start3A_661 = arith.constant 0 : i32
      %dma_start3A_662 = arith.constant 0 : i32
      %dma_start3A_663 = tpu.memref_slice %arg8[%select_n3A_637, %dma_start3A_661, %dma_start3A_662] : memref<4x8x768xf32, #tpu.memory_space<vmem>> -> memref<1x8x768xf32, #tpu.memory_space<vmem>>
      %dma_start3A_664 = tpu.memref_squeeze %dma_start3A_663 : memref<1x8x768xf32, #tpu.memory_space<vmem>> -> memref<8x768xf32, #tpu.memory_space<vmem>>
      %dma_start3A_665 = tpu.memref_slice %arg6[%mul3A_660] : memref<256xi32, #tpu.memory_space<vmem>> -> memref<8xi32, #tpu.memory_space<vmem>>
      %dma_start3A_666 = arith.constant 0 : i32
      %dma_start3A_667 = arith.constant 0 : i32
      %dma_start3A_668 = tpu.memref_slice %arg3[%dma_start3A_666, %dma_start3A_667] : memref<8192x768xf32, #tpu.memory_space<hbm>> -> memref<8192x768xf32, #tpu.memory_space<hbm>>
      %dma_start3A_669 = tpu.memref_slice %arg10[%select_n3A_637] : memref<4x!tpu.dma_semaphore, #tpu.memory_space<semaphore_mem>> -> memref<1x!tpu.dma_semaphore, #tpu.memory_space<semaphore_mem>>
      %dma_start3A_670 = tpu.memref_squeeze %dma_start3A_669 : memref<1x!tpu.dma_semaphore, #tpu.memory_space<semaphore_mem>> -> memref<!tpu.dma_semaphore, #tpu.memory_space<semaphore_mem>>
      tpu.enqueue_indirect_dma source(%dma_start3A_668 : memref<8192x768xf32, #tpu.memory_space<hbm>>) target(%dma_start3A_664 : memref<8x768xf32, #tpu.memory_space<vmem>>) offsets(%dma_start3A_665 : memref<8xi32, #tpu.memory_space<vmem>>) semaphore(%dma_start3A_670 : memref<!tpu.dma_semaphore, #tpu.memory_space<semaphore_mem>>)
      %mul3A_671 = arith.constant 4 : i32
      %mul3A_672 = arith.muli %mul3A_671, %scan3A_474 : i32
      %add3A_673 = arith.constant 1 : i32
      %add3A_674 = arith.addi %add3A_673, %mul3A_672 : i32
      %add3A_675 = arith.constant 1 : i32
      %add3A_676 = arith.addi %add3A_674, %add3A_675 : i32
      %jit3A_677 = arith.constant 4 : i32
      %eq3A_678 = arith.constant 0 : i32
      %eq3A_679 = arith.cmpi eq, %jit3A_677, %eq3A_678 : i32
      %jit3A_680 = arith.constant 1 : i32
      %select_n3A_681 = arith.select %eq3A_679, %jit3A_680, %jit3A_677 : i32
      %rem3A_682 = arith.remsi %add3A_676, %select_n3A_681 : i32
      %ne3A_683 = arith.constant 0 : i32
      %ne3A_684 = arith.cmpi ne, %rem3A_682, %ne3A_683 : i32
      %lt3A_685 = arith.constant 0 : i32
      %lt3A_686 = arith.cmpi slt, %rem3A_682, %lt3A_685 : i32
      %lt3A_687 = arith.constant 0 : i32
      %lt3A_688 = arith.cmpi slt, %select_n3A_681, %lt3A_687 : i32
      %ne3A_689 = arith.xori %lt3A_686, %lt3A_688 : i1
      %and3A_690 = arith.andi %ne3A_689, %ne3A_684 : i1
      %add3A_691 = arith.addi %rem3A_682, %select_n3A_681 : i32
      %select_n3A_692 = arith.select %and3A_690, %add3A_691, %rem3A_682 : i32
      %mul3A_693 = arith.constant 8 : i32
      %mul3A_694 = arith.muli %add3A_676, %mul3A_693 : i32
      %add3A_695 = arith.addi %mul3A_2, %mul3A_694 : i32
      %dma_wait3A_696 = arith.constant 0 : i32
      %dma_wait3A_697 = arith.constant 0 : i32
      %dma_wait3A_698 = arith.constant 0 : i32
      %dma_wait3A_699 = tpu.memref_slice %arg7[%select_n3A_692, %dma_wait3A_696, %dma_wait3A_697, %dma_wait3A_698] : memref<4x4x8x768xf32, #tpu.memory_space<vmem>> -> memref<1x4x8x768xf32, #tpu.memory_space<vmem>>
      %dma_wait3A_700 = tpu.memref_squeeze %dma_wait3A_699 : memref<1x4x8x768xf32, #tpu.memory_space<vmem>> -> memref<4x8x768xf32, #tpu.memory_space<vmem>>
      %dma_wait3A_701 = arith.constant 0 : i32
      %dma_wait3A_702 = arith.constant 0 : i32
      %dma_wait3A_703 = tpu.memref_slice %arg2[%dma_wait3A_701, %add3A_695, %dma_wait3A_702] : memref<4x8192x768xf32, #tpu.memory_space<hbm>> -> memref<4x8x768xf32, #tpu.memory_space<hbm>>
      %dma_wait3A_704 = tpu.memref_slice %arg9[%select_n3A_692] : memref<4x!tpu.dma_semaphore, #tpu.memory_space<semaphore_mem>> -> memref<1x!tpu.dma_semaphore, #tpu.memory_space<semaphore_mem>>
      %dma_wait3A_705 = tpu.memref_squeeze %dma_wait3A_704 : memref<1x!tpu.dma_semaphore, #tpu.memory_space<semaphore_mem>> -> memref<!tpu.dma_semaphore, #tpu.memory_space<semaphore_mem>>
      %dma_wait3A_706 = arith.constant 0 : i32
      %dma_wait3A_707 = arith.constant 0 : i32
      %dma_wait3A_708 = arith.constant 0 : i32
      %dma_wait3A_709 = tpu.memref_slice %arg7[%select_n3A_692, %dma_wait3A_706, %dma_wait3A_707, %dma_wait3A_708] : memref<4x4x8x768xf32, #tpu.memory_space<vmem>> -> memref<1x4x8x768xf32, #tpu.memory_space<vmem>>
      %dma_wait3A_710 = tpu.memref_squeeze %dma_wait3A_709 : memref<1x4x8x768xf32, #tpu.memory_space<vmem>> -> memref<4x8x768xf32, #tpu.memory_space<vmem>>
      %dma_wait3A_711 = arith.constant 0 : i32
      %dma_wait3A_712 = arith.constant 0 : i32
      %dma_wait3A_713 = tpu.memref_slice %arg2[%dma_wait3A_711, %add3A_695, %dma_wait3A_712] : memref<4x8192x768xf32, #tpu.memory_space<hbm>> -> memref<4x8x768xf32, #tpu.memory_space<hbm>>
      tpu.wait_dma2 semaphore(%dma_wait3A_705 : memref<!tpu.dma_semaphore, #tpu.memory_space<semaphore_mem>>) src(%dma_wait3A_713 : memref<4x8x768xf32, #tpu.memory_space<hbm>>) dst(%dma_wait3A_710 : memref<4x8x768xf32, #tpu.memory_space<vmem>>)
      %mul3A_714 = arith.constant 8 : i32
      %mul3A_715 = arith.muli %add3A_676, %mul3A_714 : i32
      %dma_wait3A_716 = arith.constant 0 : i32
      %dma_wait3A_717 = arith.constant 0 : i32
      %dma_wait3A_718 = tpu.memref_slice %arg8[%select_n3A_692, %dma_wait3A_716, %dma_wait3A_717] : memref<4x8x768xf32, #tpu.memory_space<vmem>> -> memref<1x8x768xf32, #tpu.memory_space<vmem>>
      %dma_wait3A_719 = tpu.memref_squeeze %dma_wait3A_718 : memref<1x8x768xf32, #tpu.memory_space<vmem>> -> memref<8x768xf32, #tpu.memory_space<vmem>>
      %dma_wait3A_720 = tpu.memref_slice %arg6[%mul3A_715] : memref<256xi32, #tpu.memory_space<vmem>> -> memref<8xi32, #tpu.memory_space<vmem>>
      %dma_wait3A_721 = arith.constant 0 : i32
      %dma_wait3A_722 = arith.constant 0 : i32
      %dma_wait3A_723 = tpu.memref_slice %arg3[%dma_wait3A_721, %dma_wait3A_722] : memref<8192x768xf32, #tpu.memory_space<hbm>> -> memref<8192x768xf32, #tpu.memory_space<hbm>>
      %dma_wait3A_724 = tpu.memref_slice %arg10[%select_n3A_692] : memref<4x!tpu.dma_semaphore, #tpu.memory_space<semaphore_mem>> -> memref<1x!tpu.dma_semaphore, #tpu.memory_space<semaphore_mem>>
      %dma_wait3A_725 = tpu.memref_squeeze %dma_wait3A_724 : memref<1x!tpu.dma_semaphore, #tpu.memory_space<semaphore_mem>> -> memref<!tpu.dma_semaphore, #tpu.memory_space<semaphore_mem>>
      tpu.wait_indirect_dma semaphore(%dma_wait3A_725 : memref<!tpu.dma_semaphore, #tpu.memory_space<semaphore_mem>>) src(%dma_wait3A_723 : memref<8192x768xf32, #tpu.memory_space<hbm>>) dst(%dma_wait3A_719 : memref<8x768xf32, #tpu.memory_space<vmem>>)
      %jit3A_726 = arith.constant 4 : i32
      %eq3A_727 = arith.constant 0 : i32
      %eq3A_728 = arith.cmpi eq, %jit3A_726, %eq3A_727 : i32
      %jit3A_729 = arith.constant 1 : i32
      %select_n3A_730 = arith.select %eq3A_728, %jit3A_729, %jit3A_726 : i32
      %rem3A_731 = arith.remsi %add3A_676, %select_n3A_730 : i32
      %ne3A_732 = arith.constant 0 : i32
      %ne3A_733 = arith.cmpi ne, %rem3A_731, %ne3A_732 : i32
      %lt3A_734 = arith.constant 0 : i32
      %lt3A_735 = arith.cmpi slt, %rem3A_731, %lt3A_734 : i32
      %lt3A_736 = arith.constant 0 : i32
      %lt3A_737 = arith.cmpi slt, %select_n3A_730, %lt3A_736 : i32
      %ne3A_738 = arith.xori %lt3A_735, %lt3A_737 : i1
      %and3A_739 = arith.andi %ne3A_738, %ne3A_733 : i1
      %add3A_740 = arith.addi %rem3A_731, %select_n3A_730 : i32
      %select_n3A_741 = arith.select %and3A_739, %add3A_740, %rem3A_731 : i32
      %parallel_loop3A_742 = arith.constant 0 : i32
      %parallel_loop3A_743 = arith.constant 8 : i32
      %parallel_loop3A_744 = arith.constant 1 : i32
      scf.for %parallel_loop3A_1281 = %parallel_loop3A_742 to %parallel_loop3A_743 step %parallel_loop3A_744  : i32 {
        %parallel_loop3A_1282 = arith.constant 0 : i32
        %parallel_loop3A_1283 = arith.constant 48 : i32
        %parallel_loop3A_1284 = arith.constant 1 : i32
        scf.for %parallel_loop3A_1285 = %parallel_loop3A_1282 to %parallel_loop3A_1283 step %parallel_loop3A_1284  : i32 {
          %parallel_loop3A_1286 = arith.constant 16 : i32
          %parallel_loop3A_1287 = arith.muli %parallel_loop3A_1285, %parallel_loop3A_1286 : i32
          %parallel_loop3A_1288 = arith.index_cast %select_n3A_741 : i32 to index
          %parallel_loop3A_1289 = arith.index_cast %parallel_loop3A_1281 : i32 to index
          %parallel_loop3A_1290 = arith.index_cast %parallel_loop3A_1287 : i32 to index
          %parallel_loop3A_1291 = tpu.vector_load %arg8[%parallel_loop3A_1288, %parallel_loop3A_1289, %parallel_loop3A_1290] {strides = array<i32>} : memref<4x8x768xf32, #tpu.memory_space<vmem>>, vector<1x1x16xf32>,
          %parallel_loop3A_1292 = vector.shape_cast %parallel_loop3A_1291 : vector<1x1x16xf32> to vector<16xf32>
          %parallel_loop3A_1293 = arith.constant 16 : i32
          %parallel_loop3A_1294 = arith.muli %parallel_loop3A_1285, %parallel_loop3A_1293 : i32
          %parallel_loop3A_1295 = arith.constant 0 : i32
          %parallel_loop3A_1296 = arith.index_cast %select_n3A_741 : i32 to index
          %parallel_loop3A_1297 = arith.index_cast %parallel_loop3A_1295 : i32 to index
          %parallel_loop3A_1298 = arith.index_cast %parallel_loop3A_1281 : i32 to index
          %parallel_loop3A_1299 = arith.index_cast %parallel_loop3A_1294 : i32 to index
          %parallel_loop3A_1300 = tpu.vector_load %arg7[%parallel_loop3A_1296, %parallel_loop3A_1297, %parallel_loop3A_1298, %parallel_loop3A_1299] {strides = array<i32>} : memref<4x4x8x768xf32, #tpu.memory_space<vmem>>, vector<1x1x1x16xf32>,
          %parallel_loop3A_1301 = vector.shape_cast %parallel_loop3A_1300 : vector<1x1x1x16xf32> to vector<16xf32>
          %parallel_loop3A_1302 = vector.shape_cast %parallel_loop3A_1292 : vector<16xf32> to vector<1x1x1x16xf32>
          tpu.vector_store %arg7[%parallel_loop3A_1296, %parallel_loop3A_1297, %parallel_loop3A_1298, %parallel_loop3A_1299], %parallel_loop3A_1302 {add = true, strides = array<i32>} : memref<4x4x8x768xf32, #tpu.memory_space<vmem>>, vector<1x1x1x16xf32>,
          %parallel_loop3A_1303 = arith.constant 16 : i32
          %parallel_loop3A_1304 = arith.muli %parallel_loop3A_1285, %parallel_loop3A_1303 : i32
          %parallel_loop3A_1305 = arith.constant 1 : i32
          %parallel_loop3A_1306 = arith.index_cast %select_n3A_741 : i32 to index
          %parallel_loop3A_1307 = arith.index_cast %parallel_loop3A_1305 : i32 to index
          %parallel_loop3A_1308 = arith.index_cast %parallel_loop3A_1281 : i32 to index
          %parallel_loop3A_1309 = arith.index_cast %parallel_loop3A_1304 : i32 to index
          %parallel_loop3A_1310 = tpu.vector_load %arg7[%parallel_loop3A_1306, %parallel_loop3A_1307, %parallel_loop3A_1308, %parallel_loop3A_1309] {strides = array<i32>} : memref<4x4x8x768xf32, #tpu.memory_space<vmem>>, vector<1x1x1x16xf32>,
          %parallel_loop3A_1311 = vector.shape_cast %parallel_loop3A_1310 : vector<1x1x1x16xf32> to vector<16xf32>
          %parallel_loop3A_1312 = vector.shape_cast %parallel_loop3A_1292 : vector<16xf32> to vector<1x1x1x16xf32>
          tpu.vector_store %arg7[%parallel_loop3A_1306, %parallel_loop3A_1307, %parallel_loop3A_1308, %parallel_loop3A_1309], %parallel_loop3A_1312 {add = true, strides = array<i32>} : memref<4x4x8x768xf32, #tpu.memory_space<vmem>>, vector<1x1x1x16xf32>,
          %parallel_loop3A_1313 = arith.constant 16 : i32
          %parallel_loop3A_1314 = arith.muli %parallel_loop3A_1285, %parallel_loop3A_1313 : i32
          %parallel_loop3A_1315 = arith.constant 2 : i32
          %parallel_loop3A_1316 = arith.index_cast %select_n3A_741 : i32 to index
          %parallel_loop3A_1317 = arith.index_cast %parallel_loop3A_1315 : i32 to index
          %parallel_loop3A_1318 = arith.index_cast %parallel_loop3A_1281 : i32 to index
          %parallel_loop3A_1319 = arith.index_cast %parallel_loop3A_1314 : i32 to index
          %parallel_loop3A_1320 = tpu.vector_load %arg7[%parallel_loop3A_1316, %parallel_loop3A_1317, %parallel_loop3A_1318, %parallel_loop3A_1319] {strides = array<i32>} : memref<4x4x8x768xf32, #tpu.memory_space<vmem>>, vector<1x1x1x16xf32>,
          %parallel_loop3A_1321 = vector.shape_cast %parallel_loop3A_1320 : vector<1x1x1x16xf32> to vector<16xf32>
          %parallel_loop3A_1322 = vector.shape_cast %parallel_loop3A_1292 : vector<16xf32> to vector<1x1x1x16xf32>
          tpu.vector_store %arg7[%parallel_loop3A_1316, %parallel_loop3A_1317, %parallel_loop3A_1318, %parallel_loop3A_1319], %parallel_loop3A_1322 {add = true, strides = array<i32>} : memref<4x4x8x768xf32, #tpu.memory_space<vmem>>, vector<1x1x1x16xf32>,
          %parallel_loop3A_1323 = arith.constant 16 : i32
          %parallel_loop3A_1324 = arith.muli %parallel_loop3A_1285, %parallel_loop3A_1323 : i32
          %parallel_loop3A_1325 = arith.constant 3 : i32
          %parallel_loop3A_1326 = arith.index_cast %select_n3A_741 : i32 to index
          %parallel_loop3A_1327 = arith.index_cast %parallel_loop3A_1325 : i32 to index
          %parallel_loop3A_1328 = arith.index_cast %parallel_loop3A_1281 : i32 to index
          %parallel_loop3A_1329 = arith.index_cast %parallel_loop3A_1324 : i32 to index
          %parallel_loop3A_1330 = tpu.vector_load %arg7[%parallel_loop3A_1326, %parallel_loop3A_1327, %parallel_loop3A_1328, %parallel_loop3A_1329] {strides = array<i32>} : memref<4x4x8x768xf32, #tpu.memory_space<vmem>>, vector<1x1x1x16xf32>,
          %parallel_loop3A_1331 = vector.shape_cast %parallel_loop3A_1330 : vector<1x1x1x16xf32> to vector<16xf32>
          %parallel_loop3A_1332 = vector.shape_cast %parallel_loop3A_1292 : vector<16xf32> to vector<1x1x1x16xf32>
          tpu.vector_store %arg7[%parallel_loop3A_1326, %parallel_loop3A_1327, %parallel_loop3A_1328, %parallel_loop3A_1329], %parallel_loop3A_1332 {add = true, strides = array<i32>} : memref<4x4x8x768xf32, #tpu.memory_space<vmem>>, vector<1x1x1x16xf32>,
        } {sc.loop_unroll_factor = 4 : i64, sc.parallel_access}
      } {sc.loop_unroll_factor = 1 : i64, sc.parallel_access}
      %jit3A_745 = arith.constant 4 : i32
      %eq3A_746 = arith.constant 0 : i32
      %eq3A_747 = arith.cmpi eq, %jit3A_745, %eq3A_746 : i32
      %jit3A_748 = arith.constant 1 : i32
      %select_n3A_749 = arith.select %eq3A_747, %jit3A_748, %jit3A_745 : i32
      %rem3A_750 = arith.remsi %add3A_676, %select_n3A_749 : i32
      %ne3A_751 = arith.constant 0 : i32
      %ne3A_752 = arith.cmpi ne, %rem3A_750, %ne3A_751 : i32
      %lt3A_753 = arith.constant 0 : i32
      %lt3A_754 = arith.cmpi slt, %rem3A_750, %lt3A_753 : i32
      %lt3A_755 = arith.constant 0 : i32
      %lt3A_756 = arith.cmpi slt, %select_n3A_749, %lt3A_755 : i32
      %ne3A_757 = arith.xori %lt3A_754, %lt3A_756 : i1
      %and3A_758 = arith.andi %ne3A_757, %ne3A_752 : i1
      %add3A_759 = arith.addi %rem3A_750, %select_n3A_749 : i32
      %select_n3A_760 = arith.select %and3A_758, %add3A_759, %rem3A_750 : i32
      %mul3A_761 = arith.constant 8 : i32
      %mul3A_762 = arith.muli %add3A_676, %mul3A_761 : i32
      %add3A_763 = arith.addi %mul3A_2, %mul3A_762 : i32
      %dma_start3A_764 = arith.constant 0 : i32
      %dma_start3A_765 = arith.constant 0 : i32
      %dma_start3A_766 = arith.constant 0 : i32
      %dma_start3A_767 = tpu.memref_slice %arg7[%select_n3A_760, %dma_start3A_764, %dma_start3A_765, %dma_start3A_766] : memref<4x4x8x768xf32, #tpu.memory_space<vmem>> -> memref<1x4x8x768xf32, #tpu.memory_space<vmem>>
      %dma_start3A_768 = tpu.memref_squeeze %dma_start3A_767 : memref<1x4x8x768xf32, #tpu.memory_space<vmem>> -> memref<4x8x768xf32, #tpu.memory_space<vmem>>
      %dma_start3A_769 = arith.constant 0 : i32
      %dma_start3A_770 = arith.constant 0 : i32
      %dma_start3A_771 = tpu.memref_slice %arg5[%dma_start3A_769, %add3A_763, %dma_start3A_770] : memref<4x8192x768xf32, #tpu.memory_space<hbm>> -> memref<4x8x768xf32, #tpu.memory_space<hbm>>
      %dma_start3A_772 = tpu.memref_slice %arg11[%select_n3A_760] : memref<4x!tpu.dma_semaphore, #tpu.memory_space<semaphore_mem>> -> memref<1x!tpu.dma_semaphore, #tpu.memory_space<semaphore_mem>>
      %dma_start3A_773 = tpu.memref_squeeze %dma_start3A_772 : memref<1x!tpu.dma_semaphore, #tpu.memory_space<semaphore_mem>> -> memref<!tpu.dma_semaphore, #tpu.memory_space<semaphore_mem>>
      %dma_start3A_774 = arith.constant 0 : i32
      %dma_start3A_775 = arith.constant 0 : i32
      %dma_start3A_776 = tpu.memref_slice %arg5[%dma_start3A_774, %add3A_763, %dma_start3A_775] : memref<4x8192x768xf32, #tpu.memory_space<hbm>> -> memref<4x8x768xf32, #tpu.memory_space<hbm>>
      %dma_start3A_777 = arith.constant 0 : i32
      %dma_start3A_778 = arith.constant 0 : i32
      %dma_start3A_779 = arith.constant 0 : i32
      %dma_start3A_780 = tpu.memref_slice %arg7[%select_n3A_760, %dma_start3A_777, %dma_start3A_778, %dma_start3A_779] : memref<4x4x8x768xf32, #tpu.memory_space<vmem>> -> memref<1x4x8x768xf32, #tpu.memory_space<vmem>>
      %dma_start3A_781 = tpu.memref_squeeze %dma_start3A_780 : memref<1x4x8x768xf32, #tpu.memory_space<vmem>> -> memref<4x8x768xf32, #tpu.memory_space<vmem>>
      tpu.enqueue_dma source(%dma_start3A_781 : memref<4x8x768xf32, #tpu.memory_space<vmem>>) target(%dma_start3A_776 : memref<4x8x768xf32, #tpu.memory_space<hbm>>) target_semaphore(%dma_start3A_773 : memref<!tpu.dma_semaphore, #tpu.memory_space<semaphore_mem>>)
      %sub3A_782 = arith.constant 1 : i32
      %sub3A_783 = arith.subi %add3A_676, %sub3A_782 : i32
      %jit3A_784 = arith.constant 4 : i32
      %eq3A_785 = arith.constant 0 : i32
      %eq3A_786 = arith.cmpi eq, %jit3A_784, %eq3A_785 : i32
      %jit3A_787 = arith.constant 1 : i32
      %select_n3A_788 = arith.select %eq3A_786, %jit3A_787, %jit3A_784 : i32
      %rem3A_789 = arith.remsi %sub3A_783, %select_n3A_788 : i32
      %ne3A_790 = arith.constant 0 : i32
      %ne3A_791 = arith.cmpi ne, %rem3A_789, %ne3A_790 : i32
      %lt3A_792 = arith.constant 0 : i32
      %lt3A_793 = arith.cmpi slt, %rem3A_789, %lt3A_792 : i32
      %lt3A_794 = arith.constant 0 : i32
      %lt3A_795 = arith.cmpi slt, %select_n3A_788, %lt3A_794 : i32
      %ne3A_796 = arith.xori %lt3A_793, %lt3A_795 : i1
      %and3A_797 = arith.andi %ne3A_796, %ne3A_791 : i1
      %add3A_798 = arith.addi %rem3A_789, %select_n3A_788 : i32
      %select_n3A_799 = arith.select %and3A_797, %add3A_798, %rem3A_789 : i32
      %mul3A_800 = arith.constant 8 : i32
      %mul3A_801 = arith.muli %sub3A_783, %mul3A_800 : i32
      %add3A_802 = arith.addi %mul3A_2, %mul3A_801 : i32
      %dma_wait3A_803 = arith.constant 0 : i32
      %dma_wait3A_804 = arith.constant 0 : i32
      %dma_wait3A_805 = arith.constant 0 : i32
      %dma_wait3A_806 = tpu.memref_slice %arg7[%select_n3A_799, %dma_wait3A_803, %dma_wait3A_804, %dma_wait3A_805] : memref<4x4x8x768xf32, #tpu.memory_space<vmem>> -> memref<1x4x8x768xf32, #tpu.memory_space<vmem>>
      %dma_wait3A_807 = tpu.memref_squeeze %dma_wait3A_806 : memref<1x4x8x768xf32, #tpu.memory_space<vmem>> -> memref<4x8x768xf32, #tpu.memory_space<vmem>>
      %dma_wait3A_808 = arith.constant 0 : i32
      %dma_wait3A_809 = arith.constant 0 : i32
      %dma_wait3A_810 = tpu.memref_slice %arg5[%dma_wait3A_808, %add3A_802, %dma_wait3A_809] : memref<4x8192x768xf32, #tpu.memory_space<hbm>> -> memref<4x8x768xf32, #tpu.memory_space<hbm>>
      %dma_wait3A_811 = tpu.memref_slice %arg11[%select_n3A_799] : memref<4x!tpu.dma_semaphore, #tpu.memory_space<semaphore_mem>> -> memref<1x!tpu.dma_semaphore, #tpu.memory_space<semaphore_mem>>
      %dma_wait3A_812 = tpu.memref_squeeze %dma_wait3A_811 : memref<1x!tpu.dma_semaphore, #tpu.memory_space<semaphore_mem>> -> memref<!tpu.dma_semaphore, #tpu.memory_space<semaphore_mem>>
      %dma_wait3A_813 = arith.constant 0 : i32
      %dma_wait3A_814 = arith.constant 0 : i32
      %dma_wait3A_815 = tpu.memref_slice %arg5[%dma_wait3A_813, %add3A_802, %dma_wait3A_814] : memref<4x8192x768xf32, #tpu.memory_space<hbm>> -> memref<4x8x768xf32, #tpu.memory_space<hbm>>
      %dma_wait3A_816 = arith.constant 0 : i32
      %dma_wait3A_817 = arith.constant 0 : i32
      %dma_wait3A_818 = arith.constant 0 : i32
      %dma_wait3A_819 = tpu.memref_slice %arg7[%select_n3A_799, %dma_wait3A_816, %dma_wait3A_817, %dma_wait3A_818] : memref<4x4x8x768xf32, #tpu.memory_space<vmem>> -> memref<1x4x8x768xf32, #tpu.memory_space<vmem>>
      %dma_wait3A_820 = tpu.memref_squeeze %dma_wait3A_819 : memref<1x4x8x768xf32, #tpu.memory_space<vmem>> -> memref<4x8x768xf32, #tpu.memory_space<vmem>>
      tpu.wait_dma2 semaphore(%dma_wait3A_812 : memref<!tpu.dma_semaphore, #tpu.memory_space<semaphore_mem>>) src(%dma_wait3A_820 : memref<4x8x768xf32, #tpu.memory_space<vmem>>) dst(%dma_wait3A_815 : memref<4x8x768xf32, #tpu.memory_space<hbm>>)
      %add3A_821 = arith.constant 4 : i32
      %add3A_822 = arith.addi %add3A_676, %add3A_821 : i32
      %sub3A_823 = arith.constant 1 : i32
      %sub3A_824 = arith.subi %add3A_822, %sub3A_823 : i32
      %jit3A_825 = arith.constant 4 : i32
      %eq3A_826 = arith.constant 0 : i32
      %eq3A_827 = arith.cmpi eq, %jit3A_825, %eq3A_826 : i32
      %jit3A_828 = arith.constant 1 : i32
      %select_n3A_829 = arith.select %eq3A_827, %jit3A_828, %jit3A_825 : i32
      %rem3A_830 = arith.remsi %sub3A_824, %select_n3A_829 : i32
      %ne3A_831 = arith.constant 0 : i32
      %ne3A_832 = arith.cmpi ne, %rem3A_830, %ne3A_831 : i32
      %lt3A_833 = arith.constant 0 : i32
      %lt3A_834 = arith.cmpi slt, %rem3A_830, %lt3A_833 : i32
      %lt3A_835 = arith.constant 0 : i32
      %lt3A_836 = arith.cmpi slt, %select_n3A_829, %lt3A_835 : i32
      %ne3A_837 = arith.xori %lt3A_834, %lt3A_836 : i1
      %and3A_838 = arith.andi %ne3A_837, %ne3A_832 : i1
      %add3A_839 = arith.addi %rem3A_830, %select_n3A_829 : i32
      %select_n3A_840 = arith.select %and3A_838, %add3A_839, %rem3A_830 : i32
      %mul3A_841 = arith.constant 8 : i32
      %mul3A_842 = arith.muli %sub3A_824, %mul3A_841 : i32
      %add3A_843 = arith.addi %mul3A_2, %mul3A_842 : i32
      %dma_start3A_844 = arith.constant 0 : i32
      %dma_start3A_845 = arith.constant 0 : i32
      %dma_start3A_846 = arith.constant 0 : i32
      %dma_start3A_847 = tpu.memref_slice %arg7[%select_n3A_840, %dma_start3A_844, %dma_start3A_845, %dma_start3A_846] : memref<4x4x8x768xf32, #tpu.memory_space<vmem>> -> memref<1x4x8x768xf32, #tpu.memory_space<vmem>>
      %dma_start3A_848 = tpu.memref_squeeze %dma_start3A_847 : memref<1x4x8x768xf32, #tpu.memory_space<vmem>> -> memref<4x8x768xf32, #tpu.memory_space<vmem>>
      %dma_start3A_849 = arith.constant 0 : i32
      %dma_start3A_850 = arith.constant 0 : i32
      %dma_start3A_851 = tpu.memref_slice %arg2[%dma_start3A_849, %add3A_843, %dma_start3A_850] : memref<4x8192x768xf32, #tpu.memory_space<hbm>> -> memref<4x8x768xf32, #tpu.memory_space<hbm>>
      %dma_start3A_852 = tpu.memref_slice %arg9[%select_n3A_840] : memref<4x!tpu.dma_semaphore, #tpu.memory_space<semaphore_mem>> -> memref<1x!tpu.dma_semaphore, #tpu.memory_space<semaphore_mem>>
      %dma_start3A_853 = tpu.memref_squeeze %dma_start3A_852 : memref<1x!tpu.dma_semaphore, #tpu.memory_space<semaphore_mem>> -> memref<!tpu.dma_semaphore, #tpu.memory_space<semaphore_mem>>
      %dma_start3A_854 = arith.constant 0 : i32
      %dma_start3A_855 = arith.constant 0 : i32
      %dma_start3A_856 = arith.constant 0 : i32
      %dma_start3A_857 = tpu.memref_slice %arg7[%select_n3A_840, %dma_start3A_854, %dma_start3A_855, %dma_start3A_856] : memref<4x4x8x768xf32, #tpu.memory_space<vmem>> -> memref<1x4x8x768xf32, #tpu.memory_space<vmem>>
      %dma_start3A_858 = tpu.memref_squeeze %dma_start3A_857 : memref<1x4x8x768xf32, #tpu.memory_space<vmem>> -> memref<4x8x768xf32, #tpu.memory_space<vmem>>
      %dma_start3A_859 = arith.constant 0 : i32
      %dma_start3A_860 = arith.constant 0 : i32
      %dma_start3A_861 = tpu.memref_slice %arg2[%dma_start3A_859, %add3A_843, %dma_start3A_860] : memref<4x8192x768xf32, #tpu.memory_space<hbm>> -> memref<4x8x768xf32, #tpu.memory_space<hbm>>
      tpu.enqueue_dma source(%dma_start3A_861 : memref<4x8x768xf32, #tpu.memory_space<hbm>>) target(%dma_start3A_858 : memref<4x8x768xf32, #tpu.memory_space<vmem>>) target_semaphore(%dma_start3A_853 : memref<!tpu.dma_semaphore, #tpu.memory_space<semaphore_mem>>)
      %mul3A_862 = arith.constant 8 : i32
      %mul3A_863 = arith.muli %sub3A_824, %mul3A_862 : i32
      %dma_start3A_864 = arith.constant 0 : i32
      %dma_start3A_865 = arith.constant 0 : i32
      %dma_start3A_866 = tpu.memref_slice %arg8[%select_n3A_840, %dma_start3A_864, %dma_start3A_865] : memref<4x8x768xf32, #tpu.memory_space<vmem>> -> memref<1x8x768xf32, #tpu.memory_space<vmem>>
      %dma_start3A_867 = tpu.memref_squeeze %dma_start3A_866 : memref<1x8x768xf32, #tpu.memory_space<vmem>> -> memref<8x768xf32, #tpu.memory_space<vmem>>
      %dma_start3A_868 = tpu.memref_slice %arg6[%mul3A_863] : memref<256xi32, #tpu.memory_space<vmem>> -> memref<8xi32, #tpu.memory_space<vmem>>
      %dma_start3A_869 = arith.constant 0 : i32
      %dma_start3A_870 = arith.constant 0 : i32
      %dma_start3A_871 = tpu.memref_slice %arg3[%dma_start3A_869, %dma_start3A_870] : memref<8192x768xf32, #tpu.memory_space<hbm>> -> memref<8192x768xf32, #tpu.memory_space<hbm>>
      %dma_start3A_872 = tpu.memref_slice %arg10[%select_n3A_840] : memref<4x!tpu.dma_semaphore, #tpu.memory_space<semaphore_mem>> -> memref<1x!tpu.dma_semaphore, #tpu.memory_space<semaphore_mem>>
      %dma_start3A_873 = tpu.memref_squeeze %dma_start3A_872 : memref<1x!tpu.dma_semaphore, #tpu.memory_space<semaphore_mem>> -> memref<!tpu.dma_semaphore, #tpu.memory_space<semaphore_mem>>
      tpu.enqueue_indirect_dma source(%dma_start3A_871 : memref<8192x768xf32, #tpu.memory_space<hbm>>) target(%dma_start3A_867 : memref<8x768xf32, #tpu.memory_space<vmem>>) offsets(%dma_start3A_868 : memref<8xi32, #tpu.memory_space<vmem>>) semaphore(%dma_start3A_873 : memref<!tpu.dma_semaphore, #tpu.memory_space<semaphore_mem>>)
      %mul3A_874 = arith.constant 4 : i32
      %mul3A_875 = arith.muli %mul3A_874, %scan3A_474 : i32
      %add3A_876 = arith.constant 1 : i32
      %add3A_877 = arith.addi %add3A_876, %mul3A_875 : i32
      %add3A_878 = arith.constant 2 : i32
      %add3A_879 = arith.addi %add3A_877, %add3A_878 : i32
      %jit3A_880 = arith.constant 4 : i32
      %eq3A_881 = arith.constant 0 : i32
      %eq3A_882 = arith.cmpi eq, %jit3A_880, %eq3A_881 : i32
      %jit3A_883 = arith.constant 1 : i32
      %select_n3A_884 = arith.select %eq3A_882, %jit3A_883, %jit3A_880 : i32
      %rem3A_885 = arith.remsi %add3A_879, %select_n3A_884 : i32
      %ne3A_886 = arith.constant 0 : i32
      %ne3A_887 = arith.cmpi ne, %rem3A_885, %ne3A_886 : i32
      %lt3A_888 = arith.constant 0 : i32
      %lt3A_889 = arith.cmpi slt, %rem3A_885, %lt3A_888 : i32
      %lt3A_890 = arith.constant 0 : i32
      %lt3A_891 = arith.cmpi slt, %select_n3A_884, %lt3A_890 : i32
      %ne3A_892 = arith.xori %lt3A_889, %lt3A_891 : i1
      %and3A_893 = arith.andi %ne3A_892, %ne3A_887 : i1
      %add3A_894 = arith.addi %rem3A_885, %select_n3A_884 : i32
      %select_n3A_895 = arith.select %and3A_893, %add3A_894, %rem3A_885 : i32
      %mul3A_896 = arith.constant 8 : i32
      %mul3A_897 = arith.muli %add3A_879, %mul3A_896 : i32
      %add3A_898 = arith.addi %mul3A_2, %mul3A_897 : i32
      %dma_wait3A_899 = arith.constant 0 : i32
      %dma_wait3A_900 = arith.constant 0 : i32
      %dma_wait3A_901 = arith.constant 0 : i32
      %dma_wait3A_902 = tpu.memref_slice %arg7[%select_n3A_895, %dma_wait3A_899, %dma_wait3A_900, %dma_wait3A_901] : memref<4x4x8x768xf32, #tpu.memory_space<vmem>> -> memref<1x4x8x768xf32, #tpu.memory_space<vmem>>
      %dma_wait3A_903 = tpu.memref_squeeze %dma_wait3A_902 : memref<1x4x8x768xf32, #tpu.memory_space<vmem>> -> memref<4x8x768xf32, #tpu.memory_space<vmem>>
      %dma_wait3A_904 = arith.constant 0 : i32
      %dma_wait3A_905 = arith.constant 0 : i32
      %dma_wait3A_906 = tpu.memref_slice %arg2[%dma_wait3A_904, %add3A_898, %dma_wait3A_905] : memref<4x8192x768xf32, #tpu.memory_space<hbm>> -> memref<4x8x768xf32, #tpu.memory_space<hbm>>
      %dma_wait3A_907 = tpu.memref_slice %arg9[%select_n3A_895] : memref<4x!tpu.dma_semaphore, #tpu.memory_space<semaphore_mem>> -> memref<1x!tpu.dma_semaphore, #tpu.memory_space<semaphore_mem>>
      %dma_wait3A_908 = tpu.memref_squeeze %dma_wait3A_907 : memref<1x!tpu.dma_semaphore, #tpu.memory_space<semaphore_mem>> -> memref<!tpu.dma_semaphore, #tpu.memory_space<semaphore_mem>>
      %dma_wait3A_909 = arith.constant 0 : i32
      %dma_wait3A_910 = arith.constant 0 : i32
      %dma_wait3A_911 = arith.constant 0 : i32
      %dma_wait3A_912 = tpu.memref_slice %arg7[%select_n3A_895, %dma_wait3A_909, %dma_wait3A_910, %dma_wait3A_911] : memref<4x4x8x768xf32, #tpu.memory_space<vmem>> -> memref<1x4x8x768xf32, #tpu.memory_space<vmem>>
      %dma_wait3A_913 = tpu.memref_squeeze %dma_wait3A_912 : memref<1x4x8x768xf32, #tpu.memory_space<vmem>> -> memref<4x8x768xf32, #tpu.memory_space<vmem>>
      %dma_wait3A_914 = arith.constant 0 : i32
      %dma_wait3A_915 = arith.constant 0 : i32
      %dma_wait3A_916 = tpu.memref_slice %arg2[%dma_wait3A_914, %add3A_898, %dma_wait3A_915] : memref<4x8192x768xf32, #tpu.memory_space<hbm>> -> memref<4x8x768xf32, #tpu.memory_space<hbm>>
      tpu.wait_dma2 semaphore(%dma_wait3A_908 : memref<!tpu.dma_semaphore, #tpu.memory_space<semaphore_mem>>) src(%dma_wait3A_916 : memref<4x8x768xf32, #tpu.memory_space<hbm>>) dst(%dma_wait3A_913 : memref<4x8x768xf32, #tpu.memory_space<vmem>>)
      %mul3A_917 = arith.constant 8 : i32
      %mul3A_918 = arith.muli %add3A_879, %mul3A_917 : i32
      %dma_wait3A_919 = arith.constant 0 : i32
      %dma_wait3A_920 = arith.constant 0 : i32
      %dma_wait3A_921 = tpu.memref_slice %arg8[%select_n3A_895, %dma_wait3A_919, %dma_wait3A_920] : memref<4x8x768xf32, #tpu.memory_space<vmem>> -> memref<1x8x768xf32, #tpu.memory_space<vmem>>
      %dma_wait3A_922 = tpu.memref_squeeze %dma_wait3A_921 : memref<1x8x768xf32, #tpu.memory_space<vmem>> -> memref<8x768xf32, #tpu.memory_space<vmem>>
      %dma_wait3A_923 = tpu.memref_slice %arg6[%mul3A_918] : memref<256xi32, #tpu.memory_space<vmem>> -> memref<8xi32, #tpu.memory_space<vmem>>
      %dma_wait3A_924 = arith.constant 0 : i32
      %dma_wait3A_925 = arith.constant 0 : i32
      %dma_wait3A_926 = tpu.memref_slice %arg3[%dma_wait3A_924, %dma_wait3A_925] : memref<8192x768xf32, #tpu.memory_space<hbm>> -> memref<8192x768xf32, #tpu.memory_space<hbm>>
      %dma_wait3A_927 = tpu.memref_slice %arg10[%select_n3A_895] : memref<4x!tpu.dma_semaphore, #tpu.memory_space<semaphore_mem>> -> memref<1x!tpu.dma_semaphore, #tpu.memory_space<semaphore_mem>>
      %dma_wait3A_928 = tpu.memref_squeeze %dma_wait3A_927 : memref<1x!tpu.dma_semaphore, #tpu.memory_space<semaphore_mem>> -> memref<!tpu.dma_semaphore, #tpu.memory_space<semaphore_mem>>
      tpu.wait_indirect_dma semaphore(%dma_wait3A_928 : memref<!tpu.dma_semaphore, #tpu.memory_space<semaphore_mem>>) src(%dma_wait3A_926 : memref<8192x768xf32, #tpu.memory_space<hbm>>) dst(%dma_wait3A_922 : memref<8x768xf32, #tpu.memory_space<vmem>>)
      %jit3A_929 = arith.constant 4 : i32
      %eq3A_930 = arith.constant 0 : i32
      %eq3A_931 = arith.cmpi eq, %jit3A_929, %eq3A_930 : i32
      %jit3A_932 = arith.constant 1 : i32
      %select_n3A_933 = arith.select %eq3A_931, %jit3A_932, %jit3A_929 : i32
      %rem3A_934 = arith.remsi %add3A_879, %select_n3A_933 : i32
      %ne3A_935 = arith.constant 0 : i32
      %ne3A_936 = arith.cmpi ne, %rem3A_934, %ne3A_935 : i32
      %lt3A_937 = arith.constant 0 : i32
      %lt3A_938 = arith.cmpi slt, %rem3A_934, %lt3A_937 : i32
      %lt3A_939 = arith.constant 0 : i32
      %lt3A_940 = arith.cmpi slt, %select_n3A_933, %lt3A_939 : i32
      %ne3A_941 = arith.xori %lt3A_938, %lt3A_940 : i1
      %and3A_942 = arith.andi %ne3A_941, %ne3A_936 : i1
      %add3A_943 = arith.addi %rem3A_934, %select_n3A_933 : i32
      %select_n3A_944 = arith.select %and3A_942, %add3A_943, %rem3A_934 : i32
      %parallel_loop3A_945 = arith.constant 0 : i32
      %parallel_loop3A_946 = arith.constant 8 : i32
      %parallel_loop3A_947 = arith.constant 1 : i32
      scf.for %parallel_loop3A_1281 = %parallel_loop3A_945 to %parallel_loop3A_946 step %parallel_loop3A_947  : i32 {
        %parallel_loop3A_1282 = arith.constant 0 : i32
        %parallel_loop3A_1283 = arith.constant 48 : i32
        %parallel_loop3A_1284 = arith.constant 1 : i32
        scf.for %parallel_loop3A_1285 = %parallel_loop3A_1282 to %parallel_loop3A_1283 step %parallel_loop3A_1284  : i32 {
          %parallel_loop3A_1286 = arith.constant 16 : i32
          %parallel_loop3A_1287 = arith.muli %parallel_loop3A_1285, %parallel_loop3A_1286 : i32
          %parallel_loop3A_1288 = arith.index_cast %select_n3A_944 : i32 to index
          %parallel_loop3A_1289 = arith.index_cast %parallel_loop3A_1281 : i32 to index
          %parallel_loop3A_1290 = arith.index_cast %parallel_loop3A_1287 : i32 to index
          %parallel_loop3A_1291 = tpu.vector_load %arg8[%parallel_loop3A_1288, %parallel_loop3A_1289, %parallel_loop3A_1290] {strides = array<i32>} : memref<4x8x768xf32, #tpu.memory_space<vmem>>, vector<1x1x16xf32>,
          %parallel_loop3A_1292 = vector.shape_cast %parallel_loop3A_1291 : vector<1x1x16xf32> to vector<16xf32>
          %parallel_loop3A_1293 = arith.constant 16 : i32
          %parallel_loop3A_1294 = arith.muli %parallel_loop3A_1285, %parallel_loop3A_1293 : i32
          %parallel_loop3A_1295 = arith.constant 0 : i32
          %parallel_loop3A_1296 = arith.index_cast %select_n3A_944 : i32 to index
          %parallel_loop3A_1297 = arith.index_cast %parallel_loop3A_1295 : i32 to index
          %parallel_loop3A_1298 = arith.index_cast %parallel_loop3A_1281 : i32 to index
          %parallel_loop3A_1299 = arith.index_cast %parallel_loop3A_1294 : i32 to index
          %parallel_loop3A_1300 = tpu.vector_load %arg7[%parallel_loop3A_1296, %parallel_loop3A_1297, %parallel_loop3A_1298, %parallel_loop3A_1299] {strides = array<i32>} : memref<4x4x8x768xf32, #tpu.memory_space<vmem>>, vector<1x1x1x16xf32>,
          %parallel_loop3A_1301 = vector.shape_cast %parallel_loop3A_1300 : vector<1x1x1x16xf32> to vector<16xf32>
          %parallel_loop3A_1302 = vector.shape_cast %parallel_loop3A_1292 : vector<16xf32> to vector<1x1x1x16xf32>
          tpu.vector_store %arg7[%parallel_loop3A_1296, %parallel_loop3A_1297, %parallel_loop3A_1298, %parallel_loop3A_1299], %parallel_loop3A_1302 {add = true, strides = array<i32>} : memref<4x4x8x768xf32, #tpu.memory_space<vmem>>, vector<1x1x1x16xf32>,
          %parallel_loop3A_1303 = arith.constant 16 : i32
          %parallel_loop3A_1304 = arith.muli %parallel_loop3A_1285, %parallel_loop3A_1303 : i32
          %parallel_loop3A_1305 = arith.constant 1 : i32
          %parallel_loop3A_1306 = arith.index_cast %select_n3A_944 : i32 to index
          %parallel_loop3A_1307 = arith.index_cast %parallel_loop3A_1305 : i32 to index
          %parallel_loop3A_1308 = arith.index_cast %parallel_loop3A_1281 : i32 to index
          %parallel_loop3A_1309 = arith.index_cast %parallel_loop3A_1304 : i32 to index
          %parallel_loop3A_1310 = tpu.vector_load %arg7[%parallel_loop3A_1306, %parallel_loop3A_1307, %parallel_loop3A_1308, %parallel_loop3A_1309] {strides = array<i32>} : memref<4x4x8x768xf32, #tpu.memory_space<vmem>>, vector<1x1x1x16xf32>,
          %parallel_loop3A_1311 = vector.shape_cast %parallel_loop3A_1310 : vector<1x1x1x16xf32> to vector<16xf32>
          %parallel_loop3A_1312 = vector.shape_cast %parallel_loop3A_1292 : vector<16xf32> to vector<1x1x1x16xf32>
          tpu.vector_store %arg7[%parallel_loop3A_1306, %parallel_loop3A_1307, %parallel_loop3A_1308, %parallel_loop3A_1309], %parallel_loop3A_1312 {add = true, strides = array<i32>} : memref<4x4x8x768xf32, #tpu.memory_space<vmem>>, vector<1x1x1x16xf32>,
          %parallel_loop3A_1313 = arith.constant 16 : i32
          %parallel_loop3A_1314 = arith.muli %parallel_loop3A_1285, %parallel_loop3A_1313 : i32
          %parallel_loop3A_1315 = arith.constant 2 : i32
          %parallel_loop3A_1316 = arith.index_cast %select_n3A_944 : i32 to index
          %parallel_loop3A_1317 = arith.index_cast %parallel_loop3A_1315 : i32 to index
          %parallel_loop3A_1318 = arith.index_cast %parallel_loop3A_1281 : i32 to index
          %parallel_loop3A_1319 = arith.index_cast %parallel_loop3A_1314 : i32 to index
          %parallel_loop3A_1320 = tpu.vector_load %arg7[%parallel_loop3A_1316, %parallel_loop3A_1317, %parallel_loop3A_1318, %parallel_loop3A_1319] {strides = array<i32>} : memref<4x4x8x768xf32, #tpu.memory_space<vmem>>, vector<1x1x1x16xf32>,
          %parallel_loop3A_1321 = vector.shape_cast %parallel_loop3A_1320 : vector<1x1x1x16xf32> to vector<16xf32>
          %parallel_loop3A_1322 = vector.shape_cast %parallel_loop3A_1292 : vector<16xf32> to vector<1x1x1x16xf32>
          tpu.vector_store %arg7[%parallel_loop3A_1316, %parallel_loop3A_1317, %parallel_loop3A_1318, %parallel_loop3A_1319], %parallel_loop3A_1322 {add = true, strides = array<i32>} : memref<4x4x8x768xf32, #tpu.memory_space<vmem>>, vector<1x1x1x16xf32>,
          %parallel_loop3A_1323 = arith.constant 16 : i32
          %parallel_loop3A_1324 = arith.muli %parallel_loop3A_1285, %parallel_loop3A_1323 : i32
          %parallel_loop3A_1325 = arith.constant 3 : i32
          %parallel_loop3A_1326 = arith.index_cast %select_n3A_944 : i32 to index
          %parallel_loop3A_1327 = arith.index_cast %parallel_loop3A_1325 : i32 to index
          %parallel_loop3A_1328 = arith.index_cast %parallel_loop3A_1281 : i32 to index
          %parallel_loop3A_1329 = arith.index_cast %parallel_loop3A_1324 : i32 to index
          %parallel_loop3A_1330 = tpu.vector_load %arg7[%parallel_loop3A_1326, %parallel_loop3A_1327, %parallel_loop3A_1328, %parallel_loop3A_1329] {strides = array<i32>} : memref<4x4x8x768xf32, #tpu.memory_space<vmem>>, vector<1x1x1x16xf32>,
          %parallel_loop3A_1331 = vector.shape_cast %parallel_loop3A_1330 : vector<1x1x1x16xf32> to vector<16xf32>
          %parallel_loop3A_1332 = vector.shape_cast %parallel_loop3A_1292 : vector<16xf32> to vector<1x1x1x16xf32>
          tpu.vector_store %arg7[%parallel_loop3A_1326, %parallel_loop3A_1327, %parallel_loop3A_1328, %parallel_loop3A_1329], %parallel_loop3A_1332 {add = true, strides = array<i32>} : memref<4x4x8x768xf32, #tpu.memory_space<vmem>>, vector<1x1x1x16xf32>,
        } {sc.loop_unroll_factor = 4 : i64, sc.parallel_access}
      } {sc.loop_unroll_factor = 1 : i64, sc.parallel_access}
      %jit3A_948 = arith.constant 4 : i32
      %eq3A_949 = arith.constant 0 : i32
      %eq3A_950 = arith.cmpi eq, %jit3A_948, %eq3A_949 : i32
      %jit3A_951 = arith.constant 1 : i32
      %select_n3A_952 = arith.select %eq3A_950, %jit3A_951, %jit3A_948 : i32
      %rem3A_953 = arith.remsi %add3A_879, %select_n3A_952 : i32
      %ne3A_954 = arith.constant 0 : i32
      %ne3A_955 = arith.cmpi ne, %rem3A_953, %ne3A_954 : i32
      %lt3A_956 = arith.constant 0 : i32
      %lt3A_957 = arith.cmpi slt, %rem3A_953, %lt3A_956 : i32
      %lt3A_958 = arith.constant 0 : i32
      %lt3A_959 = arith.cmpi slt, %select_n3A_952, %lt3A_958 : i32
      %ne3A_960 = arith.xori %lt3A_957, %lt3A_959 : i1
      %and3A_961 = arith.andi %ne3A_960, %ne3A_955 : i1
      %add3A_962 = arith.addi %rem3A_953, %select_n3A_952 : i32
      %select_n3A_963 = arith.select %and3A_961, %add3A_962, %rem3A_953 : i32
      %mul3A_964 = arith.constant 8 : i32
      %mul3A_965 = arith.muli %add3A_879, %mul3A_964 : i32
      %add3A_966 = arith.addi %mul3A_2, %mul3A_965 : i32
      %dma_start3A_967 = arith.constant 0 : i32
      %dma_start3A_968 = arith.constant 0 : i32
      %dma_start3A_969 = arith.constant 0 : i32
      %dma_start3A_970 = tpu.memref_slice %arg7[%select_n3A_963, %dma_start3A_967, %dma_start3A_968, %dma_start3A_969] : memref<4x4x8x768xf32, #tpu.memory_space<vmem>> -> memref<1x4x8x768xf32, #tpu.memory_space<vmem>>
      %dma_start3A_971 = tpu.memref_squeeze %dma_start3A_970 : memref<1x4x8x768xf32, #tpu.memory_space<vmem>> -> memref<4x8x768xf32, #tpu.memory_space<vmem>>
      %dma_start3A_972 = arith.constant 0 : i32
      %dma_start3A_973 = arith.constant 0 : i32
      %dma_start3A_974 = tpu.memref_slice %arg5[%dma_start3A_972, %add3A_966, %dma_start3A_973] : memref<4x8192x768xf32, #tpu.memory_space<hbm>> -> memref<4x8x768xf32, #tpu.memory_space<hbm>>
      %dma_start3A_975 = tpu.memref_slice %arg11[%select_n3A_963] : memref<4x!tpu.dma_semaphore, #tpu.memory_space<semaphore_mem>> -> memref<1x!tpu.dma_semaphore, #tpu.memory_space<semaphore_mem>>
      %dma_start3A_976 = tpu.memref_squeeze %dma_start3A_975 : memref<1x!tpu.dma_semaphore, #tpu.memory_space<semaphore_mem>> -> memref<!tpu.dma_semaphore, #tpu.memory_space<semaphore_mem>>
      %dma_start3A_977 = arith.constant 0 : i32
      %dma_start3A_978 = arith.constant 0 : i32
      %dma_start3A_979 = tpu.memref_slice %arg5[%dma_start3A_977, %add3A_966, %dma_start3A_978] : memref<4x8192x768xf32, #tpu.memory_space<hbm>> -> memref<4x8x768xf32, #tpu.memory_space<hbm>>
      %dma_start3A_980 = arith.constant 0 : i32
      %dma_start3A_981 = arith.constant 0 : i32
      %dma_start3A_982 = arith.constant 0 : i32
      %dma_start3A_983 = tpu.memref_slice %arg7[%select_n3A_963, %dma_start3A_980, %dma_start3A_981, %dma_start3A_982] : memref<4x4x8x768xf32, #tpu.memory_space<vmem>> -> memref<1x4x8x768xf32, #tpu.memory_space<vmem>>
      %dma_start3A_984 = tpu.memref_squeeze %dma_start3A_983 : memref<1x4x8x768xf32, #tpu.memory_space<vmem>> -> memref<4x8x768xf32, #tpu.memory_space<vmem>>
      tpu.enqueue_dma source(%dma_start3A_984 : memref<4x8x768xf32, #tpu.memory_space<vmem>>) target(%dma_start3A_979 : memref<4x8x768xf32, #tpu.memory_space<hbm>>) target_semaphore(%dma_start3A_976 : memref<!tpu.dma_semaphore, #tpu.memory_space<semaphore_mem>>)
      %sub3A_985 = arith.constant 1 : i32
      %sub3A_986 = arith.subi %add3A_879, %sub3A_985 : i32
      %jit3A_987 = arith.constant 4 : i32
      %eq3A_988 = arith.constant 0 : i32
      %eq3A_989 = arith.cmpi eq, %jit3A_987, %eq3A_988 : i32
      %jit3A_990 = arith.constant 1 : i32
      %select_n3A_991 = arith.select %eq3A_989, %jit3A_990, %jit3A_987 : i32
      %rem3A_992 = arith.remsi %sub3A_986, %select_n3A_991 : i32
      %ne3A_993 = arith.constant 0 : i32
      %ne3A_994 = arith.cmpi ne, %rem3A_992, %ne3A_993 : i32
      %lt3A_995 = arith.constant 0 : i32
      %lt3A_996 = arith.cmpi slt, %rem3A_992, %lt3A_995 : i32
      %lt3A_997 = arith.constant 0 : i32
      %lt3A_998 = arith.cmpi slt, %select_n3A_991, %lt3A_997 : i32
      %ne3A_999 = arith.xori %lt3A_996, %lt3A_998 : i1
      %and3A_1000 = arith.andi %ne3A_999, %ne3A_994 : i1
      %add3A_1001 = arith.addi %rem3A_992, %select_n3A_991 : i32
      %select_n3A_1002 = arith.select %and3A_1000, %add3A_1001, %rem3A_992 : i32
      %mul3A_1003 = arith.constant 8 : i32
      %mul3A_1004 = arith.muli %sub3A_986, %mul3A_1003 : i32
      %add3A_1005 = arith.addi %mul3A_2, %mul3A_1004 : i32
      %dma_wait3A_1006 = arith.constant 0 : i32
      %dma_wait3A_1007 = arith.constant 0 : i32
      %dma_wait3A_1008 = arith.constant 0 : i32
      %dma_wait3A_1009 = tpu.memref_slice %arg7[%select_n3A_1002, %dma_wait3A_1006, %dma_wait3A_1007, %dma_wait3A_1008] : memref<4x4x8x768xf32, #tpu.memory_space<vmem>> -> memref<1x4x8x768xf32, #tpu.memory_space<vmem>>
      %dma_wait3A_1010 = tpu.memref_squeeze %dma_wait3A_1009 : memref<1x4x8x768xf32, #tpu.memory_space<vmem>> -> memref<4x8x768xf32, #tpu.memory_space<vmem>>
      %dma_wait3A_1011 = arith.constant 0 : i32
      %dma_wait3A_1012 = arith.constant 0 : i32
      %dma_wait3A_1013 = tpu.memref_slice %arg5[%dma_wait3A_1011, %add3A_1005, %dma_wait3A_1012] : memref<4x8192x768xf32, #tpu.memory_space<hbm>> -> memref<4x8x768xf32, #tpu.memory_space<hbm>>
      %dma_wait3A_1014 = tpu.memref_slice %arg11[%select_n3A_1002] : memref<4x!tpu.dma_semaphore, #tpu.memory_space<semaphore_mem>> -> memref<1x!tpu.dma_semaphore, #tpu.memory_space<semaphore_mem>>
      %dma_wait3A_1015 = tpu.memref_squeeze %dma_wait3A_1014 : memref<1x!tpu.dma_semaphore, #tpu.memory_space<semaphore_mem>> -> memref<!tpu.dma_semaphore, #tpu.memory_space<semaphore_mem>>
      %dma_wait3A_1016 = arith.constant 0 : i32
      %dma_wait3A_1017 = arith.constant 0 : i32
      %dma_wait3A_1018 = tpu.memref_slice %arg5[%dma_wait3A_1016, %add3A_1005, %dma_wait3A_1017] : memref<4x8192x768xf32, #tpu.memory_space<hbm>> -> memref<4x8x768xf32, #tpu.memory_space<hbm>>
      %dma_wait3A_1019 = arith.constant 0 : i32
      %dma_wait3A_1020 = arith.constant 0 : i32
      %dma_wait3A_1021 = arith.constant 0 : i32
      %dma_wait3A_1022 = tpu.memref_slice %arg7[%select_n3A_1002, %dma_wait3A_1019, %dma_wait3A_1020, %dma_wait3A_1021] : memref<4x4x8x768xf32, #tpu.memory_space<vmem>> -> memref<1x4x8x768xf32, #tpu.memory_space<vmem>>
      %dma_wait3A_1023 = tpu.memref_squeeze %dma_wait3A_1022 : memref<1x4x8x768xf32, #tpu.memory_space<vmem>> -> memref<4x8x768xf32, #tpu.memory_space<vmem>>
      tpu.wait_dma2 semaphore(%dma_wait3A_1015 : memref<!tpu.dma_semaphore, #tpu.memory_space<semaphore_mem>>) src(%dma_wait3A_1023 : memref<4x8x768xf32, #tpu.memory_space<vmem>>) dst(%dma_wait3A_1018 : memref<4x8x768xf32, #tpu.memory_space<hbm>>)
      %add3A_1024 = arith.constant 4 : i32
      %add3A_1025 = arith.addi %add3A_879, %add3A_1024 : i32
      %sub3A_1026 = arith.constant 1 : i32
      %sub3A_1027 = arith.subi %add3A_1025, %sub3A_1026 : i32
      %jit3A_1028 = arith.constant 4 : i32
      %eq3A_1029 = arith.constant 0 : i32
      %eq3A_1030 = arith.cmpi eq, %jit3A_1028, %eq3A_1029 : i32
      %jit3A_1031 = arith.constant 1 : i32
      %select_n3A_1032 = arith.select %eq3A_1030, %jit3A_1031, %jit3A_1028 : i32
      %rem3A_1033 = arith.remsi %sub3A_1027, %select_n3A_1032 : i32
      %ne3A_1034 = arith.constant 0 : i32
      %ne3A_1035 = arith.cmpi ne, %rem3A_1033, %ne3A_1034 : i32
      %lt3A_1036 = arith.constant 0 : i32
      %lt3A_1037 = arith.cmpi slt, %rem3A_1033, %lt3A_1036 : i32
      %lt3A_1038 = arith.constant 0 : i32
      %lt3A_1039 = arith.cmpi slt, %select_n3A_1032, %lt3A_1038 : i32
      %ne3A_1040 = arith.xori %lt3A_1037, %lt3A_1039 : i1
      %and3A_1041 = arith.andi %ne3A_1040, %ne3A_1035 : i1
      %add3A_1042 = arith.addi %rem3A_1033, %select_n3A_1032 : i32
      %select_n3A_1043 = arith.select %and3A_1041, %add3A_1042, %rem3A_1033 : i32
      %mul3A_1044 = arith.constant 8 : i32
      %mul3A_1045 = arith.muli %sub3A_1027, %mul3A_1044 : i32
      %add3A_1046 = arith.addi %mul3A_2, %mul3A_1045 : i32
      %dma_start3A_1047 = arith.constant 0 : i32
      %dma_start3A_1048 = arith.constant 0 : i32
      %dma_start3A_1049 = arith.constant 0 : i32
      %dma_start3A_1050 = tpu.memref_slice %arg7[%select_n3A_1043, %dma_start3A_1047, %dma_start3A_1048, %dma_start3A_1049] : memref<4x4x8x768xf32, #tpu.memory_space<vmem>> -> memref<1x4x8x768xf32, #tpu.memory_space<vmem>>
      %dma_start3A_1051 = tpu.memref_squeeze %dma_start3A_1050 : memref<1x4x8x768xf32, #tpu.memory_space<vmem>> -> memref<4x8x768xf32, #tpu.memory_space<vmem>>
      %dma_start3A_1052 = arith.constant 0 : i32
      %dma_start3A_1053 = arith.constant 0 : i32
      %dma_start3A_1054 = tpu.memref_slice %arg2[%dma_start3A_1052, %add3A_1046, %dma_start3A_1053] : memref<4x8192x768xf32, #tpu.memory_space<hbm>> -> memref<4x8x768xf32, #tpu.memory_space<hbm>>
      %dma_start3A_1055 = tpu.memref_slice %arg9[%select_n3A_1043] : memref<4x!tpu.dma_semaphore, #tpu.memory_space<semaphore_mem>> -> memref<1x!tpu.dma_semaphore, #tpu.memory_space<semaphore_mem>>
      %dma_start3A_1056 = tpu.memref_squeeze %dma_start3A_1055 : memref<1x!tpu.dma_semaphore, #tpu.memory_space<semaphore_mem>> -> memref<!tpu.dma_semaphore, #tpu.memory_space<semaphore_mem>>
      %dma_start3A_1057 = arith.constant 0 : i32
      %dma_start3A_1058 = arith.constant 0 : i32
      %dma_start3A_1059 = arith.constant 0 : i32
      %dma_start3A_1060 = tpu.memref_slice %arg7[%select_n3A_1043, %dma_start3A_1057, %dma_start3A_1058, %dma_start3A_1059] : memref<4x4x8x768xf32, #tpu.memory_space<vmem>> -> memref<1x4x8x768xf32, #tpu.memory_space<vmem>>
      %dma_start3A_1061 = tpu.memref_squeeze %dma_start3A_1060 : memref<1x4x8x768xf32, #tpu.memory_space<vmem>> -> memref<4x8x768xf32, #tpu.memory_space<vmem>>
      %dma_start3A_1062 = arith.constant 0 : i32
      %dma_start3A_1063 = arith.constant 0 : i32
      %dma_start3A_1064 = tpu.memref_slice %arg2[%dma_start3A_1062, %add3A_1046, %dma_start3A_1063] : memref<4x8192x768xf32, #tpu.memory_space<hbm>> -> memref<4x8x768xf32, #tpu.memory_space<hbm>>
      tpu.enqueue_dma source(%dma_start3A_1064 : memref<4x8x768xf32, #tpu.memory_space<hbm>>) target(%dma_start3A_1061 : memref<4x8x768xf32, #tpu.memory_space<vmem>>) target_semaphore(%dma_start3A_1056 : memref<!tpu.dma_semaphore, #tpu.memory_space<semaphore_mem>>)
      %mul3A_1065 = arith.constant 8 : i32
      %mul3A_1066 = arith.muli %sub3A_1027, %mul3A_1065 : i32
      %dma_start3A_1067 = arith.constant 0 : i32
      %dma_start3A_1068 = arith.constant 0 : i32
      %dma_start3A_1069 = tpu.memref_slice %arg8[%select_n3A_1043, %dma_start3A_1067, %dma_start3A_1068] : memref<4x8x768xf32, #tpu.memory_space<vmem>> -> memref<1x8x768xf32, #tpu.memory_space<vmem>>
      %dma_start3A_1070 = tpu.memref_squeeze %dma_start3A_1069 : memref<1x8x768xf32, #tpu.memory_space<vmem>> -> memref<8x768xf32, #tpu.memory_space<vmem>>
      %dma_start3A_1071 = tpu.memref_slice %arg6[%mul3A_1066] : memref<256xi32, #tpu.memory_space<vmem>> -> memref<8xi32, #tpu.memory_space<vmem>>
      %dma_start3A_1072 = arith.constant 0 : i32
      %dma_start3A_1073 = arith.constant 0 : i32
      %dma_start3A_1074 = tpu.memref_slice %arg3[%dma_start3A_1072, %dma_start3A_1073] : memref<8192x768xf32, #tpu.memory_space<hbm>> -> memref<8192x768xf32, #tpu.memory_space<hbm>>
      %dma_start3A_1075 = tpu.memref_slice %arg10[%select_n3A_1043] : memref<4x!tpu.dma_semaphore, #tpu.memory_space<semaphore_mem>> -> memref<1x!tpu.dma_semaphore, #tpu.memory_space<semaphore_mem>>
      %dma_start3A_1076 = tpu.memref_squeeze %dma_start3A_1075 : memref<1x!tpu.dma_semaphore, #tpu.memory_space<semaphore_mem>> -> memref<!tpu.dma_semaphore, #tpu.memory_space<semaphore_mem>>
      tpu.enqueue_indirect_dma source(%dma_start3A_1074 : memref<8192x768xf32, #tpu.memory_space<hbm>>) target(%dma_start3A_1070 : memref<8x768xf32, #tpu.memory_space<vmem>>) offsets(%dma_start3A_1071 : memref<8xi32, #tpu.memory_space<vmem>>) semaphore(%dma_start3A_1076 : memref<!tpu.dma_semaphore, #tpu.memory_space<semaphore_mem>>)
      %mul3A_1077 = arith.constant 4 : i32
      %mul3A_1078 = arith.muli %mul3A_1077, %scan3A_474 : i32
      %add3A_1079 = arith.constant 1 : i32
      %add3A_1080 = arith.addi %add3A_1079, %mul3A_1078 : i32
      %add3A_1081 = arith.constant 3 : i32
      %add3A_1082 = arith.addi %add3A_1080, %add3A_1081 : i32
      %jit3A_1083 = arith.constant 4 : i32
      %eq3A_1084 = arith.constant 0 : i32
      %eq3A_1085 = arith.cmpi eq, %jit3A_1083, %eq3A_1084 : i32
      %jit3A_1086 = arith.constant 1 : i32
      %select_n3A_1087 = arith.select %eq3A_1085, %jit3A_1086, %jit3A_1083 : i32
      %rem3A_1088 = arith.remsi %add3A_1082, %select_n3A_1087 : i32
      %ne3A_1089 = arith.constant 0 : i32
      %ne3A_1090 = arith.cmpi ne, %rem3A_1088, %ne3A_1089 : i32
      %lt3A_1091 = arith.constant 0 : i32
      %lt3A_1092 = arith.cmpi slt, %rem3A_1088, %lt3A_1091 : i32
      %lt3A_1093 = arith.constant 0 : i32
      %lt3A_1094 = arith.cmpi slt, %select_n3A_1087, %lt3A_1093 : i32
      %ne3A_1095 = arith.xori %lt3A_1092, %lt3A_1094 : i1
      %and3A_1096 = arith.andi %ne3A_1095, %ne3A_1090 : i1
      %add3A_1097 = arith.addi %rem3A_1088, %select_n3A_1087 : i32
      %select_n3A_1098 = arith.select %and3A_1096, %add3A_1097, %rem3A_1088 : i32
      %mul3A_1099 = arith.constant 8 : i32
      %mul3A_1100 = arith.muli %add3A_1082, %mul3A_1099 : i32
      %add3A_1101 = arith.addi %mul3A_2, %mul3A_1100 : i32
      %dma_wait3A_1102 = arith.constant 0 : i32
      %dma_wait3A_1103 = arith.constant 0 : i32
      %dma_wait3A_1104 = arith.constant 0 : i32
      %dma_wait3A_1105 = tpu.memref_slice %arg7[%select_n3A_1098, %dma_wait3A_1102, %dma_wait3A_1103, %dma_wait3A_1104] : memref<4x4x8x768xf32, #tpu.memory_space<vmem>> -> memref<1x4x8x768xf32, #tpu.memory_space<vmem>>
      %dma_wait3A_1106 = tpu.memref_squeeze %dma_wait3A_1105 : memref<1x4x8x768xf32, #tpu.memory_space<vmem>> -> memref<4x8x768xf32, #tpu.memory_space<vmem>>
      %dma_wait3A_1107 = arith.constant 0 : i32
      %dma_wait3A_1108 = arith.constant 0 : i32
      %dma_wait3A_1109 = tpu.memref_slice %arg2[%dma_wait3A_1107, %add3A_1101, %dma_wait3A_1108] : memref<4x8192x768xf32, #tpu.memory_space<hbm>> -> memref<4x8x768xf32, #tpu.memory_space<hbm>>
      %dma_wait3A_1110 = tpu.memref_slice %arg9[%select_n3A_1098] : memref<4x!tpu.dma_semaphore, #tpu.memory_space<semaphore_mem>> -> memref<1x!tpu.dma_semaphore, #tpu.memory_space<semaphore_mem>>
      %dma_wait3A_1111 = tpu.memref_squeeze %dma_wait3A_1110 : memref<1x!tpu.dma_semaphore, #tpu.memory_space<semaphore_mem>> -> memref<!tpu.dma_semaphore, #tpu.memory_space<semaphore_mem>>
      %dma_wait3A_1112 = arith.constant 0 : i32
      %dma_wait3A_1113 = arith.constant 0 : i32
      %dma_wait3A_1114 = arith.constant 0 : i32
      %dma_wait3A_1115 = tpu.memref_slice %arg7[%select_n3A_1098, %dma_wait3A_1112, %dma_wait3A_1113, %dma_wait3A_1114] : memref<4x4x8x768xf32, #tpu.memory_space<vmem>> -> memref<1x4x8x768xf32, #tpu.memory_space<vmem>>
      %dma_wait3A_1116 = tpu.memref_squeeze %dma_wait3A_1115 : memref<1x4x8x768xf32, #tpu.memory_space<vmem>> -> memref<4x8x768xf32, #tpu.memory_space<vmem>>
      %dma_wait3A_1117 = arith.constant 0 : i32
      %dma_wait3A_1118 = arith.constant 0 : i32
      %dma_wait3A_1119 = tpu.memref_slice %arg2[%dma_wait3A_1117, %add3A_1101, %dma_wait3A_1118] : memref<4x8192x768xf32, #tpu.memory_space<hbm>> -> memref<4x8x768xf32, #tpu.memory_space<hbm>>
      tpu.wait_dma2 semaphore(%dma_wait3A_1111 : memref<!tpu.dma_semaphore, #tpu.memory_space<semaphore_mem>>) src(%dma_wait3A_1119 : memref<4x8x768xf32, #tpu.memory_space<hbm>>) dst(%dma_wait3A_1116 : memref<4x8x768xf32, #tpu.memory_space<vmem>>)
      %mul3A_1120 = arith.constant 8 : i32
      %mul3A_1121 = arith.muli %add3A_1082, %mul3A_1120 : i32
      %dma_wait3A_1122 = arith.constant 0 : i32
      %dma_wait3A_1123 = arith.constant 0 : i32
      %dma_wait3A_1124 = tpu.memref_slice %arg8[%select_n3A_1098, %dma_wait3A_1122, %dma_wait3A_1123] : memref<4x8x768xf32, #tpu.memory_space<vmem>> -> memref<1x8x768xf32, #tpu.memory_space<vmem>>
      %dma_wait3A_1125 = tpu.memref_squeeze %dma_wait3A_1124 : memref<1x8x768xf32, #tpu.memory_space<vmem>> -> memref<8x768xf32, #tpu.memory_space<vmem>>
      %dma_wait3A_1126 = tpu.memref_slice %arg6[%mul3A_1121] : memref<256xi32, #tpu.memory_space<vmem>> -> memref<8xi32, #tpu.memory_space<vmem>>
      %dma_wait3A_1127 = arith.constant 0 : i32
      %dma_wait3A_1128 = arith.constant 0 : i32
      %dma_wait3A_1129 = tpu.memref_slice %arg3[%dma_wait3A_1127, %dma_wait3A_1128] : memref<8192x768xf32, #tpu.memory_space<hbm>> -> memref<8192x768xf32, #tpu.memory_space<hbm>>
      %dma_wait3A_1130 = tpu.memref_slice %arg10[%select_n3A_1098] : memref<4x!tpu.dma_semaphore, #tpu.memory_space<semaphore_mem>> -> memref<1x!tpu.dma_semaphore, #tpu.memory_space<semaphore_mem>>
      %dma_wait3A_1131 = tpu.memref_squeeze %dma_wait3A_1130 : memref<1x!tpu.dma_semaphore, #tpu.memory_space<semaphore_mem>> -> memref<!tpu.dma_semaphore, #tpu.memory_space<semaphore_mem>>
      tpu.wait_indirect_dma semaphore(%dma_wait3A_1131 : memref<!tpu.dma_semaphore, #tpu.memory_space<semaphore_mem>>) src(%dma_wait3A_1129 : memref<8192x768xf32, #tpu.memory_space<hbm>>) dst(%dma_wait3A_1125 : memref<8x768xf32, #tpu.memory_space<vmem>>)
      %jit3A_1132 = arith.constant 4 : i32
      %eq3A_1133 = arith.constant 0 : i32
      %eq3A_1134 = arith.cmpi eq, %jit3A_1132, %eq3A_1133 : i32
      %jit3A_1135 = arith.constant 1 : i32
      %select_n3A_1136 = arith.select %eq3A_1134, %jit3A_1135, %jit3A_1132 : i32
      %rem3A_1137 = arith.remsi %add3A_1082, %select_n3A_1136 : i32
      %ne3A_1138 = arith.constant 0 : i32
      %ne3A_1139 = arith.cmpi ne, %rem3A_1137, %ne3A_1138 : i32
      %lt3A_1140 = arith.constant 0 : i32
      %lt3A_1141 = arith.cmpi slt, %rem3A_1137, %lt3A_1140 : i32
      %lt3A_1142 = arith.constant 0 : i32
      %lt3A_1143 = arith.cmpi slt, %select_n3A_1136, %lt3A_1142 : i32
      %ne3A_1144 = arith.xori %lt3A_1141, %lt3A_1143 : i1
      %and3A_1145 = arith.andi %ne3A_1144, %ne3A_1139 : i1
      %add3A_1146 = arith.addi %rem3A_1137, %select_n3A_1136 : i32
      %select_n3A_1147 = arith.select %and3A_1145, %add3A_1146, %rem3A_1137 : i32
      %parallel_loop3A_1148 = arith.constant 0 : i32
      %parallel_loop3A_1149 = arith.constant 8 : i32
      %parallel_loop3A_1150 = arith.constant 1 : i32
      scf.for %parallel_loop3A_1281 = %parallel_loop3A_1148 to %parallel_loop3A_1149 step %parallel_loop3A_1150  : i32 {
        %parallel_loop3A_1282 = arith.constant 0 : i32
        %parallel_loop3A_1283 = arith.constant 48 : i32
        %parallel_loop3A_1284 = arith.constant 1 : i32
        scf.for %parallel_loop3A_1285 = %parallel_loop3A_1282 to %parallel_loop3A_1283 step %parallel_loop3A_1284  : i32 {
          %parallel_loop3A_1286 = arith.constant 16 : i32
          %parallel_loop3A_1287 = arith.muli %parallel_loop3A_1285, %parallel_loop3A_1286 : i32
          %parallel_loop3A_1288 = arith.index_cast %select_n3A_1147 : i32 to index
          %parallel_loop3A_1289 = arith.index_cast %parallel_loop3A_1281 : i32 to index
          %parallel_loop3A_1290 = arith.index_cast %parallel_loop3A_1287 : i32 to index
          %parallel_loop3A_1291 = tpu.vector_load %arg8[%parallel_loop3A_1288, %parallel_loop3A_1289, %parallel_loop3A_1290] {strides = array<i32>} : memref<4x8x768xf32, #tpu.memory_space<vmem>>, vector<1x1x16xf32>,
          %parallel_loop3A_1292 = vector.shape_cast %parallel_loop3A_1291 : vector<1x1x16xf32> to vector<16xf32>
          %parallel_loop3A_1293 = arith.constant 16 : i32
          %parallel_loop3A_1294 = arith.muli %parallel_loop3A_1285, %parallel_loop3A_1293 : i32
          %parallel_loop3A_1295 = arith.constant 0 : i32
          %parallel_loop3A_1296 = arith.index_cast %select_n3A_1147 : i32 to index
          %parallel_loop3A_1297 = arith.index_cast %parallel_loop3A_1295 : i32 to index
          %parallel_loop3A_1298 = arith.index_cast %parallel_loop3A_1281 : i32 to index
          %parallel_loop3A_1299 = arith.index_cast %parallel_loop3A_1294 : i32 to index
          %parallel_loop3A_1300 = tpu.vector_load %arg7[%parallel_loop3A_1296, %parallel_loop3A_1297, %parallel_loop3A_1298, %parallel_loop3A_1299] {strides = array<i32>} : memref<4x4x8x768xf32, #tpu.memory_space<vmem>>, vector<1x1x1x16xf32>,
          %parallel_loop3A_1301 = vector.shape_cast %parallel_loop3A_1300 : vector<1x1x1x16xf32> to vector<16xf32>
          %parallel_loop3A_1302 = vector.shape_cast %parallel_loop3A_1292 : vector<16xf32> to vector<1x1x1x16xf32>
          tpu.vector_store %arg7[%parallel_loop3A_1296, %parallel_loop3A_1297, %parallel_loop3A_1298, %parallel_loop3A_1299], %parallel_loop3A_1302 {add = true, strides = array<i32>} : memref<4x4x8x768xf32, #tpu.memory_space<vmem>>, vector<1x1x1x16xf32>,
          %parallel_loop3A_1303 = arith.constant 16 : i32
          %parallel_loop3A_1304 = arith.muli %parallel_loop3A_1285, %parallel_loop3A_1303 : i32
          %parallel_loop3A_1305 = arith.constant 1 : i32
          %parallel_loop3A_1306 = arith.index_cast %select_n3A_1147 : i32 to index
          %parallel_loop3A_1307 = arith.index_cast %parallel_loop3A_1305 : i32 to index
          %parallel_loop3A_1308 = arith.index_cast %parallel_loop3A_1281 : i32 to index
          %parallel_loop3A_1309 = arith.index_cast %parallel_loop3A_1304 : i32 to index
          %parallel_loop3A_1310 = tpu.vector_load %arg7[%parallel_loop3A_1306, %parallel_loop3A_1307, %parallel_loop3A_1308, %parallel_loop3A_1309] {strides = array<i32>} : memref<4x4x8x768xf32, #tpu.memory_space<vmem>>, vector<1x1x1x16xf32>,
          %parallel_loop3A_1311 = vector.shape_cast %parallel_loop3A_1310 : vector<1x1x1x16xf32> to vector<16xf32>
          %parallel_loop3A_1312 = vector.shape_cast %parallel_loop3A_1292 : vector<16xf32> to vector<1x1x1x16xf32>
          tpu.vector_store %arg7[%parallel_loop3A_1306, %parallel_loop3A_1307, %parallel_loop3A_1308, %parallel_loop3A_1309], %parallel_loop3A_1312 {add = true, strides = array<i32>} : memref<4x4x8x768xf32, #tpu.memory_space<vmem>>, vector<1x1x1x16xf32>,
          %parallel_loop3A_1313 = arith.constant 16 : i32
          %parallel_loop3A_1314 = arith.muli %parallel_loop3A_1285, %parallel_loop3A_1313 : i32
          %parallel_loop3A_1315 = arith.constant 2 : i32
          %parallel_loop3A_1316 = arith.index_cast %select_n3A_1147 : i32 to index
          %parallel_loop3A_1317 = arith.index_cast %parallel_loop3A_1315 : i32 to index
          %parallel_loop3A_1318 = arith.index_cast %parallel_loop3A_1281 : i32 to index
          %parallel_loop3A_1319 = arith.index_cast %parallel_loop3A_1314 : i32 to index
          %parallel_loop3A_1320 = tpu.vector_load %arg7[%parallel_loop3A_1316, %parallel_loop3A_1317, %parallel_loop3A_1318, %parallel_loop3A_1319] {strides = array<i32>} : memref<4x4x8x768xf32, #tpu.memory_space<vmem>>, vector<1x1x1x16xf32>,
          %parallel_loop3A_1321 = vector.shape_cast %parallel_loop3A_1320 : vector<1x1x1x16xf32> to vector<16xf32>
          %parallel_loop3A_1322 = vector.shape_cast %parallel_loop3A_1292 : vector<16xf32> to vector<1x1x1x16xf32>
          tpu.vector_store %arg7[%parallel_loop3A_1316, %parallel_loop3A_1317, %parallel_loop3A_1318, %parallel_loop3A_1319], %parallel_loop3A_1322 {add = true, strides = array<i32>} : memref<4x4x8x768xf32, #tpu.memory_space<vmem>>, vector<1x1x1x16xf32>,
          %parallel_loop3A_1323 = arith.constant 16 : i32
          %parallel_loop3A_1324 = arith.muli %parallel_loop3A_1285, %parallel_loop3A_1323 : i32
          %parallel_loop3A_1325 = arith.constant 3 : i32
          %parallel_loop3A_1326 = arith.index_cast %select_n3A_1147 : i32 to index
          %parallel_loop3A_1327 = arith.index_cast %parallel_loop3A_1325 : i32 to index
          %parallel_loop3A_1328 = arith.index_cast %parallel_loop3A_1281 : i32 to index
          %parallel_loop3A_1329 = arith.index_cast %parallel_loop3A_1324 : i32 to index
          %parallel_loop3A_1330 = tpu.vector_load %arg7[%parallel_loop3A_1326, %parallel_loop3A_1327, %parallel_loop3A_1328, %parallel_loop3A_1329] {strides = array<i32>} : memref<4x4x8x768xf32, #tpu.memory_space<vmem>>, vector<1x1x1x16xf32>,
          %parallel_loop3A_1331 = vector.shape_cast %parallel_loop3A_1330 : vector<1x1x1x16xf32> to vector<16xf32>
          %parallel_loop3A_1332 = vector.shape_cast %parallel_loop3A_1292 : vector<16xf32> to vector<1x1x1x16xf32>
          tpu.vector_store %arg7[%parallel_loop3A_1326, %parallel_loop3A_1327, %parallel_loop3A_1328, %parallel_loop3A_1329], %parallel_loop3A_1332 {add = true, strides = array<i32>} : memref<4x4x8x768xf32, #tpu.memory_space<vmem>>, vector<1x1x1x16xf32>,
        } {sc.loop_unroll_factor = 4 : i64, sc.parallel_access}
      } {sc.loop_unroll_factor = 1 : i64, sc.parallel_access}
      %jit3A_1151 = arith.constant 4 : i32
      %eq3A_1152 = arith.constant 0 : i32
      %eq3A_1153 = arith.cmpi eq, %jit3A_1151, %eq3A_1152 : i32
      %jit3A_1154 = arith.constant 1 : i32
      %select_n3A_1155 = arith.select %eq3A_1153, %jit3A_1154, %jit3A_1151 : i32
      %rem3A_1156 = arith.remsi %add3A_1082, %select_n3A_1155 : i32
      %ne3A_1157 = arith.constant 0 : i32
      %ne3A_1158 = arith.cmpi ne, %rem3A_1156, %ne3A_1157 : i32
      %lt3A_1159 = arith.constant 0 : i32
      %lt3A_1160 = arith.cmpi slt, %rem3A_1156, %lt3A_1159 : i32
      %lt3A_1161 = arith.constant 0 : i32
      %lt3A_1162 = arith.cmpi slt, %select_n3A_1155, %lt3A_1161 : i32
      %ne3A_1163 = arith.xori %lt3A_1160, %lt3A_1162 : i1
      %and3A_1164 = arith.andi %ne3A_1163, %ne3A_1158 : i1
      %add3A_1165 = arith.addi %rem3A_1156, %select_n3A_1155 : i32
      %select_n3A_1166 = arith.select %and3A_1164, %add3A_1165, %rem3A_1156 : i32
      %mul3A_1167 = arith.constant 8 : i32
      %mul3A_1168 = arith.muli %add3A_1082, %mul3A_1167 : i32
      %add3A_1169 = arith.addi %mul3A_2, %mul3A_1168 : i32
      %dma_start3A_1170 = arith.constant 0 : i32
      %dma_start3A_1171 = arith.constant 0 : i32
      %dma_start3A_1172 = arith.constant 0 : i32
      %dma_start3A_1173 = tpu.memref_slice %arg7[%select_n3A_1166, %dma_start3A_1170, %dma_start3A_1171, %dma_start3A_1172] : memref<4x4x8x768xf32, #tpu.memory_space<vmem>> -> memref<1x4x8x768xf32, #tpu.memory_space<vmem>>
      %dma_start3A_1174 = tpu.memref_squeeze %dma_start3A_1173 : memref<1x4x8x768xf32, #tpu.memory_space<vmem>> -> memref<4x8x768xf32, #tpu.memory_space<vmem>>
      %dma_start3A_1175 = arith.constant 0 : i32
      %dma_start3A_1176 = arith.constant 0 : i32
      %dma_start3A_1177 = tpu.memref_slice %arg5[%dma_start3A_1175, %add3A_1169, %dma_start3A_1176] : memref<4x8192x768xf32, #tpu.memory_space<hbm>> -> memref<4x8x768xf32, #tpu.memory_space<hbm>>
      %dma_start3A_1178 = tpu.memref_slice %arg11[%select_n3A_1166] : memref<4x!tpu.dma_semaphore, #tpu.memory_space<semaphore_mem>> -> memref<1x!tpu.dma_semaphore, #tpu.memory_space<semaphore_mem>>
      %dma_start3A_1179 = tpu.memref_squeeze %dma_start3A_1178 : memref<1x!tpu.dma_semaphore, #tpu.memory_space<semaphore_mem>> -> memref<!tpu.dma_semaphore, #tpu.memory_space<semaphore_mem>>
      %dma_start3A_1180 = arith.constant 0 : i32
      %dma_start3A_1181 = arith.constant 0 : i32
      %dma_start3A_1182 = tpu.memref_slice %arg5[%dma_start3A_1180, %add3A_1169, %dma_start3A_1181] : memref<4x8192x768xf32, #tpu.memory_space<hbm>> -> memref<4x8x768xf32, #tpu.memory_space<hbm>>
      %dma_start3A_1183 = arith.constant 0 : i32
      %dma_start3A_1184 = arith.constant 0 : i32
      %dma_start3A_1185 = arith.constant 0 : i32
      %dma_start3A_1186 = tpu.memref_slice %arg7[%select_n3A_1166, %dma_start3A_1183, %dma_start3A_1184, %dma_start3A_1185] : memref<4x4x8x768xf32, #tpu.memory_space<vmem>> -> memref<1x4x8x768xf32, #tpu.memory_space<vmem>>
      %dma_start3A_1187 = tpu.memref_squeeze %dma_start3A_1186 : memref<1x4x8x768xf32, #tpu.memory_space<vmem>> -> memref<4x8x768xf32, #tpu.memory_space<vmem>>
      tpu.enqueue_dma source(%dma_start3A_1187 : memref<4x8x768xf32, #tpu.memory_space<vmem>>) target(%dma_start3A_1182 : memref<4x8x768xf32, #tpu.memory_space<hbm>>) target_semaphore(%dma_start3A_1179 : memref<!tpu.dma_semaphore, #tpu.memory_space<semaphore_mem>>)
      %sub3A_1188 = arith.constant 1 : i32
      %sub3A_1189 = arith.subi %add3A_1082, %sub3A_1188 : i32
      %jit3A_1190 = arith.constant 4 : i32
      %eq3A_1191 = arith.constant 0 : i32
      %eq3A_1192 = arith.cmpi eq, %jit3A_1190, %eq3A_1191 : i32
      %jit3A_1193 = arith.constant 1 : i32
      %select_n3A_1194 = arith.select %eq3A_1192, %jit3A_1193, %jit3A_1190 : i32
      %rem3A_1195 = arith.remsi %sub3A_1189, %select_n3A_1194 : i32
      %ne3A_1196 = arith.constant 0 : i32
      %ne3A_1197 = arith.cmpi ne, %rem3A_1195, %ne3A_1196 : i32
      %lt3A_1198 = arith.constant 0 : i32
      %lt3A_1199 = arith.cmpi slt, %rem3A_1195, %lt3A_1198 : i32
      %lt3A_1200 = arith.constant 0 : i32
      %lt3A_1201 = arith.cmpi slt, %select_n3A_1194, %lt3A_1200 : i32
      %ne3A_1202 = arith.xori %lt3A_1199, %lt3A_1201 : i1
      %and3A_1203 = arith.andi %ne3A_1202, %ne3A_1197 : i1
      %add3A_1204 = arith.addi %rem3A_1195, %select_n3A_1194 : i32
      %select_n3A_1205 = arith.select %and3A_1203, %add3A_1204, %rem3A_1195 : i32
      %mul3A_1206 = arith.constant 8 : i32
      %mul3A_1207 = arith.muli %sub3A_1189, %mul3A_1206 : i32
      %add3A_1208 = arith.addi %mul3A_2, %mul3A_1207 : i32
      %dma_wait3A_1209 = arith.constant 0 : i32
      %dma_wait3A_1210 = arith.constant 0 : i32
      %dma_wait3A_1211 = arith.constant 0 : i32
      %dma_wait3A_1212 = tpu.memref_slice %arg7[%select_n3A_1205, %dma_wait3A_1209, %dma_wait3A_1210, %dma_wait3A_1211] : memref<4x4x8x768xf32, #tpu.memory_space<vmem>> -> memref<1x4x8x768xf32, #tpu.memory_space<vmem>>
      %dma_wait3A_1213 = tpu.memref_squeeze %dma_wait3A_1212 : memref<1x4x8x768xf32, #tpu.memory_space<vmem>> -> memref<4x8x768xf32, #tpu.memory_space<vmem>>
      %dma_wait3A_1214 = arith.constant 0 : i32
      %dma_wait3A_1215 = arith.constant 0 : i32
      %dma_wait3A_1216 = tpu.memref_slice %arg5[%dma_wait3A_1214, %add3A_1208, %dma_wait3A_1215] : memref<4x8192x768xf32, #tpu.memory_space<hbm>> -> memref<4x8x768xf32, #tpu.memory_space<hbm>>
      %dma_wait3A_1217 = tpu.memref_slice %arg11[%select_n3A_1205] : memref<4x!tpu.dma_semaphore, #tpu.memory_space<semaphore_mem>> -> memref<1x!tpu.dma_semaphore, #tpu.memory_space<semaphore_mem>>
      %dma_wait3A_1218 = tpu.memref_squeeze %dma_wait3A_1217 : memref<1x!tpu.dma_semaphore, #tpu.memory_space<semaphore_mem>> -> memref<!tpu.dma_semaphore, #tpu.memory_space<semaphore_mem>>
      %dma_wait3A_1219 = arith.constant 0 : i32
      %dma_wait3A_1220 = arith.constant 0 : i32
      %dma_wait3A_1221 = tpu.memref_slice %arg5[%dma_wait3A_1219, %add3A_1208, %dma_wait3A_1220] : memref<4x8192x768xf32, #tpu.memory_space<hbm>> -> memref<4x8x768xf32, #tpu.memory_space<hbm>>
      %dma_wait3A_1222 = arith.constant 0 : i32
      %dma_wait3A_1223 = arith.constant 0 : i32
      %dma_wait3A_1224 = arith.constant 0 : i32
      %dma_wait3A_1225 = tpu.memref_slice %arg7[%select_n3A_1205, %dma_wait3A_1222, %dma_wait3A_1223, %dma_wait3A_1224] : memref<4x4x8x768xf32, #tpu.memory_space<vmem>> -> memref<1x4x8x768xf32, #tpu.memory_space<vmem>>
      %dma_wait3A_1226 = tpu.memref_squeeze %dma_wait3A_1225 : memref<1x4x8x768xf32, #tpu.memory_space<vmem>> -> memref<4x8x768xf32, #tpu.memory_space<vmem>>
      tpu.wait_dma2 semaphore(%dma_wait3A_1218 : memref<!tpu.dma_semaphore, #tpu.memory_space<semaphore_mem>>) src(%dma_wait3A_1226 : memref<4x8x768xf32, #tpu.memory_space<vmem>>) dst(%dma_wait3A_1221 : memref<4x8x768xf32, #tpu.memory_space<hbm>>)
      %add3A_1227 = arith.constant 4 : i32
      %add3A_1228 = arith.addi %add3A_1082, %add3A_1227 : i32
      %sub3A_1229 = arith.constant 1 : i32
      %sub3A_1230 = arith.subi %add3A_1228, %sub3A_1229 : i32
      %jit3A_1231 = arith.constant 4 : i32
      %eq3A_1232 = arith.constant 0 : i32
      %eq3A_1233 = arith.cmpi eq, %jit3A_1231, %eq3A_1232 : i32
      %jit3A_1234 = arith.constant 1 : i32
      %select_n3A_1235 = arith.select %eq3A_1233, %jit3A_1234, %jit3A_1231 : i32
      %rem3A_1236 = arith.remsi %sub3A_1230, %select_n3A_1235 : i32
      %ne3A_1237 = arith.constant 0 : i32
      %ne3A_1238 = arith.cmpi ne, %rem3A_1236, %ne3A_1237 : i32
      %lt3A_1239 = arith.constant 0 : i32
      %lt3A_1240 = arith.cmpi slt, %rem3A_1236, %lt3A_1239 : i32
      %lt3A_1241 = arith.constant 0 : i32
      %lt3A_1242 = arith.cmpi slt, %select_n3A_1235, %lt3A_1241 : i32
      %ne3A_1243 = arith.xori %lt3A_1240, %lt3A_1242 : i1
      %and3A_1244 = arith.andi %ne3A_1243, %ne3A_1238 : i1
      %add3A_1245 = arith.addi %rem3A_1236, %select_n3A_1235 : i32
      %select_n3A_1246 = arith.select %and3A_1244, %add3A_1245, %rem3A_1236 : i32
      %mul3A_1247 = arith.constant 8 : i32
      %mul3A_1248 = arith.muli %sub3A_1230, %mul3A_1247 : i32
      %add3A_1249 = arith.addi %mul3A_2, %mul3A_1248 : i32
      %dma_start3A_1250 = arith.constant 0 : i32
      %dma_start3A_1251 = arith.constant 0 : i32
      %dma_start3A_1252 = arith.constant 0 : i32
      %dma_start3A_1253 = tpu.memref_slice %arg7[%select_n3A_1246, %dma_start3A_1250, %dma_start3A_1251, %dma_start3A_1252] : memref<4x4x8x768xf32, #tpu.memory_space<vmem>> -> memref<1x4x8x768xf32, #tpu.memory_space<vmem>>
      %dma_start3A_1254 = tpu.memref_squeeze %dma_start3A_1253 : memref<1x4x8x768xf32, #tpu.memory_space<vmem>> -> memref<4x8x768xf32, #tpu.memory_space<vmem>>
      %dma_start3A_1255 = arith.constant 0 : i32
      %dma_start3A_1256 = arith.constant 0 : i32
      %dma_start3A_1257 = tpu.memref_slice %arg2[%dma_start3A_1255, %add3A_1249, %dma_start3A_1256] : memref<4x8192x768xf32, #tpu.memory_space<hbm>> -> memref<4x8x768xf32, #tpu.memory_space<hbm>>
      %dma_start3A_1258 = tpu.memref_slice %arg9[%select_n3A_1246] : memref<4x!tpu.dma_semaphore, #tpu.memory_space<semaphore_mem>> -> memref<1x!tpu.dma_semaphore, #tpu.memory_space<semaphore_mem>>
      %dma_start3A_1259 = tpu.memref_squeeze %dma_start3A_1258 : memref<1x!tpu.dma_semaphore, #tpu.memory_space<semaphore_mem>> -> memref<!tpu.dma_semaphore, #tpu.memory_space<semaphore_mem>>
      %dma_start3A_1260 = arith.constant 0 : i32
      %dma_start3A_1261 = arith.constant 0 : i32
      %dma_start3A_1262 = arith.constant 0 : i32
      %dma_start3A_1263 = tpu.memref_slice %arg7[%select_n3A_1246, %dma_start3A_1260, %dma_start3A_1261, %dma_start3A_1262] : memref<4x4x8x768xf32, #tpu.memory_space<vmem>> -> memref<1x4x8x768xf32, #tpu.memory_space<vmem>>
      %dma_start3A_1264 = tpu.memref_squeeze %dma_start3A_1263 : memref<1x4x8x768xf32, #tpu.memory_space<vmem>> -> memref<4x8x768xf32, #tpu.memory_space<vmem>>
      %dma_start3A_1265 = arith.constant 0 : i32
      %dma_start3A_1266 = arith.constant 0 : i32
      %dma_start3A_1267 = tpu.memref_slice %arg2[%dma_start3A_1265, %add3A_1249, %dma_start3A_1266] : memref<4x8192x768xf32, #tpu.memory_space<hbm>> -> memref<4x8x768xf32, #tpu.memory_space<hbm>>
      tpu.enqueue_dma source(%dma_start3A_1267 : memref<4x8x768xf32, #tpu.memory_space<hbm>>) target(%dma_start3A_1264 : memref<4x8x768xf32, #tpu.memory_space<vmem>>) target_semaphore(%dma_start3A_1259 : memref<!tpu.dma_semaphore, #tpu.memory_space<semaphore_mem>>)
      %mul3A_1268 = arith.constant 8 : i32
      %mul3A_1269 = arith.muli %sub3A_1230, %mul3A_1268 : i32
      %dma_start3A_1270 = arith.constant 0 : i32
      %dma_start3A_1271 = arith.constant 0 : i32
      %dma_start3A_1272 = tpu.memref_slice %arg8[%select_n3A_1246, %dma_start3A_1270, %dma_start3A_1271] : memref<4x8x768xf32, #tpu.memory_space<vmem>> -> memref<1x8x768xf32, #tpu.memory_space<vmem>>
      %dma_start3A_1273 = tpu.memref_squeeze %dma_start3A_1272 : memref<1x8x768xf32, #tpu.memory_space<vmem>> -> memref<8x768xf32, #tpu.memory_space<vmem>>
      %dma_start3A_1274 = tpu.memref_slice %arg6[%mul3A_1269] : memref<256xi32, #tpu.memory_space<vmem>> -> memref<8xi32, #tpu.memory_space<vmem>>
      %dma_start3A_1275 = arith.constant 0 : i32
      %dma_start3A_1276 = arith.constant 0 : i32
      %dma_start3A_1277 = tpu.memref_slice %arg3[%dma_start3A_1275, %dma_start3A_1276] : memref<8192x768xf32, #tpu.memory_space<hbm>> -> memref<8192x768xf32, #tpu.memory_space<hbm>>
      %dma_start3A_1278 = tpu.memref_slice %arg10[%select_n3A_1246] : memref<4x!tpu.dma_semaphore, #tpu.memory_space<semaphore_mem>> -> memref<1x!tpu.dma_semaphore, #tpu.memory_space<semaphore_mem>>
      %dma_start3A_1279 = tpu.memref_squeeze %dma_start3A_1278 : memref<1x!tpu.dma_semaphore, #tpu.memory_space<semaphore_mem>> -> memref<!tpu.dma_semaphore, #tpu.memory_space<semaphore_mem>>
      tpu.enqueue_indirect_dma source(%dma_start3A_1277 : memref<8192x768xf32, #tpu.memory_space<hbm>>) target(%dma_start3A_1273 : memref<8x768xf32, #tpu.memory_space<vmem>>) offsets(%dma_start3A_1274 : memref<8xi32, #tpu.memory_space<vmem>>) semaphore(%dma_start3A_1279 : memref<!tpu.dma_semaphore, #tpu.memory_space<semaphore_mem>>)
      %scan3A_1280 = arith.constant 0 : i32
      scf.yield %scan3A_1280 : i32
    }
    %scan3A_205 = arith.constant 7 : i32
    %add3A_206 = arith.constant 232 : i32
    %add3A_207 = arith.addi %mul3A_2, %add3A_206 : i32
    %dma_wait3A_208 = arith.constant 1 : i32
    %dma_wait3A_209 = arith.constant 1 : i32
    %dma_wait3A_210 = arith.constant 0 : i32
    %dma_wait3A_211 = arith.constant 0 : i32
    %dma_wait3A_212 = arith.constant 0 : i32
    %dma_wait3A_213 = tpu.memref_slice %arg7[%dma_wait3A_208, %dma_wait3A_210, %dma_wait3A_211, %dma_wait3A_212] : memref<4x4x8x768xf32, #tpu.memory_space<vmem>> -> memref<1x4x8x768xf32, #tpu.memory_space<vmem>>
    %dma_wait3A_214 = tpu.memref_squeeze %dma_wait3A_213 : memref<1x4x8x768xf32, #tpu.memory_space<vmem>> -> memref<4x8x768xf32, #tpu.memory_space<vmem>>
    %dma_wait3A_215 = arith.constant 0 : i32
    %dma_wait3A_216 = arith.constant 0 : i32
    %dma_wait3A_217 = tpu.memref_slice %arg2[%dma_wait3A_215, %add3A_207, %dma_wait3A_216] : memref<4x8192x768xf32, #tpu.memory_space<hbm>> -> memref<4x8x768xf32, #tpu.memory_space<hbm>>
    %dma_wait3A_218 = tpu.memref_slice %arg9[%dma_wait3A_209] : memref<4x!tpu.dma_semaphore, #tpu.memory_space<semaphore_mem>> -> memref<1x!tpu.dma_semaphore, #tpu.memory_space<semaphore_mem>>
    %dma_wait3A_219 = tpu.memref_squeeze %dma_wait3A_218 : memref<1x!tpu.dma_semaphore, #tpu.memory_space<semaphore_mem>> -> memref<!tpu.dma_semaphore, #tpu.memory_space<semaphore_mem>>
    %dma_wait3A_220 = arith.constant 0 : i32
    %dma_wait3A_221 = arith.constant 0 : i32
    %dma_wait3A_222 = arith.constant 0 : i32
    %dma_wait3A_223 = tpu.memref_slice %arg7[%dma_wait3A_208, %dma_wait3A_220, %dma_wait3A_221, %dma_wait3A_222] : memref<4x4x8x768xf32, #tpu.memory_space<vmem>> -> memref<1x4x8x768xf32, #tpu.memory_space<vmem>>
    %dma_wait3A_224 = tpu.memref_squeeze %dma_wait3A_223 : memref<1x4x8x768xf32, #tpu.memory_space<vmem>> -> memref<4x8x768xf32, #tpu.memory_space<vmem>>
    %dma_wait3A_225 = arith.constant 0 : i32
    %dma_wait3A_226 = arith.constant 0 : i32
    %dma_wait3A_227 = tpu.memref_slice %arg2[%dma_wait3A_225, %add3A_207, %dma_wait3A_226] : memref<4x8192x768xf32, #tpu.memory_space<hbm>> -> memref<4x8x768xf32, #tpu.memory_space<hbm>>
    tpu.wait_dma2 semaphore(%dma_wait3A_219 : memref<!tpu.dma_semaphore, #tpu.memory_space<semaphore_mem>>) src(%dma_wait3A_227 : memref<4x8x768xf32, #tpu.memory_space<hbm>>) dst(%dma_wait3A_224 : memref<4x8x768xf32, #tpu.memory_space<vmem>>)
    %dma_wait3A_228 = arith.constant 1 : i32
    %dma_wait3A_229 = arith.constant 1 : i32
    %dma_wait3A_230 = arith.constant 0 : i32
    %dma_wait3A_231 = arith.constant 0 : i32
    %dma_wait3A_232 = tpu.memref_slice %arg8[%dma_wait3A_228, %dma_wait3A_230, %dma_wait3A_231] : memref<4x8x768xf32, #tpu.memory_space<vmem>> -> memref<1x8x768xf32, #tpu.memory_space<vmem>>
    %dma_wait3A_233 = tpu.memref_squeeze %dma_wait3A_232 : memref<1x8x768xf32, #tpu.memory_space<vmem>> -> memref<8x768xf32, #tpu.memory_space<vmem>>
    %dma_wait3A_234 = arith.constant 232 : i32
    %dma_wait3A_235 = tpu.memref_slice %arg6[%dma_wait3A_234] : memref<256xi32, #tpu.memory_space<vmem>> -> memref<8xi32, #tpu.memory_space<vmem>>
    %dma_wait3A_236 = arith.constant 0 : i32
    %dma_wait3A_237 = arith.constant 0 : i32
    %dma_wait3A_238 = tpu.memref_slice %arg3[%dma_wait3A_236, %dma_wait3A_237] : memref<8192x768xf32, #tpu.memory_space<hbm>> -> memref<8192x768xf32, #tpu.memory_space<hbm>>
    %dma_wait3A_239 = tpu.memref_slice %arg10[%dma_wait3A_229] : memref<4x!tpu.dma_semaphore, #tpu.memory_space<semaphore_mem>> -> memref<1x!tpu.dma_semaphore, #tpu.memory_space<semaphore_mem>>
    %dma_wait3A_240 = tpu.memref_squeeze %dma_wait3A_239 : memref<1x!tpu.dma_semaphore, #tpu.memory_space<semaphore_mem>> -> memref<!tpu.dma_semaphore, #tpu.memory_space<semaphore_mem>>
    tpu.wait_indirect_dma semaphore(%dma_wait3A_240 : memref<!tpu.dma_semaphore, #tpu.memory_space<semaphore_mem>>) src(%dma_wait3A_238 : memref<8192x768xf32, #tpu.memory_space<hbm>>) dst(%dma_wait3A_233 : memref<8x768xf32, #tpu.memory_space<vmem>>)
    %parallel_loop3A_241 = arith.constant 0 : i32
    %parallel_loop3A_242 = arith.constant 8 : i32
    %parallel_loop3A_243 = arith.constant 1 : i32
    scf.for %parallel_loop3A_474 = %parallel_loop3A_241 to %parallel_loop3A_242 step %parallel_loop3A_243  : i32 {
      %parallel_loop3A_475 = arith.constant 0 : i32
      %parallel_loop3A_476 = arith.constant 48 : i32
      %parallel_loop3A_477 = arith.constant 1 : i32
      scf.for %parallel_loop3A_478 = %parallel_loop3A_475 to %parallel_loop3A_476 step %parallel_loop3A_477  : i32 {
        %parallel_loop3A_479 = arith.constant 16 : i32
        %parallel_loop3A_480 = arith.muli %parallel_loop3A_478, %parallel_loop3A_479 : i32
        %parallel_loop3A_481 = arith.constant 1 : i32
        %parallel_loop3A_482 = arith.index_cast %parallel_loop3A_481 : i32 to index
        %parallel_loop3A_483 = arith.index_cast %parallel_loop3A_474 : i32 to index
        %parallel_loop3A_484 = arith.index_cast %parallel_loop3A_480 : i32 to index
        %parallel_loop3A_485 = tpu.vector_load %arg8[%parallel_loop3A_482, %parallel_loop3A_483, %parallel_loop3A_484] {strides = array<i32>} : memref<4x8x768xf32, #tpu.memory_space<vmem>>, vector<1x1x16xf32>,
        %parallel_loop3A_486 = vector.shape_cast %parallel_loop3A_485 : vector<1x1x16xf32> to vector<16xf32>
        %parallel_loop3A_487 = arith.constant 16 : i32
        %parallel_loop3A_488 = arith.muli %parallel_loop3A_478, %parallel_loop3A_487 : i32
        %parallel_loop3A_489 = arith.constant 1 : i32
        %parallel_loop3A_490 = arith.constant 0 : i32
        %parallel_loop3A_491 = arith.index_cast %parallel_loop3A_489 : i32 to index
        %parallel_loop3A_492 = arith.index_cast %parallel_loop3A_490 : i32 to index
        %parallel_loop3A_493 = arith.index_cast %parallel_loop3A_474 : i32 to index
        %parallel_loop3A_494 = arith.index_cast %parallel_loop3A_488 : i32 to index
        %parallel_loop3A_495 = tpu.vector_load %arg7[%parallel_loop3A_491, %parallel_loop3A_492, %parallel_loop3A_493, %parallel_loop3A_494] {strides = array<i32>} : memref<4x4x8x768xf32, #tpu.memory_space<vmem>>, vector<1x1x1x16xf32>,
        %parallel_loop3A_496 = vector.shape_cast %parallel_loop3A_495 : vector<1x1x1x16xf32> to vector<16xf32>
        %parallel_loop3A_497 = vector.shape_cast %parallel_loop3A_486 : vector<16xf32> to vector<1x1x1x16xf32>
        tpu.vector_store %arg7[%parallel_loop3A_491, %parallel_loop3A_492, %parallel_loop3A_493, %parallel_loop3A_494], %parallel_loop3A_497 {add = true, strides = array<i32>} : memref<4x4x8x768xf32, #tpu.memory_space<vmem>>, vector<1x1x1x16xf32>,
        %parallel_loop3A_498 = arith.constant 16 : i32
        %parallel_loop3A_499 = arith.muli %parallel_loop3A_478, %parallel_loop3A_498 : i32
        %parallel_loop3A_500 = arith.constant 1 : i32
        %parallel_loop3A_501 = arith.constant 1 : i32
        %parallel_loop3A_502 = arith.index_cast %parallel_loop3A_500 : i32 to index
        %parallel_loop3A_503 = arith.index_cast %parallel_loop3A_501 : i32 to index
        %parallel_loop3A_504 = arith.index_cast %parallel_loop3A_474 : i32 to index
        %parallel_loop3A_505 = arith.index_cast %parallel_loop3A_499 : i32 to index
        %parallel_loop3A_506 = tpu.vector_load %arg7[%parallel_loop3A_502, %parallel_loop3A_503, %parallel_loop3A_504, %parallel_loop3A_505] {strides = array<i32>} : memref<4x4x8x768xf32, #tpu.memory_space<vmem>>, vector<1x1x1x16xf32>,
        %parallel_loop3A_507 = vector.shape_cast %parallel_loop3A_506 : vector<1x1x1x16xf32> to vector<16xf32>
        %parallel_loop3A_508 = vector.shape_cast %parallel_loop3A_486 : vector<16xf32> to vector<1x1x1x16xf32>
        tpu.vector_store %arg7[%parallel_loop3A_502, %parallel_loop3A_503, %parallel_loop3A_504, %parallel_loop3A_505], %parallel_loop3A_508 {add = true, strides = array<i32>} : memref<4x4x8x768xf32, #tpu.memory_space<vmem>>, vector<1x1x1x16xf32>,
        %parallel_loop3A_509 = arith.constant 16 : i32
        %parallel_loop3A_510 = arith.muli %parallel_loop3A_478, %parallel_loop3A_509 : i32
        %parallel_loop3A_511 = arith.constant 1 : i32
        %parallel_loop3A_512 = arith.constant 2 : i32
        %parallel_loop3A_513 = arith.index_cast %parallel_loop3A_511 : i32 to index
        %parallel_loop3A_514 = arith.index_cast %parallel_loop3A_512 : i32 to index
        %parallel_loop3A_515 = arith.index_cast %parallel_loop3A_474 : i32 to index
        %parallel_loop3A_516 = arith.index_cast %parallel_loop3A_510 : i32 to index
        %parallel_loop3A_517 = tpu.vector_load %arg7[%parallel_loop3A_513, %parallel_loop3A_514, %parallel_loop3A_515, %parallel_loop3A_516] {strides = array<i32>} : memref<4x4x8x768xf32, #tpu.memory_space<vmem>>, vector<1x1x1x16xf32>,
        %parallel_loop3A_518 = vector.shape_cast %parallel_loop3A_517 : vector<1x1x1x16xf32> to vector<16xf32>
        %parallel_loop3A_519 = vector.shape_cast %parallel_loop3A_486 : vector<16xf32> to vector<1x1x1x16xf32>
        tpu.vector_store %arg7[%parallel_loop3A_513, %parallel_loop3A_514, %parallel_loop3A_515, %parallel_loop3A_516], %parallel_loop3A_519 {add = true, strides = array<i32>} : memref<4x4x8x768xf32, #tpu.memory_space<vmem>>, vector<1x1x1x16xf32>,
        %parallel_loop3A_520 = arith.constant 16 : i32
        %parallel_loop3A_521 = arith.muli %parallel_loop3A_478, %parallel_loop3A_520 : i32
        %parallel_loop3A_522 = arith.constant 1 : i32
        %parallel_loop3A_523 = arith.constant 3 : i32
        %parallel_loop3A_524 = arith.index_cast %parallel_loop3A_522 : i32 to index
        %parallel_loop3A_525 = arith.index_cast %parallel_loop3A_523 : i32 to index
        %parallel_loop3A_526 = arith.index_cast %parallel_loop3A_474 : i32 to index
        %parallel_loop3A_527 = arith.index_cast %parallel_loop3A_521 : i32 to index
        %parallel_loop3A_528 = tpu.vector_load %arg7[%parallel_loop3A_524, %parallel_loop3A_525, %parallel_loop3A_526, %parallel_loop3A_527] {strides = array<i32>} : memref<4x4x8x768xf32, #tpu.memory_space<vmem>>, vector<1x1x1x16xf32>,
        %parallel_loop3A_529 = vector.shape_cast %parallel_loop3A_528 : vector<1x1x1x16xf32> to vector<16xf32>
        %parallel_loop3A_530 = vector.shape_cast %parallel_loop3A_486 : vector<16xf32> to vector<1x1x1x16xf32>
        tpu.vector_store %arg7[%parallel_loop3A_524, %parallel_loop3A_525, %parallel_loop3A_526, %parallel_loop3A_527], %parallel_loop3A_530 {add = true, strides = array<i32>} : memref<4x4x8x768xf32, #tpu.memory_space<vmem>>, vector<1x1x1x16xf32>,
      } {sc.loop_unroll_factor = 4 : i64, sc.parallel_access}
    } {sc.loop_unroll_factor = 1 : i64, sc.parallel_access}
    %add3A_244 = arith.constant 232 : i32
    %add3A_245 = arith.addi %mul3A_2, %add3A_244 : i32
    %dma_start3A_246 = arith.constant 1 : i32
    %dma_start3A_247 = arith.constant 1 : i32
    %dma_start3A_248 = arith.constant 0 : i32
    %dma_start3A_249 = arith.constant 0 : i32
    %dma_start3A_250 = arith.constant 0 : i32
    %dma_start3A_251 = tpu.memref_slice %arg7[%dma_start3A_246, %dma_start3A_248, %dma_start3A_249, %dma_start3A_250] : memref<4x4x8x768xf32, #tpu.memory_space<vmem>> -> memref<1x4x8x768xf32, #tpu.memory_space<vmem>>
    %dma_start3A_252 = tpu.memref_squeeze %dma_start3A_251 : memref<1x4x8x768xf32, #tpu.memory_space<vmem>> -> memref<4x8x768xf32, #tpu.memory_space<vmem>>
    %dma_start3A_253 = arith.constant 0 : i32
    %dma_start3A_254 = arith.constant 0 : i32
    %dma_start3A_255 = tpu.memref_slice %arg5[%dma_start3A_253, %add3A_245, %dma_start3A_254] : memref<4x8192x768xf32, #tpu.memory_space<hbm>> -> memref<4x8x768xf32, #tpu.memory_space<hbm>>
    %dma_start3A_256 = tpu.memref_slice %arg11[%dma_start3A_247] : memref<4x!tpu.dma_semaphore, #tpu.memory_space<semaphore_mem>> -> memref<1x!tpu.dma_semaphore, #tpu.memory_space<semaphore_mem>>
    %dma_start3A_257 = tpu.memref_squeeze %dma_start3A_256 : memref<1x!tpu.dma_semaphore, #tpu.memory_space<semaphore_mem>> -> memref<!tpu.dma_semaphore, #tpu.memory_space<semaphore_mem>>
    %dma_start3A_258 = arith.constant 0 : i32
    %dma_start3A_259 = arith.constant 0 : i32
    %dma_start3A_260 = tpu.memref_slice %arg5[%dma_start3A_258, %add3A_245, %dma_start3A_259] : memref<4x8192x768xf32, #tpu.memory_space<hbm>> -> memref<4x8x768xf32, #tpu.memory_space<hbm>>
    %dma_start3A_261 = arith.constant 0 : i32
    %dma_start3A_262 = arith.constant 0 : i32
    %dma_start3A_263 = arith.constant 0 : i32
    %dma_start3A_264 = tpu.memref_slice %arg7[%dma_start3A_246, %dma_start3A_261, %dma_start3A_262, %dma_start3A_263] : memref<4x4x8x768xf32, #tpu.memory_space<vmem>> -> memref<1x4x8x768xf32, #tpu.memory_space<vmem>>
    %dma_start3A_265 = tpu.memref_squeeze %dma_start3A_264 : memref<1x4x8x768xf32, #tpu.memory_space<vmem>> -> memref<4x8x768xf32, #tpu.memory_space<vmem>>
    tpu.enqueue_dma source(%dma_start3A_265 : memref<4x8x768xf32, #tpu.memory_space<vmem>>) target(%dma_start3A_260 : memref<4x8x768xf32, #tpu.memory_space<hbm>>) target_semaphore(%dma_start3A_257 : memref<!tpu.dma_semaphore, #tpu.memory_space<semaphore_mem>>)
    %add3A_266 = arith.constant 224 : i32
    %add3A_267 = arith.addi %mul3A_2, %add3A_266 : i32
    %dma_wait3A_268 = arith.constant 0 : i32
    %dma_wait3A_269 = arith.constant 0 : i32
    %dma_wait3A_270 = arith.constant 0 : i32
    %dma_wait3A_271 = arith.constant 0 : i32
    %dma_wait3A_272 = arith.constant 0 : i32
    %dma_wait3A_273 = tpu.memref_slice %arg7[%dma_wait3A_268, %dma_wait3A_270, %dma_wait3A_271, %dma_wait3A_272] : memref<4x4x8x768xf32, #tpu.memory_space<vmem>> -> memref<1x4x8x768xf32, #tpu.memory_space<vmem>>
    %dma_wait3A_274 = tpu.memref_squeeze %dma_wait3A_273 : memref<1x4x8x768xf32, #tpu.memory_space<vmem>> -> memref<4x8x768xf32, #tpu.memory_space<vmem>>
    %dma_wait3A_275 = arith.constant 0 : i32
    %dma_wait3A_276 = arith.constant 0 : i32
    %dma_wait3A_277 = tpu.memref_slice %arg5[%dma_wait3A_275, %add3A_267, %dma_wait3A_276] : memref<4x8192x768xf32, #tpu.memory_space<hbm>> -> memref<4x8x768xf32, #tpu.memory_space<hbm>>
    %dma_wait3A_278 = tpu.memref_slice %arg11[%dma_wait3A_269] : memref<4x!tpu.dma_semaphore, #tpu.memory_space<semaphore_mem>> -> memref<1x!tpu.dma_semaphore, #tpu.memory_space<semaphore_mem>>
    %dma_wait3A_279 = tpu.memref_squeeze %dma_wait3A_278 : memref<1x!tpu.dma_semaphore, #tpu.memory_space<semaphore_mem>> -> memref<!tpu.dma_semaphore, #tpu.memory_space<semaphore_mem>>
    %dma_wait3A_280 = arith.constant 0 : i32
    %dma_wait3A_281 = arith.constant 0 : i32
    %dma_wait3A_282 = tpu.memref_slice %arg5[%dma_wait3A_280, %add3A_267, %dma_wait3A_281] : memref<4x8192x768xf32, #tpu.memory_space<hbm>> -> memref<4x8x768xf32, #tpu.memory_space<hbm>>
    %dma_wait3A_283 = arith.constant 0 : i32
    %dma_wait3A_284 = arith.constant 0 : i32
    %dma_wait3A_285 = arith.constant 0 : i32
    %dma_wait3A_286 = tpu.memref_slice %arg7[%dma_wait3A_268, %dma_wait3A_283, %dma_wait3A_284, %dma_wait3A_285] : memref<4x4x8x768xf32, #tpu.memory_space<vmem>> -> memref<1x4x8x768xf32, #tpu.memory_space<vmem>>
    %dma_wait3A_287 = tpu.memref_squeeze %dma_wait3A_286 : memref<1x4x8x768xf32, #tpu.memory_space<vmem>> -> memref<4x8x768xf32, #tpu.memory_space<vmem>>
    tpu.wait_dma2 semaphore(%dma_wait3A_279 : memref<!tpu.dma_semaphore, #tpu.memory_space<semaphore_mem>>) src(%dma_wait3A_287 : memref<4x8x768xf32, #tpu.memory_space<vmem>>) dst(%dma_wait3A_282 : memref<4x8x768xf32, #tpu.memory_space<hbm>>)
    %add3A_288 = arith.constant 240 : i32
    %add3A_289 = arith.addi %mul3A_2, %add3A_288 : i32
    %dma_wait3A_290 = arith.constant 2 : i32
    %dma_wait3A_291 = arith.constant 2 : i32
    %dma_wait3A_292 = arith.constant 0 : i32
    %dma_wait3A_293 = arith.constant 0 : i32
    %dma_wait3A_294 = arith.constant 0 : i32
    %dma_wait3A_295 = tpu.memref_slice %arg7[%dma_wait3A_290, %dma_wait3A_292, %dma_wait3A_293, %dma_wait3A_294] : memref<4x4x8x768xf32, #tpu.memory_space<vmem>> -> memref<1x4x8x768xf32, #tpu.memory_space<vmem>>
    %dma_wait3A_296 = tpu.memref_squeeze %dma_wait3A_295 : memref<1x4x8x768xf32, #tpu.memory_space<vmem>> -> memref<4x8x768xf32, #tpu.memory_space<vmem>>
    %dma_wait3A_297 = arith.constant 0 : i32
    %dma_wait3A_298 = arith.constant 0 : i32
    %dma_wait3A_299 = tpu.memref_slice %arg2[%dma_wait3A_297, %add3A_289, %dma_wait3A_298] : memref<4x8192x768xf32, #tpu.memory_space<hbm>> -> memref<4x8x768xf32, #tpu.memory_space<hbm>>
    %dma_wait3A_300 = tpu.memref_slice %arg9[%dma_wait3A_291] : memref<4x!tpu.dma_semaphore, #tpu.memory_space<semaphore_mem>> -> memref<1x!tpu.dma_semaphore, #tpu.memory_space<semaphore_mem>>
    %dma_wait3A_301 = tpu.memref_squeeze %dma_wait3A_300 : memref<1x!tpu.dma_semaphore, #tpu.memory_space<semaphore_mem>> -> memref<!tpu.dma_semaphore, #tpu.memory_space<semaphore_mem>>
    %dma_wait3A_302 = arith.constant 0 : i32
    %dma_wait3A_303 = arith.constant 0 : i32
    %dma_wait3A_304 = arith.constant 0 : i32
    %dma_wait3A_305 = tpu.memref_slice %arg7[%dma_wait3A_290, %dma_wait3A_302, %dma_wait3A_303, %dma_wait3A_304] : memref<4x4x8x768xf32, #tpu.memory_space<vmem>> -> memref<1x4x8x768xf32, #tpu.memory_space<vmem>>
    %dma_wait3A_306 = tpu.memref_squeeze %dma_wait3A_305 : memref<1x4x8x768xf32, #tpu.memory_space<vmem>> -> memref<4x8x768xf32, #tpu.memory_space<vmem>>
    %dma_wait3A_307 = arith.constant 0 : i32
    %dma_wait3A_308 = arith.constant 0 : i32
    %dma_wait3A_309 = tpu.memref_slice %arg2[%dma_wait3A_307, %add3A_289, %dma_wait3A_308] : memref<4x8192x768xf32, #tpu.memory_space<hbm>> -> memref<4x8x768xf32, #tpu.memory_space<hbm>>
    tpu.wait_dma2 semaphore(%dma_wait3A_301 : memref<!tpu.dma_semaphore, #tpu.memory_space<semaphore_mem>>) src(%dma_wait3A_309 : memref<4x8x768xf32, #tpu.memory_space<hbm>>) dst(%dma_wait3A_306 : memref<4x8x768xf32, #tpu.memory_space<vmem>>)
    %dma_wait3A_310 = arith.constant 2 : i32
    %dma_wait3A_311 = arith.constant 2 : i32
    %dma_wait3A_312 = arith.constant 0 : i32
    %dma_wait3A_313 = arith.constant 0 : i32
    %dma_wait3A_314 = tpu.memref_slice %arg8[%dma_wait3A_310, %dma_wait3A_312, %dma_wait3A_313] : memref<4x8x768xf32, #tpu.memory_space<vmem>> -> memref<1x8x768xf32, #tpu.memory_space<vmem>>
    %dma_wait3A_315 = tpu.memref_squeeze %dma_wait3A_314 : memref<1x8x768xf32, #tpu.memory_space<vmem>> -> memref<8x768xf32, #tpu.memory_space<vmem>>
    %dma_wait3A_316 = arith.constant 240 : i32
    %dma_wait3A_317 = tpu.memref_slice %arg6[%dma_wait3A_316] : memref<256xi32, #tpu.memory_space<vmem>> -> memref<8xi32, #tpu.memory_space<vmem>>
    %dma_wait3A_318 = arith.constant 0 : i32
    %dma_wait3A_319 = arith.constant 0 : i32
    %dma_wait3A_320 = tpu.memref_slice %arg3[%dma_wait3A_318, %dma_wait3A_319] : memref<8192x768xf32, #tpu.memory_space<hbm>> -> memref<8192x768xf32, #tpu.memory_space<hbm>>
    %dma_wait3A_321 = tpu.memref_slice %arg10[%dma_wait3A_311] : memref<4x!tpu.dma_semaphore, #tpu.memory_space<semaphore_mem>> -> memref<1x!tpu.dma_semaphore, #tpu.memory_space<semaphore_mem>>
    %dma_wait3A_322 = tpu.memref_squeeze %dma_wait3A_321 : memref<1x!tpu.dma_semaphore, #tpu.memory_space<semaphore_mem>> -> memref<!tpu.dma_semaphore, #tpu.memory_space<semaphore_mem>>
    tpu.wait_indirect_dma semaphore(%dma_wait3A_322 : memref<!tpu.dma_semaphore, #tpu.memory_space<semaphore_mem>>) src(%dma_wait3A_320 : memref<8192x768xf32, #tpu.memory_space<hbm>>) dst(%dma_wait3A_315 : memref<8x768xf32, #tpu.memory_space<vmem>>)
    %parallel_loop3A_323 = arith.constant 0 : i32
    %parallel_loop3A_324 = arith.constant 8 : i32
    %parallel_loop3A_325 = arith.constant 1 : i32
    scf.for %parallel_loop3A_474 = %parallel_loop3A_323 to %parallel_loop3A_324 step %parallel_loop3A_325  : i32 {
      %parallel_loop3A_475 = arith.constant 0 : i32
      %parallel_loop3A_476 = arith.constant 48 : i32
      %parallel_loop3A_477 = arith.constant 1 : i32
      scf.for %parallel_loop3A_478 = %parallel_loop3A_475 to %parallel_loop3A_476 step %parallel_loop3A_477  : i32 {
        %parallel_loop3A_479 = arith.constant 16 : i32
        %parallel_loop3A_480 = arith.muli %parallel_loop3A_478, %parallel_loop3A_479 : i32
        %parallel_loop3A_481 = arith.constant 2 : i32
        %parallel_loop3A_482 = arith.index_cast %parallel_loop3A_481 : i32 to index
        %parallel_loop3A_483 = arith.index_cast %parallel_loop3A_474 : i32 to index
        %parallel_loop3A_484 = arith.index_cast %parallel_loop3A_480 : i32 to index
        %parallel_loop3A_485 = tpu.vector_load %arg8[%parallel_loop3A_482, %parallel_loop3A_483, %parallel_loop3A_484] {strides = array<i32>} : memref<4x8x768xf32, #tpu.memory_space<vmem>>, vector<1x1x16xf32>,
        %parallel_loop3A_486 = vector.shape_cast %parallel_loop3A_485 : vector<1x1x16xf32> to vector<16xf32>
        %parallel_loop3A_487 = arith.constant 16 : i32
        %parallel_loop3A_488 = arith.muli %parallel_loop3A_478, %parallel_loop3A_487 : i32
        %parallel_loop3A_489 = arith.constant 2 : i32
        %parallel_loop3A_490 = arith.constant 0 : i32
        %parallel_loop3A_491 = arith.index_cast %parallel_loop3A_489 : i32 to index
        %parallel_loop3A_492 = arith.index_cast %parallel_loop3A_490 : i32 to index
        %parallel_loop3A_493 = arith.index_cast %parallel_loop3A_474 : i32 to index
        %parallel_loop3A_494 = arith.index_cast %parallel_loop3A_488 : i32 to index
        %parallel_loop3A_495 = tpu.vector_load %arg7[%parallel_loop3A_491, %parallel_loop3A_492, %parallel_loop3A_493, %parallel_loop3A_494] {strides = array<i32>} : memref<4x4x8x768xf32, #tpu.memory_space<vmem>>, vector<1x1x1x16xf32>,
        %parallel_loop3A_496 = vector.shape_cast %parallel_loop3A_495 : vector<1x1x1x16xf32> to vector<16xf32>
        %parallel_loop3A_497 = vector.shape_cast %parallel_loop3A_486 : vector<16xf32> to vector<1x1x1x16xf32>
        tpu.vector_store %arg7[%parallel_loop3A_491, %parallel_loop3A_492, %parallel_loop3A_493, %parallel_loop3A_494], %parallel_loop3A_497 {add = true, strides = array<i32>} : memref<4x4x8x768xf32, #tpu.memory_space<vmem>>, vector<1x1x1x16xf32>,
        %parallel_loop3A_498 = arith.constant 16 : i32
        %parallel_loop3A_499 = arith.muli %parallel_loop3A_478, %parallel_loop3A_498 : i32
        %parallel_loop3A_500 = arith.constant 2 : i32
        %parallel_loop3A_501 = arith.constant 1 : i32
        %parallel_loop3A_502 = arith.index_cast %parallel_loop3A_500 : i32 to index
        %parallel_loop3A_503 = arith.index_cast %parallel_loop3A_501 : i32 to index
        %parallel_loop3A_504 = arith.index_cast %parallel_loop3A_474 : i32 to index
        %parallel_loop3A_505 = arith.index_cast %parallel_loop3A_499 : i32 to index
        %parallel_loop3A_506 = tpu.vector_load %arg7[%parallel_loop3A_502, %parallel_loop3A_503, %parallel_loop3A_504, %parallel_loop3A_505] {strides = array<i32>} : memref<4x4x8x768xf32, #tpu.memory_space<vmem>>, vector<1x1x1x16xf32>,
        %parallel_loop3A_507 = vector.shape_cast %parallel_loop3A_506 : vector<1x1x1x16xf32> to vector<16xf32>
        %parallel_loop3A_508 = vector.shape_cast %parallel_loop3A_486 : vector<16xf32> to vector<1x1x1x16xf32>
        tpu.vector_store %arg7[%parallel_loop3A_502, %parallel_loop3A_503, %parallel_loop3A_504, %parallel_loop3A_505], %parallel_loop3A_508 {add = true, strides = array<i32>} : memref<4x4x8x768xf32, #tpu.memory_space<vmem>>, vector<1x1x1x16xf32>,
        %parallel_loop3A_509 = arith.constant 16 : i32
        %parallel_loop3A_510 = arith.muli %parallel_loop3A_478, %parallel_loop3A_509 : i32
        %parallel_loop3A_511 = arith.constant 2 : i32
        %parallel_loop3A_512 = arith.constant 2 : i32
        %parallel_loop3A_513 = arith.index_cast %parallel_loop3A_511 : i32 to index
        %parallel_loop3A_514 = arith.index_cast %parallel_loop3A_512 : i32 to index
        %parallel_loop3A_515 = arith.index_cast %parallel_loop3A_474 : i32 to index
        %parallel_loop3A_516 = arith.index_cast %parallel_loop3A_510 : i32 to index
        %parallel_loop3A_517 = tpu.vector_load %arg7[%parallel_loop3A_513, %parallel_loop3A_514, %parallel_loop3A_515, %parallel_loop3A_516] {strides = array<i32>} : memref<4x4x8x768xf32, #tpu.memory_space<vmem>>, vector<1x1x1x16xf32>,
        %parallel_loop3A_518 = vector.shape_cast %parallel_loop3A_517 : vector<1x1x1x16xf32> to vector<16xf32>
        %parallel_loop3A_519 = vector.shape_cast %parallel_loop3A_486 : vector<16xf32> to vector<1x1x1x16xf32>
        tpu.vector_store %arg7[%parallel_loop3A_513, %parallel_loop3A_514, %parallel_loop3A_515, %parallel_loop3A_516], %parallel_loop3A_519 {add = true, strides = array<i32>} : memref<4x4x8x768xf32, #tpu.memory_space<vmem>>, vector<1x1x1x16xf32>,
        %parallel_loop3A_520 = arith.constant 16 : i32
        %parallel_loop3A_521 = arith.muli %parallel_loop3A_478, %parallel_loop3A_520 : i32
        %parallel_loop3A_522 = arith.constant 2 : i32
        %parallel_loop3A_523 = arith.constant 3 : i32
        %parallel_loop3A_524 = arith.index_cast %parallel_loop3A_522 : i32 to index
        %parallel_loop3A_525 = arith.index_cast %parallel_loop3A_523 : i32 to index
        %parallel_loop3A_526 = arith.index_cast %parallel_loop3A_474 : i32 to index
        %parallel_loop3A_527 = arith.index_cast %parallel_loop3A_521 : i32 to index
        %parallel_loop3A_528 = tpu.vector_load %arg7[%parallel_loop3A_524, %parallel_loop3A_525, %parallel_loop3A_526, %parallel_loop3A_527] {strides = array<i32>} : memref<4x4x8x768xf32, #tpu.memory_space<vmem>>, vector<1x1x1x16xf32>,
        %parallel_loop3A_529 = vector.shape_cast %parallel_loop3A_528 : vector<1x1x1x16xf32> to vector<16xf32>
        %parallel_loop3A_530 = vector.shape_cast %parallel_loop3A_486 : vector<16xf32> to vector<1x1x1x16xf32>
        tpu.vector_store %arg7[%parallel_loop3A_524, %parallel_loop3A_525, %parallel_loop3A_526, %parallel_loop3A_527], %parallel_loop3A_530 {add = true, strides = array<i32>} : memref<4x4x8x768xf32, #tpu.memory_space<vmem>>, vector<1x1x1x16xf32>,
      } {sc.loop_unroll_factor = 4 : i64, sc.parallel_access}
    } {sc.loop_unroll_factor = 1 : i64, sc.parallel_access}
    %add3A_326 = arith.constant 240 : i32
    %add3A_327 = arith.addi %mul3A_2, %add3A_326 : i32
    %dma_start3A_328 = arith.constant 2 : i32
    %dma_start3A_329 = arith.constant 2 : i32
    %dma_start3A_330 = arith.constant 0 : i32
    %dma_start3A_331 = arith.constant 0 : i32
    %dma_start3A_332 = arith.constant 0 : i32
    %dma_start3A_333 = tpu.memref_slice %arg7[%dma_start3A_328, %dma_start3A_330, %dma_start3A_331, %dma_start3A_332] : memref<4x4x8x768xf32, #tpu.memory_space<vmem>> -> memref<1x4x8x768xf32, #tpu.memory_space<vmem>>
    %dma_start3A_334 = tpu.memref_squeeze %dma_start3A_333 : memref<1x4x8x768xf32, #tpu.memory_space<vmem>> -> memref<4x8x768xf32, #tpu.memory_space<vmem>>
    %dma_start3A_335 = arith.constant 0 : i32
    %dma_start3A_336 = arith.constant 0 : i32
    %dma_start3A_337 = tpu.memref_slice %arg5[%dma_start3A_335, %add3A_327, %dma_start3A_336] : memref<4x8192x768xf32, #tpu.memory_space<hbm>> -> memref<4x8x768xf32, #tpu.memory_space<hbm>>
    %dma_start3A_338 = tpu.memref_slice %arg11[%dma_start3A_329] : memref<4x!tpu.dma_semaphore, #tpu.memory_space<semaphore_mem>> -> memref<1x!tpu.dma_semaphore, #tpu.memory_space<semaphore_mem>>
    %dma_start3A_339 = tpu.memref_squeeze %dma_start3A_338 : memref<1x!tpu.dma_semaphore, #tpu.memory_space<semaphore_mem>> -> memref<!tpu.dma_semaphore, #tpu.memory_space<semaphore_mem>>
    %dma_start3A_340 = arith.constant 0 : i32
    %dma_start3A_341 = arith.constant 0 : i32
    %dma_start3A_342 = tpu.memref_slice %arg5[%dma_start3A_340, %add3A_327, %dma_start3A_341] : memref<4x8192x768xf32, #tpu.memory_space<hbm>> -> memref<4x8x768xf32, #tpu.memory_space<hbm>>
    %dma_start3A_343 = arith.constant 0 : i32
    %dma_start3A_344 = arith.constant 0 : i32
    %dma_start3A_345 = arith.constant 0 : i32
    %dma_start3A_346 = tpu.memref_slice %arg7[%dma_start3A_328, %dma_start3A_343, %dma_start3A_344, %dma_start3A_345] : memref<4x4x8x768xf32, #tpu.memory_space<vmem>> -> memref<1x4x8x768xf32, #tpu.memory_space<vmem>>
    %dma_start3A_347 = tpu.memref_squeeze %dma_start3A_346 : memref<1x4x8x768xf32, #tpu.memory_space<vmem>> -> memref<4x8x768xf32, #tpu.memory_space<vmem>>
    tpu.enqueue_dma source(%dma_start3A_347 : memref<4x8x768xf32, #tpu.memory_space<vmem>>) target(%dma_start3A_342 : memref<4x8x768xf32, #tpu.memory_space<hbm>>) target_semaphore(%dma_start3A_339 : memref<!tpu.dma_semaphore, #tpu.memory_space<semaphore_mem>>)
    %add3A_348 = arith.constant 232 : i32
    %add3A_349 = arith.addi %mul3A_2, %add3A_348 : i32
    %dma_wait3A_350 = arith.constant 1 : i32
    %dma_wait3A_351 = arith.constant 1 : i32
    %dma_wait3A_352 = arith.constant 0 : i32
    %dma_wait3A_353 = arith.constant 0 : i32
    %dma_wait3A_354 = arith.constant 0 : i32
    %dma_wait3A_355 = tpu.memref_slice %arg7[%dma_wait3A_350, %dma_wait3A_352, %dma_wait3A_353, %dma_wait3A_354] : memref<4x4x8x768xf32, #tpu.memory_space<vmem>> -> memref<1x4x8x768xf32, #tpu.memory_space<vmem>>
    %dma_wait3A_356 = tpu.memref_squeeze %dma_wait3A_355 : memref<1x4x8x768xf32, #tpu.memory_space<vmem>> -> memref<4x8x768xf32, #tpu.memory_space<vmem>>
    %dma_wait3A_357 = arith.constant 0 : i32
    %dma_wait3A_358 = arith.constant 0 : i32
    %dma_wait3A_359 = tpu.memref_slice %arg5[%dma_wait3A_357, %add3A_349, %dma_wait3A_358] : memref<4x8192x768xf32, #tpu.memory_space<hbm>> -> memref<4x8x768xf32, #tpu.memory_space<hbm>>
    %dma_wait3A_360 = tpu.memref_slice %arg11[%dma_wait3A_351] : memref<4x!tpu.dma_semaphore, #tpu.memory_space<semaphore_mem>> -> memref<1x!tpu.dma_semaphore, #tpu.memory_space<semaphore_mem>>
    %dma_wait3A_361 = tpu.memref_squeeze %dma_wait3A_360 : memref<1x!tpu.dma_semaphore, #tpu.memory_space<semaphore_mem>> -> memref<!tpu.dma_semaphore, #tpu.memory_space<semaphore_mem>>
    %dma_wait3A_362 = arith.constant 0 : i32
    %dma_wait3A_363 = arith.constant 0 : i32
    %dma_wait3A_364 = tpu.memref_slice %arg5[%dma_wait3A_362, %add3A_349, %dma_wait3A_363] : memref<4x8192x768xf32, #tpu.memory_space<hbm>> -> memref<4x8x768xf32, #tpu.memory_space<hbm>>
    %dma_wait3A_365 = arith.constant 0 : i32
    %dma_wait3A_366 = arith.constant 0 : i32
    %dma_wait3A_367 = arith.constant 0 : i32
    %dma_wait3A_368 = tpu.memref_slice %arg7[%dma_wait3A_350, %dma_wait3A_365, %dma_wait3A_366, %dma_wait3A_367] : memref<4x4x8x768xf32, #tpu.memory_space<vmem>> -> memref<1x4x8x768xf32, #tpu.memory_space<vmem>>
    %dma_wait3A_369 = tpu.memref_squeeze %dma_wait3A_368 : memref<1x4x8x768xf32, #tpu.memory_space<vmem>> -> memref<4x8x768xf32, #tpu.memory_space<vmem>>
    tpu.wait_dma2 semaphore(%dma_wait3A_361 : memref<!tpu.dma_semaphore, #tpu.memory_space<semaphore_mem>>) src(%dma_wait3A_369 : memref<4x8x768xf32, #tpu.memory_space<vmem>>) dst(%dma_wait3A_364 : memref<4x8x768xf32, #tpu.memory_space<hbm>>)
    %add3A_370 = arith.constant 248 : i32
    %add3A_371 = arith.addi %mul3A_2, %add3A_370 : i32
    %dma_wait3A_372 = arith.constant 3 : i32
    %dma_wait3A_373 = arith.constant 3 : i32
    %dma_wait3A_374 = arith.constant 0 : i32
    %dma_wait3A_375 = arith.constant 0 : i32
    %dma_wait3A_376 = arith.constant 0 : i32
    %dma_wait3A_377 = tpu.memref_slice %arg7[%dma_wait3A_372, %dma_wait3A_374, %dma_wait3A_375, %dma_wait3A_376] : memref<4x4x8x768xf32, #tpu.memory_space<vmem>> -> memref<1x4x8x768xf32, #tpu.memory_space<vmem>>
    %dma_wait3A_378 = tpu.memref_squeeze %dma_wait3A_377 : memref<1x4x8x768xf32, #tpu.memory_space<vmem>> -> memref<4x8x768xf32, #tpu.memory_space<vmem>>
    %dma_wait3A_379 = arith.constant 0 : i32
    %dma_wait3A_380 = arith.constant 0 : i32
    %dma_wait3A_381 = tpu.memref_slice %arg2[%dma_wait3A_379, %add3A_371, %dma_wait3A_380] : memref<4x8192x768xf32, #tpu.memory_space<hbm>> -> memref<4x8x768xf32, #tpu.memory_space<hbm>>
    %dma_wait3A_382 = tpu.memref_slice %arg9[%dma_wait3A_373] : memref<4x!tpu.dma_semaphore, #tpu.memory_space<semaphore_mem>> -> memref<1x!tpu.dma_semaphore, #tpu.memory_space<semaphore_mem>>
    %dma_wait3A_383 = tpu.memref_squeeze %dma_wait3A_382 : memref<1x!tpu.dma_semaphore, #tpu.memory_space<semaphore_mem>> -> memref<!tpu.dma_semaphore, #tpu.memory_space<semaphore_mem>>
    %dma_wait3A_384 = arith.constant 0 : i32
    %dma_wait3A_385 = arith.constant 0 : i32
    %dma_wait3A_386 = arith.constant 0 : i32
    %dma_wait3A_387 = tpu.memref_slice %arg7[%dma_wait3A_372, %dma_wait3A_384, %dma_wait3A_385, %dma_wait3A_386] : memref<4x4x8x768xf32, #tpu.memory_space<vmem>> -> memref<1x4x8x768xf32, #tpu.memory_space<vmem>>
    %dma_wait3A_388 = tpu.memref_squeeze %dma_wait3A_387 : memref<1x4x8x768xf32, #tpu.memory_space<vmem>> -> memref<4x8x768xf32, #tpu.memory_space<vmem>>
    %dma_wait3A_389 = arith.constant 0 : i32
    %dma_wait3A_390 = arith.constant 0 : i32
    %dma_wait3A_391 = tpu.memref_slice %arg2[%dma_wait3A_389, %add3A_371, %dma_wait3A_390] : memref<4x8192x768xf32, #tpu.memory_space<hbm>> -> memref<4x8x768xf32, #tpu.memory_space<hbm>>
    tpu.wait_dma2 semaphore(%dma_wait3A_383 : memref<!tpu.dma_semaphore, #tpu.memory_space<semaphore_mem>>) src(%dma_wait3A_391 : memref<4x8x768xf32, #tpu.memory_space<hbm>>) dst(%dma_wait3A_388 : memref<4x8x768xf32, #tpu.memory_space<vmem>>)
    %dma_wait3A_392 = arith.constant 3 : i32
    %dma_wait3A_393 = arith.constant 3 : i32
    %dma_wait3A_394 = arith.constant 0 : i32
    %dma_wait3A_395 = arith.constant 0 : i32
    %dma_wait3A_396 = tpu.memref_slice %arg8[%dma_wait3A_392, %dma_wait3A_394, %dma_wait3A_395] : memref<4x8x768xf32, #tpu.memory_space<vmem>> -> memref<1x8x768xf32, #tpu.memory_space<vmem>>
    %dma_wait3A_397 = tpu.memref_squeeze %dma_wait3A_396 : memref<1x8x768xf32, #tpu.memory_space<vmem>> -> memref<8x768xf32, #tpu.memory_space<vmem>>
    %dma_wait3A_398 = arith.constant 248 : i32
    %dma_wait3A_399 = tpu.memref_slice %arg6[%dma_wait3A_398] : memref<256xi32, #tpu.memory_space<vmem>> -> memref<8xi32, #tpu.memory_space<vmem>>
    %dma_wait3A_400 = arith.constant 0 : i32
    %dma_wait3A_401 = arith.constant 0 : i32
    %dma_wait3A_402 = tpu.memref_slice %arg3[%dma_wait3A_400, %dma_wait3A_401] : memref<8192x768xf32, #tpu.memory_space<hbm>> -> memref<8192x768xf32, #tpu.memory_space<hbm>>
    %dma_wait3A_403 = tpu.memref_slice %arg10[%dma_wait3A_393] : memref<4x!tpu.dma_semaphore, #tpu.memory_space<semaphore_mem>> -> memref<1x!tpu.dma_semaphore, #tpu.memory_space<semaphore_mem>>
    %dma_wait3A_404 = tpu.memref_squeeze %dma_wait3A_403 : memref<1x!tpu.dma_semaphore, #tpu.memory_space<semaphore_mem>> -> memref<!tpu.dma_semaphore, #tpu.memory_space<semaphore_mem>>
    tpu.wait_indirect_dma semaphore(%dma_wait3A_404 : memref<!tpu.dma_semaphore, #tpu.memory_space<semaphore_mem>>) src(%dma_wait3A_402 : memref<8192x768xf32, #tpu.memory_space<hbm>>) dst(%dma_wait3A_397 : memref<8x768xf32, #tpu.memory_space<vmem>>)
    %parallel_loop3A_405 = arith.constant 0 : i32
    %parallel_loop3A_406 = arith.constant 8 : i32
    %parallel_loop3A_407 = arith.constant 1 : i32
    scf.for %parallel_loop3A_474 = %parallel_loop3A_405 to %parallel_loop3A_406 step %parallel_loop3A_407  : i32 {
      %parallel_loop3A_475 = arith.constant 0 : i32
      %parallel_loop3A_476 = arith.constant 48 : i32
      %parallel_loop3A_477 = arith.constant 1 : i32
      scf.for %parallel_loop3A_478 = %parallel_loop3A_475 to %parallel_loop3A_476 step %parallel_loop3A_477  : i32 {
        %parallel_loop3A_479 = arith.constant 16 : i32
        %parallel_loop3A_480 = arith.muli %parallel_loop3A_478, %parallel_loop3A_479 : i32
        %parallel_loop3A_481 = arith.constant 3 : i32
        %parallel_loop3A_482 = arith.index_cast %parallel_loop3A_481 : i32 to index
        %parallel_loop3A_483 = arith.index_cast %parallel_loop3A_474 : i32 to index
        %parallel_loop3A_484 = arith.index_cast %parallel_loop3A_480 : i32 to index
        %parallel_loop3A_485 = tpu.vector_load %arg8[%parallel_loop3A_482, %parallel_loop3A_483, %parallel_loop3A_484] {strides = array<i32>} : memref<4x8x768xf32, #tpu.memory_space<vmem>>, vector<1x1x16xf32>,
        %parallel_loop3A_486 = vector.shape_cast %parallel_loop3A_485 : vector<1x1x16xf32> to vector<16xf32>
        %parallel_loop3A_487 = arith.constant 16 : i32
        %parallel_loop3A_488 = arith.muli %parallel_loop3A_478, %parallel_loop3A_487 : i32
        %parallel_loop3A_489 = arith.constant 3 : i32
        %parallel_loop3A_490 = arith.constant 0 : i32
        %parallel_loop3A_491 = arith.index_cast %parallel_loop3A_489 : i32 to index
        %parallel_loop3A_492 = arith.index_cast %parallel_loop3A_490 : i32 to index
        %parallel_loop3A_493 = arith.index_cast %parallel_loop3A_474 : i32 to index
        %parallel_loop3A_494 = arith.index_cast %parallel_loop3A_488 : i32 to index
        %parallel_loop3A_495 = tpu.vector_load %arg7[%parallel_loop3A_491, %parallel_loop3A_492, %parallel_loop3A_493, %parallel_loop3A_494] {strides = array<i32>} : memref<4x4x8x768xf32, #tpu.memory_space<vmem>>, vector<1x1x1x16xf32>,
        %parallel_loop3A_496 = vector.shape_cast %parallel_loop3A_495 : vector<1x1x1x16xf32> to vector<16xf32>
        %parallel_loop3A_497 = vector.shape_cast %parallel_loop3A_486 : vector<16xf32> to vector<1x1x1x16xf32>
        tpu.vector_store %arg7[%parallel_loop3A_491, %parallel_loop3A_492, %parallel_loop3A_493, %parallel_loop3A_494], %parallel_loop3A_497 {add = true, strides = array<i32>} : memref<4x4x8x768xf32, #tpu.memory_space<vmem>>, vector<1x1x1x16xf32>,
        %parallel_loop3A_498 = arith.constant 16 : i32
        %parallel_loop3A_499 = arith.muli %parallel_loop3A_478, %parallel_loop3A_498 : i32
        %parallel_loop3A_500 = arith.constant 3 : i32
        %parallel_loop3A_501 = arith.constant 1 : i32
        %parallel_loop3A_502 = arith.index_cast %parallel_loop3A_500 : i32 to index
        %parallel_loop3A_503 = arith.index_cast %parallel_loop3A_501 : i32 to index
        %parallel_loop3A_504 = arith.index_cast %parallel_loop3A_474 : i32 to index
        %parallel_loop3A_505 = arith.index_cast %parallel_loop3A_499 : i32 to index
        %parallel_loop3A_506 = tpu.vector_load %arg7[%parallel_loop3A_502, %parallel_loop3A_503, %parallel_loop3A_504, %parallel_loop3A_505] {strides = array<i32>} : memref<4x4x8x768xf32, #tpu.memory_space<vmem>>, vector<1x1x1x16xf32>,
        %parallel_loop3A_507 = vector.shape_cast %parallel_loop3A_506 : vector<1x1x1x16xf32> to vector<16xf32>
        %parallel_loop3A_508 = vector.shape_cast %parallel_loop3A_486 : vector<16xf32> to vector<1x1x1x16xf32>
        tpu.vector_store %arg7[%parallel_loop3A_502, %parallel_loop3A_503, %parallel_loop3A_504, %parallel_loop3A_505], %parallel_loop3A_508 {add = true, strides = array<i32>} : memref<4x4x8x768xf32, #tpu.memory_space<vmem>>, vector<1x1x1x16xf32>,
        %parallel_loop3A_509 = arith.constant 16 : i32
        %parallel_loop3A_510 = arith.muli %parallel_loop3A_478, %parallel_loop3A_509 : i32
        %parallel_loop3A_511 = arith.constant 3 : i32
        %parallel_loop3A_512 = arith.constant 2 : i32
        %parallel_loop3A_513 = arith.index_cast %parallel_loop3A_511 : i32 to index
        %parallel_loop3A_514 = arith.index_cast %parallel_loop3A_512 : i32 to index
        %parallel_loop3A_515 = arith.index_cast %parallel_loop3A_474 : i32 to index
        %parallel_loop3A_516 = arith.index_cast %parallel_loop3A_510 : i32 to index
        %parallel_loop3A_517 = tpu.vector_load %arg7[%parallel_loop3A_513, %parallel_loop3A_514, %parallel_loop3A_515, %parallel_loop3A_516] {strides = array<i32>} : memref<4x4x8x768xf32, #tpu.memory_space<vmem>>, vector<1x1x1x16xf32>,
        %parallel_loop3A_518 = vector.shape_cast %parallel_loop3A_517 : vector<1x1x1x16xf32> to vector<16xf32>
        %parallel_loop3A_519 = vector.shape_cast %parallel_loop3A_486 : vector<16xf32> to vector<1x1x1x16xf32>
        tpu.vector_store %arg7[%parallel_loop3A_513, %parallel_loop3A_514, %parallel_loop3A_515, %parallel_loop3A_516], %parallel_loop3A_519 {add = true, strides = array<i32>} : memref<4x4x8x768xf32, #tpu.memory_space<vmem>>, vector<1x1x1x16xf32>,
        %parallel_loop3A_520 = arith.constant 16 : i32
        %parallel_loop3A_521 = arith.muli %parallel_loop3A_478, %parallel_loop3A_520 : i32
        %parallel_loop3A_522 = arith.constant 3 : i32
        %parallel_loop3A_523 = arith.constant 3 : i32
        %parallel_loop3A_524 = arith.index_cast %parallel_loop3A_522 : i32 to index
        %parallel_loop3A_525 = arith.index_cast %parallel_loop3A_523 : i32 to index
        %parallel_loop3A_526 = arith.index_cast %parallel_loop3A_474 : i32 to index
        %parallel_loop3A_527 = arith.index_cast %parallel_loop3A_521 : i32 to index
        %parallel_loop3A_528 = tpu.vector_load %arg7[%parallel_loop3A_524, %parallel_loop3A_525, %parallel_loop3A_526, %parallel_loop3A_527] {strides = array<i32>} : memref<4x4x8x768xf32, #tpu.memory_space<vmem>>, vector<1x1x1x16xf32>,
        %parallel_loop3A_529 = vector.shape_cast %parallel_loop3A_528 : vector<1x1x1x16xf32> to vector<16xf32>
        %parallel_loop3A_530 = vector.shape_cast %parallel_loop3A_486 : vector<16xf32> to vector<1x1x1x16xf32>
        tpu.vector_store %arg7[%parallel_loop3A_524, %parallel_loop3A_525, %parallel_loop3A_526, %parallel_loop3A_527], %parallel_loop3A_530 {add = true, strides = array<i32>} : memref<4x4x8x768xf32, #tpu.memory_space<vmem>>, vector<1x1x1x16xf32>,
      } {sc.loop_unroll_factor = 4 : i64, sc.parallel_access}
    } {sc.loop_unroll_factor = 1 : i64, sc.parallel_access}
    %add3A_408 = arith.constant 248 : i32
    %add3A_409 = arith.addi %mul3A_2, %add3A_408 : i32
    %dma_start3A_410 = arith.constant 3 : i32
    %dma_start3A_411 = arith.constant 3 : i32
    %dma_start3A_412 = arith.constant 0 : i32
    %dma_start3A_413 = arith.constant 0 : i32
    %dma_start3A_414 = arith.constant 0 : i32
    %dma_start3A_415 = tpu.memref_slice %arg7[%dma_start3A_410, %dma_start3A_412, %dma_start3A_413, %dma_start3A_414] : memref<4x4x8x768xf32, #tpu.memory_space<vmem>> -> memref<1x4x8x768xf32, #tpu.memory_space<vmem>>
    %dma_start3A_416 = tpu.memref_squeeze %dma_start3A_415 : memref<1x4x8x768xf32, #tpu.memory_space<vmem>> -> memref<4x8x768xf32, #tpu.memory_space<vmem>>
    %dma_start3A_417 = arith.constant 0 : i32
    %dma_start3A_418 = arith.constant 0 : i32
    %dma_start3A_419 = tpu.memref_slice %arg5[%dma_start3A_417, %add3A_409, %dma_start3A_418] : memref<4x8192x768xf32, #tpu.memory_space<hbm>> -> memref<4x8x768xf32, #tpu.memory_space<hbm>>
    %dma_start3A_420 = tpu.memref_slice %arg11[%dma_start3A_411] : memref<4x!tpu.dma_semaphore, #tpu.memory_space<semaphore_mem>> -> memref<1x!tpu.dma_semaphore, #tpu.memory_space<semaphore_mem>>
    %dma_start3A_421 = tpu.memref_squeeze %dma_start3A_420 : memref<1x!tpu.dma_semaphore, #tpu.memory_space<semaphore_mem>> -> memref<!tpu.dma_semaphore, #tpu.memory_space<semaphore_mem>>
    %dma_start3A_422 = arith.constant 0 : i32
    %dma_start3A_423 = arith.constant 0 : i32
    %dma_start3A_424 = tpu.memref_slice %arg5[%dma_start3A_422, %add3A_409, %dma_start3A_423] : memref<4x8192x768xf32, #tpu.memory_space<hbm>> -> memref<4x8x768xf32, #tpu.memory_space<hbm>>
    %dma_start3A_425 = arith.constant 0 : i32
    %dma_start3A_426 = arith.constant 0 : i32
    %dma_start3A_427 = arith.constant 0 : i32
    %dma_start3A_428 = tpu.memref_slice %arg7[%dma_start3A_410, %dma_start3A_425, %dma_start3A_426, %dma_start3A_427] : memref<4x4x8x768xf32, #tpu.memory_space<vmem>> -> memref<1x4x8x768xf32, #tpu.memory_space<vmem>>
    %dma_start3A_429 = tpu.memref_squeeze %dma_start3A_428 : memref<1x4x8x768xf32, #tpu.memory_space<vmem>> -> memref<4x8x768xf32, #tpu.memory_space<vmem>>
    tpu.enqueue_dma source(%dma_start3A_429 : memref<4x8x768xf32, #tpu.memory_space<vmem>>) target(%dma_start3A_424 : memref<4x8x768xf32, #tpu.memory_space<hbm>>) target_semaphore(%dma_start3A_421 : memref<!tpu.dma_semaphore, #tpu.memory_space<semaphore_mem>>)
    %add3A_430 = arith.constant 240 : i32
    %add3A_431 = arith.addi %mul3A_2, %add3A_430 : i32
    %dma_wait3A_432 = arith.constant 2 : i32
    %dma_wait3A_433 = arith.constant 2 : i32
    %dma_wait3A_434 = arith.constant 0 : i32
    %dma_wait3A_435 = arith.constant 0 : i32
    %dma_wait3A_436 = arith.constant 0 : i32
    %dma_wait3A_437 = tpu.memref_slice %arg7[%dma_wait3A_432, %dma_wait3A_434, %dma_wait3A_435, %dma_wait3A_436] : memref<4x4x8x768xf32, #tpu.memory_space<vmem>> -> memref<1x4x8x768xf32, #tpu.memory_space<vmem>>
    %dma_wait3A_438 = tpu.memref_squeeze %dma_wait3A_437 : memref<1x4x8x768xf32, #tpu.memory_space<vmem>> -> memref<4x8x768xf32, #tpu.memory_space<vmem>>
    %dma_wait3A_439 = arith.constant 0 : i32
    %dma_wait3A_440 = arith.constant 0 : i32
    %dma_wait3A_441 = tpu.memref_slice %arg5[%dma_wait3A_439, %add3A_431, %dma_wait3A_440] : memref<4x8192x768xf32, #tpu.memory_space<hbm>> -> memref<4x8x768xf32, #tpu.memory_space<hbm>>
    %dma_wait3A_442 = tpu.memref_slice %arg11[%dma_wait3A_433] : memref<4x!tpu.dma_semaphore, #tpu.memory_space<semaphore_mem>> -> memref<1x!tpu.dma_semaphore, #tpu.memory_space<semaphore_mem>>
    %dma_wait3A_443 = tpu.memref_squeeze %dma_wait3A_442 : memref<1x!tpu.dma_semaphore, #tpu.memory_space<semaphore_mem>> -> memref<!tpu.dma_semaphore, #tpu.memory_space<semaphore_mem>>
    %dma_wait3A_444 = arith.constant 0 : i32
    %dma_wait3A_445 = arith.constant 0 : i32
    %dma_wait3A_446 = tpu.memref_slice %arg5[%dma_wait3A_444, %add3A_431, %dma_wait3A_445] : memref<4x8192x768xf32, #tpu.memory_space<hbm>> -> memref<4x8x768xf32, #tpu.memory_space<hbm>>
    %dma_wait3A_447 = arith.constant 0 : i32
    %dma_wait3A_448 = arith.constant 0 : i32
    %dma_wait3A_449 = arith.constant 0 : i32
    %dma_wait3A_450 = tpu.memref_slice %arg7[%dma_wait3A_432, %dma_wait3A_447, %dma_wait3A_448, %dma_wait3A_449] : memref<4x4x8x768xf32, #tpu.memory_space<vmem>> -> memref<1x4x8x768xf32, #tpu.memory_space<vmem>>
    %dma_wait3A_451 = tpu.memref_squeeze %dma_wait3A_450 : memref<1x4x8x768xf32, #tpu.memory_space<vmem>> -> memref<4x8x768xf32, #tpu.memory_space<vmem>>
    tpu.wait_dma2 semaphore(%dma_wait3A_443 : memref<!tpu.dma_semaphore, #tpu.memory_space<semaphore_mem>>) src(%dma_wait3A_451 : memref<4x8x768xf32, #tpu.memory_space<vmem>>) dst(%dma_wait3A_446 : memref<4x8x768xf32, #tpu.memory_space<hbm>>)
    %add3A_452 = arith.constant 248 : i32
    %add3A_453 = arith.addi %mul3A_2, %add3A_452 : i32
    %dma_wait3A_454 = arith.constant 3 : i32
    %dma_wait3A_455 = arith.constant 3 : i32
    %dma_wait3A_456 = arith.constant 0 : i32
    %dma_wait3A_457 = arith.constant 0 : i32
    %dma_wait3A_458 = arith.constant 0 : i32
    %dma_wait3A_459 = tpu.memref_slice %arg7[%dma_wait3A_454, %dma_wait3A_456, %dma_wait3A_457, %dma_wait3A_458] : memref<4x4x8x768xf32, #tpu.memory_space<vmem>> -> memref<1x4x8x768xf32, #tpu.memory_space<vmem>>
    %dma_wait3A_460 = tpu.memref_squeeze %dma_wait3A_459 : memref<1x4x8x768xf32, #tpu.memory_space<vmem>> -> memref<4x8x768xf32, #tpu.memory_space<vmem>>
    %dma_wait3A_461 = arith.constant 0 : i32
    %dma_wait3A_462 = arith.constant 0 : i32
    %dma_wait3A_463 = tpu.memref_slice %arg5[%dma_wait3A_461, %add3A_453, %dma_wait3A_462] : memref<4x8192x768xf32, #tpu.memory_space<hbm>> -> memref<4x8x768xf32, #tpu.memory_space<hbm>>
    %dma_wait3A_464 = tpu.memref_slice %arg11[%dma_wait3A_455] : memref<4x!tpu.dma_semaphore, #tpu.memory_space<semaphore_mem>> -> memref<1x!tpu.dma_semaphore, #tpu.memory_space<semaphore_mem>>
    %dma_wait3A_465 = tpu.memref_squeeze %dma_wait3A_464 : memref<1x!tpu.dma_semaphore, #tpu.memory_space<semaphore_mem>> -> memref<!tpu.dma_semaphore, #tpu.memory_space<semaphore_mem>>
    %dma_wait3A_466 = arith.constant 0 : i32
    %dma_wait3A_467 = arith.constant 0 : i32
    %dma_wait3A_468 = tpu.memref_slice %arg5[%dma_wait3A_466, %add3A_453, %dma_wait3A_467] : memref<4x8192x768xf32, #tpu.memory_space<hbm>> -> memref<4x8x768xf32, #tpu.memory_space<hbm>>
    %dma_wait3A_469 = arith.constant 0 : i32
    %dma_wait3A_470 = arith.constant 0 : i32
    %dma_wait3A_471 = arith.constant 0 : i32
    %dma_wait3A_472 = tpu.memref_slice %arg7[%dma_wait3A_454, %dma_wait3A_469, %dma_wait3A_470, %dma_wait3A_471] : memref<4x4x8x768xf32, #tpu.memory_space<vmem>> -> memref<1x4x8x768xf32, #tpu.memory_space<vmem>>
    %dma_wait3A_473 = tpu.memref_squeeze %dma_wait3A_472 : memref<1x4x8x768xf32, #tpu.memory_space<vmem>> -> memref<4x8x768xf32, #tpu.memory_space<vmem>>
    tpu.wait_dma2 semaphore(%dma_wait3A_465 : memref<!tpu.dma_semaphore, #tpu.memory_space<semaphore_mem>>) src(%dma_wait3A_473 : memref<4x8x768xf32, #tpu.memory_space<vmem>>) dst(%dma_wait3A_468 : memref<4x8x768xf32, #tpu.memory_space<hbm>>)
    return
  }
}

</mosaic_0001>

<sc_bundles>
// kernel: _pos_encode.3.cloned.1.call-start
scs
__scs_entry_jumppad:
0x0: {  	(pc) =	sbr.rel $0x88, $3  }
0x1: {  	(tag) =	ssettag $0x0;
	lr =	simm.s32 $0x1  }
0x2: {  	[smem:$0x3F9E] =	sst lr;
	_ =	strace $0xD0000000  }
0x3: {  	_ = 	snop  }
0x4: {  	_ = 	snop  }
0x5: {  	_ = 	snop  }
0x6: {  	_ = 	snop  }
0x7: {  	_ = 	snop  }
__scs_overlays_trampoline_lowered:
0x8: {  	[smem:$0x3FAD] =	sst s0  }
0x9: {  	[smem:$0x3FAE] =	sst s1  }
0xa: {  	[smem:$0x3FAF] =	sst s2  }
0xb: {  	[smem:$0x3FB0] =	sst s3  }
0xc: {  	[smem:$0x3FB1] =	sst s4  }
0xd: {  	[smem:$0x3FB2] =	sst s5  }
0xe: {  	[smem:$0x3FB3] =	sst s6  }
0xf: {  	[smem:$0x3FB4] =	sst s7  }
0x10: {  	[smem:$0x3FB5] =	sst s8  }
0x11: {  	[smem:$0x3FB6] =	sst s9;
	s0 =	simm.s32 @!p0 $0x0  }
0x12: {  	s1 =	sld [smem:$0x3F9C];
	s0 =	simm.s32 @p0 $0x1  }
0x13: {  	[smem:$0x3FB7] =	sst s0;
	s0 =	simm.s32 @!p1 $0x0  }
0x14: {  	s2 =	sld [smem:$0x3F9B];
	s0 =	simm.s32 @p1 $0x1  }
0x15: {  	[smem:$0x3FB8] =	sst s0;
	s0 =	simm.s32 @!p2 $0x0  }
0x16: {  	s3 =	sld [smem:$0x3FDB];
	s0 =	simm.s32 @p2 $0x1  }
0x17: {  	s4 =	simm.s32 $0x1BF5;
	[smem:$0x3FBA] =	sst s0  }
0x18: {  	s0 =	sld [smem:$0x3F9D];
	_ =	swait.ge [sflag:s4], $0x0  }
0x19: {  	s7 =	sld [smem:$0x3F9E]  }
0x1a: {  	s8 =	sadd.s32 $0xFFFFE003, lr  }
0x1b: {  	s9 =	sadd.s32 $0xFFFFFEF7, lr;
	s5 =	simm.s32 $0xFFFFFFFF;
	p2 =	slt.u32 s8, $0xFFFFF086  }
0x1c: {  	p1 =	slt.u32 s9, $0xF7A;
	s5 =	simm.s32 @!p2 $0x0  }
0x1d: {  	s5 =	simm.s32 @p1 $0x1;
	p0 =	seq.s32 s7, s2  }
0x1e: {  	s7 =	smul.u32 @!p0 $0xF7A, s2;
	p2 =	seq.s32 @!p0 s5, $0x0  }
0x1f: {  	s9 =	smul.u32 $0xF7A, s1;
	s8 =	simm.s32 @!p0 $0x1BF5;
	p2 =	por !p2, p0  }
0x20: {  	[sflag:s8] =	ssyncset.s32 @!p0 $0xFFFFF086;
	s6 =	sadd.s32 @!p0 s3, s7;
	s7 =	simm.s32 @!p0 $0x108  }
0x21: {  	s3 =	sadd.s32 s3, s9;
	s6 =	sadd.s32 @!p0 $0x88, s6;
	s7 =	simm.s32 @p2 $0x1082  }
0x22: {  	[simem:s7], [sflag:s8] =	dma.local @!p0 [hbm:s6], $0xF7A  }
0x23: {  	s9 =	sor.u32 $0xD0000000, s2;
	s6 =	simm.s32 $0x108;
	_ =	swait.ge @!p0 [sflag:s8], $0x0  }
0x24: {  	s3 =	sadd.s32 $0x88, s3;
	s6 =	simm.s32 @!p1 $0x1082;
	[sflag:s4] =	ssyncset.s32 $0xFFFFF086  }
0x25: {  	[simem:s6], [sflag:s4] =	dma.local [hbm:s3], $0xF7A  }
0x26: {  	[smem:$0x3F9E] =	sst s1;
	(tag) =	ssettag s2;
	_ =	strace s9  }
0x27: {  	s1 =	sld [smem:$0x3FAE]  }
0x28: {  	s2 =	sld [smem:$0x3FAF]  }
0x29: {  	s4 =	sld [smem:$0x3FB1]  }
0x2a: {  	p0 =	seq.s32 s5, $0x0;
	s5 =	sld [smem:$0x3FB2]  }
0x2b: {  	s6 =	sld [smem:$0x3FB3]  }
0x2c: {  	s7 =	sld [smem:$0x3FB4]  }
0x2d: {  	s3 =	simm.s32 $0x108;
	s8 =	sld [smem:$0x3FB5]  }
0x2e: {  	s3 =	simm.s32 @!p0 $0x1082;
	s9 =	sld [smem:$0x3FB6]  }
0x2f: {  	lr =	sadd.s32 s0, s3;
	s0 =	sld [smem:$0x3FAD]  }
0x30: {  	s3 =	sld [smem:$0x3FB0]  }
0x31: {  	[smem:$0x3FB9] =	sst s10  }
0x32: {  	s10 =	sld [smem:$0x3FB7];
	_ =	sdelay $0x3  }
0x33: {  	p0 =	seq.s32 s10, $0x1;
	s10 =	sld [smem:$0x3FB9];
	_ =	sdelay $0x3  }
0x34: {  	[smem:$0x3FB9] =	sst s10  }
0x35: {  	s10 =	sld [smem:$0x3FB8];
	_ =	sdelay $0x3  }
0x36: {  	p1 =	seq.s32 s10, $0x1;
	s10 =	sld [smem:$0x3FB9];
	_ =	sdelay $0x3  }
0x37: {  	[smem:$0x3FB9] =	sst s10  }
0x38: {  	s10 =	sld [smem:$0x3FBA]  }
0x39: {  	_ = 	snop;
	(pc) =	sbr.ind lr, $3  }
0x3a: {  	_ = 	snop  }
0x3b: {  	_ = 	snop  }
0x3c: {  	p2 =	seq.s32 s10, $0x1;
	s10 =	sld [smem:$0x3FB9]  }
0x3d: {  	_ =	shalt  }
0x3e: {  	_ =	shalt  }
0x3f: {  	_ =	shalt  }
0x40: {  	_ =	shalt  }
0x41: {  	_ =	shalt  }
0x42: {  	_ =	shalt  }
0x43: {  	_ =	shalt  }
0x44: {  	_ =	shalt  }
0x45: {  	_ =	shalt  }
0x46: {  	_ =	shalt  }
0x47: {  	_ =	shalt  }
0x48: {  	_ =	shalt  }
0x49: {  	_ =	shalt  }
0x4a: {  	_ =	shalt  }
0x4b: {  	_ =	shalt  }
0x4c: {  	_ =	shalt  }
0x4d: {  	_ =	shalt  }
0x4e: {  	_ =	shalt  }
0x4f: {  	_ =	shalt  }
0x50: {  	_ =	shalt  }
0x51: {  	_ =	shalt  }
0x52: {  	_ =	shalt  }
0x53: {  	_ =	shalt  }
0x54: {  	_ =	shalt  }
0x55: {  	_ =	shalt  }
0x56: {  	_ =	shalt  }
0x57: {  	_ =	shalt  }
0x58: {  	_ =	shalt  }
0x59: {  	_ =	shalt  }
0x5a: {  	_ =	shalt  }
0x5b: {  	_ =	shalt  }
0x5c: {  	_ =	shalt  }
0x5d: {  	_ =	shalt  }
0x5e: {  	_ =	shalt  }
0x5f: {  	_ =	shalt  }
0x60: {  	_ =	shalt  }
0x61: {  	_ =	shalt  }
0x62: {  	_ =	shalt  }
0x63: {  	_ =	shalt  }
0x64: {  	_ =	shalt  }
0x65: {  	_ =	shalt  }
0x66: {  	_ =	shalt  }
0x67: {  	_ =	shalt  }
0x68: {  	_ =	shalt  }
0x69: {  	_ =	shalt  }
0x6a: {  	_ =	shalt  }
0x6b: {  	_ =	shalt  }
0x6c: {  	_ =	shalt  }
0x6d: {  	_ =	shalt  }
0x6e: {  	_ =	shalt  }
0x6f: {  	_ =	shalt  }
0x70: {  	_ =	shalt  }
0x71: {  	_ =	shalt  }
0x72: {  	_ =	shalt  }
0x73: {  	_ =	shalt  }
0x74: {  	_ =	shalt  }
0x75: {  	_ =	shalt  }
0x76: {  	_ =	shalt  }
0x77: {  	_ =	shalt  }
0x78: {  	_ =	shalt  }
0x79: {  	_ =	shalt  }
0x7a: {  	_ =	shalt  }
0x7b: {  	_ =	shalt  }
0x7c: {  	_ =	shalt  }
0x7d: {  	_ =	shalt  }
0x7e: {  	_ =	shalt  }
0x7f: {  	_ =	shalt  }
0x80: {  	_ =	shalt  }
0x81: {  	_ =	shalt  }
0x82: {  	_ =	shalt  }
0x83: {  	_ =	shalt  }
0x84: {  	_ =	shalt  }
0x85: {  	_ =	shalt  }
0x86: {  	_ =	shalt  }
0x87: {  	_ =	shalt  }
.Lfunc_end0:
.L_simem_size_0:
called_computation_lowered:
.L_overlay_start_0:
0x88: {  	s2 =	sld [smem:$0x3FD9]  }
0x89: {  	s3 =	sld [smem:$0x3FFE];
	_ =	sdelay $0x1  }
0x8a: {  	s1 =	srdreg.scid  }
0x8b: {  	s0 =	sand.u32 $0x1, s1  }
0x8c: {  	s18 =	sshll.u32 s0, $0xA;
	s2 =	sadd.s32 s3, s2  }
0x8d: {  	s2 =	sadd.s32 s2, s18  }
0x8e: {  	[smem:$0x3FC5] =	sst s2  }
0x8f: {  	_ = 	snop  }
0x90: {  	s2 =	sld [smem:$0x3FC9]  }
0x91: {  	s19 =	sld [smem:$0x3FC8]  }
0x92: {  	s4 =	sld [smem:$0x3FC7]  }
0x93: {  	s5 =	sld [smem:$0x3FD0];
	(tm) =	ssettm $0x1  }
0x94: {  	s6 =	sld [smem:$0x3FFB];
	_ =	sdelay $0x3  }
0x95: {  	_ =	strace s6  }
0x96: {  	s6 =	sld [smem:$0x3FFC];
	_ =	sdelay $0x3  }
0x97: {  	_ =	strace s6  }
0x98: {  	s6 =	sld [smem:$0x3FFD];
	_ =	sdelay $0x3  }
0x99: {  	_ =	strace s6  }
0x9a: {  	_ =	strace $0x8FFFFFFF  }
0x9b: {  	s20 =	sld [smem:$0x3FDB];
	_ =	sdelay $0x1  }
0x9c: {  	s7 =	simm.s32 $_scs_section_size  }
0x9d: {  	s8 =	simm.s32 $_size__tile_overlayer_lowered;
	s9 =	simm.s32 $_tile_overlayer_lowered  }
0x9e: {  	s23 =	simm.s32 $0x1BFF;
	s22 =	sshll.u32 s9, $0x1;
	s6 =	sadd.s32 s7, s20  }
0x9f: {  	s10 =	simm.s32 $0x0;
	s21 =	sshll.u32 s8, $0x1;
	s8 =	sadd.s32 s22, s6  }
0xa0: {  	[timem:s10], [sflag:s23] =	dma.local [hbm:s8], s21  }
0xa1: {  	_ =	swait.ge [sflag:s23], s21  }
0xa2: {  	s7 =	ssub.s32 $0x0, s21;
	[sflag:s23] =	ssyncset.done $0x0  }
0xa3: {  	[sflag:s23] =	ssyncadd.s32 s7;
	_ =	sdelay $0x1  }
0xa4: {  	s24 =	simm.s32 $0x1B8B  }
0xa5: {  	_ =	swait.ge [sflag:s24], $0x1  }
0xa6: {  	[sflag:s24] =	ssyncset.done $0x0  }
0xa7: {  	s25 =	simm.s32 $0x1B8E;
	[sflag:s24] =	ssyncadd.s32 $0xFFFFFFFF  }
0xa8: {  	s26 =	simm.s32 $execute0_lowered;
	[smem:$0x3FD2] =	sst s25  }
0xa9: {  	s7 =	sshll.u32 s26, $0x1;
	_ =	strace $0x80000046;
	[dreg:$0x1] =	wrdreg $0xFFFFFFFF  }
0xaa: {  	s28 =	simm.s32 $_size_execute0_lowered;
	s6 =	sadd.s32 s6, s7;
	[dreg:$0x0] =	wrdreg $0x0  }
0xab: {  	s7 =	sshll.u32 s28, $0x1;
	[dreg:$0x2] =	wrdreg s6  }
0xac: {  	[dreg:$0x3] =	wrdreg s7  }
0xad: {  	[dreg:$0x4] =	wrdreg $0xC0  }
0xae: {  	_ =	task [dreg:s10], $0x5FFFF  }
0xaf: {  	[dreg:$0x1] =	wrdreg $0xFFFFFFFF  }
0xb0: {  	[dreg:$0x0] =	wrdreg $0x60  }
0xb1: {  	[dreg:$0x2] =	wrdreg s2  }
0xb2: {  	[dreg:$0x3] =	wrdreg s19  }
0xb3: {  	[dreg:$0x4] =	wrdreg s4  }
0xb4: {  	[dreg:$0x5] =	wrdreg s5  }
0xb5: {  	[dreg:$0x6] =	wrdreg $0x9  }
0xb6: {  	_ =	task.clear_ibuf [dreg:s10], $0x7FFFF;
	_ =	strace $0x90000046  }
0xb7: {  	s29 =	simm.s32 $0x9;
	_ =	strace $0x80000048  }
0xb8: {  	_ =	swait.ge [sflag:s29], $0x1  }
0xb9: {  	[sflag:s29] =	ssyncadd.s32 $0xFFFFFFFF  }
0xba: {  	_ =	strace $0x90000048  }
0xbb: {  	_ =	sfence  }
0xbc: {  	s30 =	sld [smem:$0x0];
	_ =	sdelay $0x2  }
0xbd: {  	s31 =	sshll.u32 s1, $0xD;
	s1 =	sshrl.u32 s1, $0x2  }
0xbe: {  	s3 =	sand.u32 $0x4000, s31;
	s1 =	sadd.s32 s1, s30  }
0xbf: {  	s0 =	sor.u32 s3, s0;
	s1 =	sshll.u32 s1, $0x11  }
0xc0: {  	s0 =	sor.u32 s1, s0  }
0xc1: {  	s0 =	sadd.s32 $0x8F2B, s0  }
0xc2: {  	[sflag:s0] =	ssyncadd.remote.s32 $0x1  }
0xc3: {  	_ =	sfence.sel $0xFFFF  }
0xc4: {  	[dreg:$0x0] =	wrdreg $0xFFFFFFFF;
	(pc) =	sbr.abs _section_cstart, $3  }
0xc5: {  	[dreg:$0x1] =	wrdreg $0xFFFFFFFF  }
0xc6: {  	_ =	task.clear_ibuf [dreg:s10], $0x2FFFF;
	_ =	strace $0x9FFFFFFF  }
0xc7: {  	(tm) =	ssettm $0x7FFFFFFF  }
tec
execute0_lowered:
.L_overlay_start_1:
0x0: {  	(tag) =	ssettag $0x1  }
0x1: {  	s2 =	rddreg [dreg:$0x0]  }
0x2: {  	s31 =	rddreg [dreg:$0x1];
	s0 =	srdreg.scid  }
0x3: {  	s3 =	rddreg [dreg:$0x2];
	s1 =	stileid.u32  }
0x4: {  	s6 =	rddreg [dreg:$0x3];
	s18 =	simm.s32 $0x0;
	s0 =	sand.u32 $0x1, s0  }
0x5: {  	s4 =	sshll.u32 s1, $0x9;
	[smem:$0x7FF] =	sst s18;
	s29 =	sadd.s32 $0x600, s6  }
0x6: {  	s30 =	sadd.s32 $0x900, s6;
	s5 =	sshll.u32 s0, $0x8;
	s0 =	ssub.s32 $0x2, s0  }
0x7: {  	_ =	strace $0x80000047;
	[smem:$0x7FC] =	sst s29;
	s5 =	sor.u32 s5, s4  }
0x8: {  	[smem:$0x7FD] =	sst s30;
	s7 =	sshrl.u32 s0, $0x1;
	s4 =	sshrl.u32 s5, $0x3  }
0x9: {  	s0 =	ssub.s32 s0, s7;
	s8 =	smul.u32 $0x300, s4;
	s20 =	sadd.s32 s3, s4  }
0xa: {  	s0 =	smax.u32 s0, $0x1;
	[smem:$0x7F2] =	sst s20  }
0xb: {  	[smem:$0x7FB] =	sst s0;
	s24 =	sadd.s32 s6, s8  }
0xc: {  	s19 =	smul.u32 $0x1800, s4;
	s21 =	sadd.s32 s2, s8;
	[smem:$0x7F5] =	sst s24  }
0xd: {  	s9 =	sadd.s32 $0x100, s31;
	s2 =	sadd.s32 $0x300, s21;
	[smem:$0x7F6] =	sst s21  }
0xe: {  	s22 =	sshrl.u32 s19, $0x3;
	s23 =	sadd.s32 $0x600, s21;
	[smem:$0x7F3] =	sst s2  }
0xf: {  	s3 =	sadd.s32 s6, s22;
	s1 =	sadd.s32 $0x900, s21;
	[smem:$0x7F4] =	sst s23  }
0x10: {  	s10 =	sadd.s32 $0x200, s31;
	[smem:$0x7F7] =	sst s1;
	s25 =	sadd.s32 $0x5700, s3  }
0x11: {  	v0 =	vlaneseq.u32;
	s22 =	simm.s32 $0x1800;
	s26 =	sadd.s32 $0x5A00, s3;
	[smem:$0x7F8] =	sst s25  }
0x12: {  	v1 =	vshrl.u32 v0, $0x3;
	s28 =	sadd.s32 $0x5D00, s3;
	s23 =	simm.s32 $0x600000;
	[smem:$0x7F9] =	sst s26  }
0x13: {  	vm0 =	vmmov $0xffff;
	v0 =	vand.u32 $0x7, v0;
	v1 =	vmul.u32 $0x8, v1;
	s2 =	simm.s32 $0x100;
	s3 =	simm.s32 $0x0;
	[smem:$0x7FA] =	sst s28  }
.LBB2_1:
0x14: {  	s1 =	sld [smem:$0x7F2];
	_ =	sdelay $0x1  }
0x15: {  	[smem:$0x7F1] =	sst s3;
	s0 =	simm.s32 $0x0;
	s12 =	simm.s32 $0xD  }
0x16: {  	[tilespmem:s0], [sflag:$0xD] =	stream.linear.gather [hbm4b:s1+s0], $0x100, $0x38;
	[tilespmem:$0x1E100] =	vst v63  }
0x17: {  	_ =	swait.ge [sflag:s12], $0x100  }
0x18: {  	s13 =	sld [smem:$0x7F6]  }
0x19: {  	[sflag:s12] =	ssyncset.done $0x0  }
0x1a: {  	[sflag:s12] =	ssyncadd.s32 $0xFFFFFF00  }
0x1b: {  	[tilespmem:s2], [sflag:$0x1] =	stream.strided.gather [hbm4b:s13+s22], $0x6000, s23, s22, $0x38;
	[tilespmem:$0x1E100] =	vst v63  }
0x1c: {  	v2 =	vld.msk [tilespmem:$0x0], $0xff;
	_ =	sdelay $0x4  }
0x1d: {  	v3 =	vshrl.u32 v2, $0x3  }
0x1e: {  	v3 =	vmul.u32 $0x30, v3  }
0x1f: {  	v2 =	vand.u32 $0x7, v2  }
0x20: {  	v2 =	vor.u32 v2, v3  }
0x21: {  	v2 =	vperm.xlane v2, v0;
	_ =	sdelay $0x1  }
0x22: {  	v2 =	vadd.s32 v1, v2;
	_ =	sdelay $0x3  }
0x23: {  	s14 =	simm.s32 $0x18100  }
0x24: {  	[tilespmem:s14], [sflag:$0x5] =	stream.indirect_vreg.gather [hbm4b:s31+s0], $0x80, v2, vm0, $0xb8;
	[tilespmem:$0x1E100] =	vst v63  }
0x25: {  	s15 =	simm.s32 $0x18900  }
0x26: {  	[tilespmem:s15], [sflag:$0x5] =	stream.indirect_vreg.gather [hbm4b:s9+s0], $0x80, v2, vm0, $0xb8;
	[tilespmem:$0x1E100] =	vst v63  }
0x27: {  	s16 =	simm.s32 $0x19100;
	s17 =	sld [smem:$0x7F3]  }
0x28: {  	[tilespmem:s16], [sflag:$0x5] =	stream.indirect_vreg.gather [hbm4b:s10+s0], $0x80, v2, vm0, $0xb8;
	[tilespmem:$0x1E100] =	vst v63  }
0x29: {  	s18 =	simm.s32 $0x6100  }
0x2a: {  	[tilespmem:s18], [sflag:$0x2] =	stream.strided.gather [hbm4b:s17+s22], $0x6000, s23, s22, $0x38;
	[tilespmem:$0x1E100] =	vst v63  }
0x2b: {  	v2 =	vld.msk [tilespmem:$0x8], $0xff;
	_ =	sdelay $0x4  }
0x2c: {  	v3 =	vshrl.u32 v2, $0x3  }
0x2d: {  	v3 =	vmul.u32 $0x30, v3  }
0x2e: {  	v2 =	vand.u32 $0x7, v2  }
0x2f: {  	v2 =	vor.u32 v2, v3  }
0x30: {  	v2 =	vperm.xlane v2, v0;
	_ =	sdelay $0x1  }
0x31: {  	v2 =	vadd.s32 v1, v2;
	_ =	sdelay $0x3  }
0x32: {  	s19 =	simm.s32 $0x19900  }
0x33: {  	[tilespmem:s19], [sflag:$0x6] =	stream.indirect_vreg.gather [hbm4b:s31+s0], $0x80, v2, vm0, $0xb8;
	[tilespmem:$0x1E100] =	vst v63  }
0x34: {  	s20 =	simm.s32 $0x1A100  }
0x35: {  	[tilespmem:s20], [sflag:$0x6] =	stream.indirect_vreg.gather [hbm4b:s9+s0], $0x80, v2, vm0, $0xb8;
	[tilespmem:$0x1E100] =	vst v63  }
0x36: {  	s21 =	simm.s32 $0x1A900;
	s24 =	sld [smem:$0x7F4]  }
0x37: {  	[tilespmem:s21], [sflag:$0x6] =	stream.indirect_vreg.gather [hbm4b:s10+s0], $0x80, v2, vm0, $0xb8;
	[tilespmem:$0x1E100] =	vst v63  }
0x38: {  	s25 =	simm.s32 $0xC100  }
0x39: {  	[tilespmem:s25], [sflag:$0x3] =	stream.strided.gather [hbm4b:s24+s22], $0x6000, s23, s22, $0x38;
	[tilespmem:$0x1E100] =	vst v63  }
0x3a: {  	v2 =	vld.msk [tilespmem:$0x10], $0xff;
	_ =	sdelay $0x4  }
0x3b: {  	v3 =	vshrl.u32 v2, $0x3  }
0x3c: {  	v3 =	vmul.u32 $0x30, v3  }
0x3d: {  	v2 =	vand.u32 $0x7, v2  }
0x3e: {  	v2 =	vor.u32 v2, v3  }
0x3f: {  	v2 =	vperm.xlane v2, v0;
	_ =	sdelay $0x1  }
0x40: {  	v2 =	vadd.s32 v1, v2;
	_ =	sdelay $0x3  }
0x41: {  	s26 =	simm.s32 $0x1B100  }
0x42: {  	[tilespmem:s26], [sflag:$0x7] =	stream.indirect_vreg.gather [hbm4b:s31+s0], $0x80, v2, vm0, $0xb8;
	[tilespmem:$0x1E100] =	vst v63  }
0x43: {  	s28 =	simm.s32 $0x1B900  }
0x44: {  	[tilespmem:s28], [sflag:$0x7] =	stream.indirect_vreg.gather [hbm4b:s9+s0], $0x80, v2, vm0, $0xb8;
	[tilespmem:$0x1E100] =	vst v63  }
0x45: {  	s29 =	simm.s32 $0x1C100;
	s30 =	simm.s32 $0x1  }
0x46: {  	[tilespmem:s29], [sflag:$0x7] =	stream.indirect_vreg.gather [hbm4b:s10+s0], $0x80, v2, vm0, $0xb8;
	[tilespmem:$0x1E100] =	vst v63  }
0x47: {  	_ =	swait.ge [sflag:s30], $0x6000  }
0x48: {  	[sflag:s30] =	ssyncset.done $0x0  }
0x49: {  	s31 =	simm.s32 $0x5;
	[sflag:s30] =	ssyncadd.s32 $0xFFFFA000  }
0x4a: {  	_ =	swait.ge [sflag:s31], $0x1800  }
0x4b: {  	[sflag:s31] =	ssyncset.done $0x0  }
0x4c: {  	s4 =	simm.s32 $0x0;
	[sflag:s31] =	ssyncadd.s32 $0xFFFFE800  }
.LBB2_2:
0x4d: {  	s0 =	simm.s32 $0x0  }
0x4e: {  	s12 =	sshll.u32 s4, $0x7;
	s8 =	sand.u32 $0x40, s0;
	s0 =	sand.u32 $0x1C00, s0  }
0x4f: {  	s13 =	sor.u32 s12, s0;
	s14 =	sor.u32 $0x30, s8  }
0x50: {  	s15 =	sor.u32 s14, s13  }
0x51: {  	s21 =	sor.u32 $0x10, s8;
	s20 =	sor.u32 s8, s13;
	v3 =	vld [tilespmem:s15+$0x18100]  }
0x52: {  	s25 =	sor.u32 s21, s13;
	v4 =	vld [tilespmem:s20+$0x18100]  }
0x53: {  	s24 =	sor.u32 $0x20, s8;
	v5 =	vld [tilespmem:s25+$0x18100]  }
0x54: {  	s19 =	sor.u32 s24, s13  }
0x55: {  	v2 =	vld [tilespmem:s19+$0x18100]  }
0x56: {  	s16 =	sadd.s32 $0x1900, s12;
	[tilespmem:s15+$0x100] =	vst.add.f32.msk $0xffff, v3  }
0x57: {  	s6 =	sadd.s32 s0, s16;
	[tilespmem:s20+$0x100] =	vst.add.f32.msk $0xffff, v4  }
0x58: {  	s7 =	sadd.s32 s14, s6;
	[tilespmem:s25+$0x100] =	vst.add.f32.msk $0xffff, v5  }
0x59: {  	s17 =	sadd.s32 $0x3100, s12;
	s26 =	sadd.s32 s8, s6;
	[tilespmem:s7+$0x0] =	vst.add.f32.msk $0xffff, v3  }
0x5a: {  	s29 =	sadd.s32 s0, s17;
	s30 =	sadd.s32 s21, s6;
	[tilespmem:s26+$0x0] =	vst.add.f32.msk $0xffff, v4  }
0x5b: {  	s11 =	sadd.s32 s14, s29;
	[tilespmem:s30+$0x0] =	vst.add.f32.msk $0xffff, v5  }
0x5c: {  	s18 =	sadd.s32 $0x4900, s12;
	s28 =	sadd.s32 s8, s29;
	[tilespmem:s11+$0x0] =	vst.add.f32.msk $0xffff, v3  }
0x5d: {  	s0 =	sadd.s32 s0, s18;
	s31 =	sadd.s32 s21, s29;
	[tilespmem:s28+$0x0] =	vst.add.f32.msk $0xffff, v4  }
0x5e: {  	s14 =	sadd.s32 s14, s0;
	[tilespmem:s31+$0x0] =	vst.add.f32.msk $0xffff, v5  }
0x5f: {  	s8 =	sadd.s32 s8, s0;
	s21 =	sadd.s32 s21, s0;
	[tilespmem:s14+$0x0] =	vst.add.f32.msk $0xffff, v3  }
0x60: {  	s13 =	sadd.s32 s24, s6;
	s20 =	simm.s32 $0x0;
	s15 =	sadd.s32 s24, s0;
	[tilespmem:s8+$0x0] =	vst.add.f32.msk $0xffff, v4  }
0x61: {  	s0 =	simm.s32 $0x200;
	s8 =	sadd.s32 s24, s29;
	[tilespmem:s21+$0x0] =	vst.add.f32.msk $0xffff, v5;
	s24 =	simm.s32 $0x40  }
.LBB2_3:
0x62: {  	s14 =	sand.u32 $0x40, s24;
	s21 =	sand.u32 $0x1C00, s0;
	[tilespmem:s19+$0x100] =	vst.add.f32.msk $0xffff, v2  }
0x63: {  	s19 =	sor.u32 s12, s21;
	s25 =	sor.u32 $0x10, s14;
	s29 =	sor.u32 $0x30, s14;
	[tilespmem:s13+$0x0] =	vst.add.f32.msk $0xffff, v2  }
0x64: {  	s28 =	sor.u32 $0x20, s14;
	s26 =	sor.u32 s14, s19;
	s13 =	sor.u32 s29, s19;
	[tilespmem:s8+$0x0] =	vst.add.f32.msk $0xffff, v2  }
0x65: {  	s20 =	sadd.s32 $0x4, s20;
	s30 =	sor.u32 s25, s19;
	s19 =	sor.u32 s28, s19;
	v3 =	vld [tilespmem:s13+$0x18100]  }
0x66: {  	p0 =	slt.u32 s20, $0x2C;
	v4 =	vld [tilespmem:s26+$0x18100]  }
0x67: {  	v5 =	vld [tilespmem:s30+$0x18100]  }
0x68: {  	v6 =	vld [tilespmem:s19+$0x18100]  }
0x69: {  	s8 =	sadd.s32 s21, s16;
	[tilespmem:s15+$0x0] =	vst.add.f32.msk $0xffff, v2  }
0x6a: {  	s31 =	sadd.s32 s14, s8;
	s15 =	sadd.s32 s21, s17;
	[tilespmem:s13+$0x100] =	vst.add.f32.msk $0xffff, v3;
	s13 =	sadd.s32 s29, s8  }
0x6b: {  	s21 =	sadd.s32 s21, s18;
	s3 =	sadd.s32 s14, s15;
	[tilespmem:s13+$0x0] =	vst.add.f32.msk $0xffff, v3;
	s13 =	sadd.s32 s29, s15  }
0x6c: {  	s7 =	sadd.s32 s25, s8;
	s14 =	sadd.s32 s14, s21;
	s29 =	sadd.s32 s29, s21;
	[tilespmem:s13+$0x0] =	vst.add.f32.msk $0xffff, v3  }
0x6d: {  	s11 =	sadd.s32 s25, s15;
	s25 =	sadd.s32 s25, s21;
	s13 =	sadd.s32 s28, s8;
	[tilespmem:s29+$0x0] =	vst.add.f32.msk $0xffff, v3;
	v2 =	vmov v6  }
0x6e: {  	s8 =	sadd.s32 s28, s15;
	s15 =	sadd.s32 s28, s21;
	[tilespmem:s26+$0x100] =	vst.add.f32.msk $0xffff, v4  }
0x6f: {  	[tilespmem:s31+$0x0] =	vst.add.f32.msk $0xffff, v4  }
0x70: {  	[tilespmem:s3+$0x0] =	vst.add.f32.msk $0xffff, v4  }
.Ltmp0:
0x71: {  	[tilespmem:s14+$0x0] =	vst.add.f32.msk $0xffff, v4;
	(pc) =	sbr.rel @p0 .LBB2_3-.Ltmp0, $4  }
0x72: {  	[tilespmem:s30+$0x100] =	vst.add.f32.msk $0xffff, v5  }
0x73: {  	[tilespmem:s7+$0x0] =	vst.add.f32.msk $0xffff, v5  }
0x74: {  	[tilespmem:s11+$0x0] =	vst.add.f32.msk $0xffff, v5  }
0x75: {  	s0 =	sadd.s32 $0x200, s0;
	s24 =	sadd.s32 $0x40, s24;
	[tilespmem:s25+$0x0] =	vst.add.f32.msk $0xffff, v5  }
0x76: {  	s4 =	sadd.s32 $0x1, s4  }
0x77: {  	p0 =	sne.s32 s4, $0x8  }
.Ltmp1:
0x78: {  	_ = 	snop;
	(pc) =	sbr.rel @p0 .LBB2_2-.Ltmp1, $4  }
0x79: {  	[tilespmem:s19+$0x100] =	vst.add.f32.msk $0xffff, v2  }
0x7a: {  	[tilespmem:s13+$0x0] =	vst.add.f32.msk $0xffff, v2  }
0x7b: {  	[tilespmem:s8+$0x0] =	vst.add.f32.msk $0xffff, v2  }
0x7c: {  	[tilespmem:s15+$0x0] =	vst.add.f32.msk $0xffff, v2  }
0x7d: {  	s0 =	sld [smem:$0x7F5];
	_ =	sdelay $0x1  }
0x7e: {  	s26 =	sld [smem:$0x7F7]  }
0x7f: {  	[hbm4b:s0+s22] =	stream.strided.scatter [tilespmem:s2], [sflag:$0x9], $0x6000, s23, s22, $0x38;
	[tilespmem:$0x1E100] =	vst v63  }
0x80: {  	s1 =	simm.s32 $0x12100  }
0x81: {  	[tilespmem:s1], [sflag:$0x4] =	stream.strided.gather [hbm4b:s26+s22], $0x6000, s23, s22, $0x38;
	[tilespmem:$0x1E100] =	vst v63  }
0x82: {  	v2 =	vld.msk [tilespmem:$0x18], $0xff;
	_ =	sdelay $0x4  }
0x83: {  	v3 =	vshrl.u32 v2, $0x3  }
0x84: {  	v3 =	vmul.u32 $0x30, v3  }
0x85: {  	v2 =	vand.u32 $0x7, v2  }
0x86: {  	v2 =	vor.u32 v2, v3  }
0x87: {  	v2 =	vperm.xlane v2, v0;
	_ =	sdelay $0x1  }
0x88: {  	v2 =	vadd.s32 v1, v2;
	_ =	sdelay $0x3  }
0x89: {  	s12 =	simm.s32 $0x0;
	s31 =	rddreg [dreg:$0x1];
	s28 =	simm.s32 $0x1C900  }
0x8a: {  	[tilespmem:s28], [sflag:$0x8] =	stream.indirect_vreg.gather [hbm4b:s31+s12], $0x80, v2, vm0, $0xb8;
	[tilespmem:$0x1E100] =	vst v63  }
0x8b: {  	s29 =	simm.s32 $0x1D100  }
0x8c: {  	[tilespmem:s29], [sflag:$0x8] =	stream.indirect_vreg.gather [hbm4b:s9+s12], $0x80, v2, vm0, $0xb8;
	[tilespmem:$0x1E100] =	vst v63  }
0x8d: {  	s30 =	simm.s32 $0x1D900  }
0x8e: {  	[tilespmem:s30], [sflag:$0x8] =	stream.indirect_vreg.gather [hbm4b:s10+s12], $0x80, v2, vm0, $0xb8;
	[tilespmem:$0x1E100] =	vst v63  }
.LBB2_6:
0x8f: {  	s0 =	simm.s32 $0x2  }
0x90: {  	_ =	swait.ge [sflag:s0], $0x6000  }
0x91: {  	[sflag:s0] =	ssyncset.done $0x0  }
0x92: {  	s30 =	simm.s32 $0x6;
	[sflag:s0] =	ssyncadd.s32 $0xFFFFA000  }
0x93: {  	_ =	swait.ge [sflag:s30], $0x1800  }
0x94: {  	[sflag:s30] =	ssyncset.done $0x0  }
0x95: {  	s4 =	simm.s32 $0x0;
	[sflag:s30] =	ssyncadd.s32 $0xFFFFE800  }
.LBB2_7:
0x96: {  	s0 =	sshll.u32 s4, $0x7  }
0x97: {  	s3 =	sadd.s32 $0x19900, s0  }
0x98: {  	s16 =	simm.s32 $0x0;
	s26 =	sadd.s32 $0x6100, s0;
	[dreg:$0x5] =	wrdreg s3  }
0x99: {  	s28 =	sadd.s32 $0x7900, s0;
	s8 =	sand.u32 $0x1C00, s16;
	[dreg:$0x6] =	wrdreg s26  }
0x9a: {  	s11 =	sadd.s32 $0x9100, s0;
	s3 =	sand.u32 $0x40, s16;
	s7 =	rddreg [dreg:$0x5]  }
0x9b: {  	[dreg:$0x7] =	wrdreg s28;
	s13 =	sor.u32 $0x30, s3;
	s7 =	sadd.s32 s8, s7  }
0x9c: {  	[dreg:$0x8] =	wrdreg s11;
	s29 =	sadd.s32 s13, s7  }
0x9d: {  	s11 =	sor.u32 $0x10, s3;
	s15 =	sadd.s32 s3, s7;
	v4 =	vld [tilespmem:s29+$0x0]  }
0x9e: {  	s30 =	sadd.s32 s11, s7;
	v5 =	vld [tilespmem:s15+$0x0]  }
0x9f: {  	s14 =	rddreg [dreg:$0x6];
	s19 =	sor.u32 $0x20, s3;
	v3 =	vld [tilespmem:s30+$0x0]  }
0xa0: {  	s14 =	sadd.s32 s8, s14;
	s7 =	sadd.s32 s19, s7  }
0xa1: {  	s17 =	rddreg [dreg:$0x7];
	s1 =	sadd.s32 s13, s14;
	v2 =	vld [tilespmem:s7+$0x0]  }
0xa2: {  	s18 =	rddreg [dreg:$0x8];
	s26 =	sadd.s32 s3, s14;
	[tilespmem:s1+$0x0] =	vst.add.f32.msk $0xffff, v4  }
0xa3: {  	s7 =	sadd.s32 s8, s17;
	s30 =	sadd.s32 s11, s14;
	[tilespmem:s26+$0x0] =	vst.add.f32.msk $0xffff, v5  }
0xa4: {  	s20 =	sadd.s32 s13, s7;
	[tilespmem:s30+$0x0] =	vst.add.f32.msk $0xffff, v3  }
0xa5: {  	s6 =	sadd.s32 s8, s18;
	s28 =	sadd.s32 s3, s7;
	[tilespmem:s20+$0x0] =	vst.add.f32.msk $0xffff, v4  }
0xa6: {  	s24 =	sadd.s32 s13, s6;
	s17 =	sadd.s32 $0xA900, s0;
	[tilespmem:s28+$0x0] =	vst.add.f32.msk $0xffff, v5  }
0xa7: {  	s29 =	sadd.s32 s3, s6;
	s21 =	sadd.s32 s8, s17;
	[tilespmem:s24+$0x0] =	vst.add.f32.msk $0xffff, v4  }
0xa8: {  	s18 =	simm.s32 $0x0;
	s25 =	sadd.s32 s13, s21;
	[tilespmem:s29+$0x0] =	vst.add.f32.msk $0xffff, v5  }
0xa9: {  	s15 =	sadd.s32 s11, s6;
	s14 =	sadd.s32 s19, s14;
	s3 =	sadd.s32 s3, s21;
	[tilespmem:s25+$0x0] =	vst.add.f32.msk $0xffff, v4  }
0xaa: {  	s8 =	sadd.s32 s19, s6;
	s13 =	sadd.s32 s19, s7;
	s24 =	sadd.s32 s11, s7;
	[tilespmem:s3+$0x0] =	vst.add.f32.msk $0xffff, v5  }
0xab: {  	s0 =	sadd.s32 s19, s21;
	s19 =	simm.s32 $0x0;
	s20 =	sadd.s32 s11, s21;
	[tilespmem:s24+$0x0] =	vst.add.f32.msk $0xffff, v3  }
.LBB2_8:
0xac: {  	[tilespmem:s15+$0x0] =	vst.add.f32.msk $0xffff, v3  }
0xad: {  	s16 =	sadd.s32 $0x200, s16;
	s19 =	sadd.s32 $0x40, s19;
	[tilespmem:s14+$0x0] =	vst.add.f32.msk $0xffff, v2  }
0xae: {  	s3 =	rddreg [dreg:$0x5];
	[tilespmem:s20+$0x0] =	vst.add.f32.msk $0xffff, v3;
	s7 =	sand.u32 $0x40, s19;
	s11 =	sand.u32 $0x1C00, s16  }
0xaf: {  	[tilespmem:s13+$0x0] =	vst.add.f32.msk $0xffff, v2;
	s3 =	sadd.s32 s11, s3;
	s14 =	sor.u32 $0x30, s7  }
0xb0: {  	[tilespmem:s8+$0x0] =	vst.add.f32.msk $0xffff, v2;
	s24 =	sadd.s32 s14, s3  }
0xb1: {  	s20 =	sor.u32 $0x10, s7;
	s25 =	sadd.s32 s7, s3;
	v4 =	vld [tilespmem:s24+$0x0]  }
0xb2: {  	s21 =	sor.u32 $0x20, s7;
	s29 =	sadd.s32 s20, s3;
	v5 =	vld [tilespmem:s25+$0x0]  }
0xb3: {  	s26 =	rddreg [dreg:$0x6];
	s3 =	sadd.s32 s21, s3;
	v3 =	vld [tilespmem:s29+$0x0]  }
0xb4: {  	s30 =	sadd.s32 s11, s26;
	v6 =	vld [tilespmem:s3+$0x0]  }
0xb5: {  	s15 =	sadd.s32 s14, s30;
	[tilespmem:s0+$0x0] =	vst.add.f32.msk $0xffff, v2  }
0xb6: {  	s28 =	rddreg [dreg:$0x7];
	s1 =	sadd.s32 s7, s30;
	[tilespmem:s15+$0x0] =	vst.add.f32.msk $0xffff, v4  }
0xb7: {  	s8 =	sadd.s32 s11, s28;
	s26 =	sadd.s32 s20, s30;
	[tilespmem:s1+$0x0] =	vst.add.f32.msk $0xffff, v5  }
0xb8: {  	s28 =	sadd.s32 s14, s8;
	s24 =	rddreg [dreg:$0x8];
	[tilespmem:s26+$0x0] =	vst.add.f32.msk $0xffff, v3  }
0xb9: {  	s18 =	sadd.s32 $0x4, s18;
	s6 =	sadd.s32 s7, s8;
	s24 =	sadd.s32 s11, s24;
	[tilespmem:s28+$0x0] =	vst.add.f32.msk $0xffff, v4  }
0xba: {  	p0 =	slt.u32 s18, $0x2C;
	s29 =	sadd.s32 s14, s24;
	[tilespmem:s6+$0x0] =	vst.add.f32.msk $0xffff, v5  }
.Ltmp2:
0xbb: {  	s25 =	sadd.s32 s7, s24;
	[tilespmem:s29+$0x0] =	vst.add.f32.msk $0xffff, v4;
	(pc) =	sbr.rel @p0 .LBB2_8-.Ltmp2, $4  }
0xbc: {  	s11 =	sadd.s32 s11, s17;
	s28 =	sadd.s32 s20, s8;
	[tilespmem:s25+$0x0] =	vst.add.f32.msk $0xffff, v5  }
0xbd: {  	s13 =	sadd.s32 s21, s8;
	s29 =	sadd.s32 s14, s11;
	[tilespmem:s28+$0x0] =	vst.add.f32.msk $0xffff, v3  }
0xbe: {  	s0 =	sadd.s32 s21, s11;
	s14 =	sadd.s32 s21, s30;
	s30 =	sadd.s32 s7, s11;
	[tilespmem:s29+$0x0] =	vst.add.f32.msk $0xffff, v4  }
0xbf: {  	s15 =	sadd.s32 s20, s24;
	v2 =	vmov v6;
	s20 =	sadd.s32 s20, s11;
	s8 =	sadd.s32 s21, s24;
	[tilespmem:s30+$0x0] =	vst.add.f32.msk $0xffff, v5  }
0xc0: {  	s4 =	sadd.s32 $0x1, s4  }
0xc1: {  	[tilespmem:s15+$0x0] =	vst.add.f32.msk $0xffff, v3;
	p0 =	sne.s32 s4, $0x8  }
.Ltmp3:
0xc2: {  	[tilespmem:s14+$0x0] =	vst.add.f32.msk $0xffff, v2;
	(pc) =	sbr.rel @p0 .LBB2_7-.Ltmp3, $4  }
0xc3: {  	[tilespmem:s20+$0x0] =	vst.add.f32.msk $0xffff, v3  }
0xc4: {  	[tilespmem:s13+$0x0] =	vst.add.f32.msk $0xffff, v2  }
0xc5: {  	[tilespmem:s8+$0x0] =	vst.add.f32.msk $0xffff, v2  }
0xc6: {  	[tilespmem:s0+$0x0] =	vst.add.f32.msk $0xffff, v2  }
0xc7: {  	s16 =	sshll.u32 s12, $0x5  }
0xc8: {  	s0 =	sor.u32 s16, s5  }
0xc9: {  	s0 =	sshrl.u32 s0, $0x3  }
0xca: {  	s18 =	smul.u32 $0x300, s0  }
0xcb: {  	s20 =	rddreg [dreg:$0x3]  }
0xcc: {  	s1 =	simm.s32 $0x6100;
	s0 =	sadd.s32 s18, s20  }
0xcd: {  	s24 =	simm.s32 $0x9;
	s21 =	sadd.s32 $0x20, s16;
	s0 =	sadd.s32 $0x300, s0  }
0xce: {  	[hbm4b:s0+s22] =	stream.strided.scatter [tilespmem:s1], [sflag:$0xA], $0x6000, s23, s22, $0x38;
	[tilespmem:$0x1E100] =	vst v63  }
0xcf: {  	s0 =	sadd.s32 s5, s21;
	_ =	swait.ge [sflag:s24], $0x6000  }
0xd0: {  	s0 =	sshrl.u32 s0, $0x3;
	[sflag:s24] =	ssyncset.done $0x0  }
0xd1: {  	s17 =	smul.u32 $0x300, s0;
	[sflag:s24] =	ssyncadd.s32 $0xFFFFA000  }
0xd2: {  	s25 =	rddreg [dreg:$0x0]  }
0xd3: {  	s0 =	sadd.s32 s25, s17  }
0xd4: {  	[tilespmem:s2], [sflag:$0x1] =	stream.strided.gather [hbm4b:s0+s22], $0x6000, s23, s22, $0x38;
	[tilespmem:$0x1E100] =	vst v63  }
0xd5: {  	v2 =	vld.msk [tilespmem:s16+$0x20], $0xff;
	_ =	sdelay $0x4  }
0xd6: {  	v3 =	vshrl.u32 v2, $0x3  }
0xd7: {  	v3 =	vmul.u32 $0x30, v3  }
0xd8: {  	v2 =	vand.u32 $0x7, v2  }
0xd9: {  	v2 =	vor.u32 v2, v3  }
0xda: {  	v2 =	vperm.xlane v2, v0;
	_ =	sdelay $0x1  }
0xdb: {  	v2 =	vadd.s32 v1, v2;
	_ =	sdelay $0x3  }
0xdc: {  	s4 =	simm.s32 $0x0;
	s26 =	simm.s32 $0x18100  }
0xdd: {  	[tilespmem:s26], [sflag:$0x5] =	stream.indirect_vreg.gather [hbm4b:s31+s4], $0x80, v2, vm0, $0xb8;
	[tilespmem:$0x1E100] =	vst v63  }
0xde: {  	s28 =	simm.s32 $0x18900  }
0xdf: {  	[tilespmem:s28], [sflag:$0x5] =	stream.indirect_vreg.gather [hbm4b:s9+s4], $0x80, v2, vm0, $0xb8;
	[tilespmem:$0x1E100] =	vst v63  }
0xe0: {  	s29 =	simm.s32 $0x19100;
	s30 =	simm.s32 $0x3  }
0xe1: {  	[tilespmem:s29], [sflag:$0x5] =	stream.indirect_vreg.gather [hbm4b:s10+s4], $0x80, v2, vm0, $0xb8;
	[tilespmem:$0x1E100] =	vst v63  }
0xe2: {  	_ =	swait.ge [sflag:s30], $0x6000  }
0xe3: {  	[sflag:s30] =	ssyncset.done $0x0  }
0xe4: {  	s31 =	simm.s32 $0x7;
	[sflag:s30] =	ssyncadd.s32 $0xFFFFA000  }
0xe5: {  	_ =	swait.ge [sflag:s31], $0x1800  }
0xe6: {  	[sflag:s31] =	ssyncset.done $0x0  }
0xe7: {  	s19 =	simm.s32 $0x0;
	[sflag:s31] =	ssyncadd.s32 $0xFFFFE800  }
.LBB2_11:
0xe8: {  	s0 =	sshll.u32 s19, $0x7  }
0xe9: {  	s3 =	sadd.s32 $0x1B100, s0  }
0xea: {  	s26 =	sadd.s32 $0xC100, s0;
	[dreg:$0x9] =	wrdreg s3  }
0xeb: {  	s8 =	sand.u32 $0x1C00, s4;
	s28 =	sadd.s32 $0xD900, s0;
	[dreg:$0xa] =	wrdreg s26  }
0xec: {  	s11 =	sadd.s32 $0xF100, s0;
	s3 =	sand.u32 $0x40, s4;
	s7 =	rddreg [dreg:$0x9]  }
0xed: {  	[dreg:$0xb] =	wrdreg s28;
	s13 =	sor.u32 $0x30, s3;
	s7 =	sadd.s32 s8, s7  }
0xee: {  	[dreg:$0xc] =	wrdreg s11;
	s30 =	sadd.s32 s13, s7  }
0xef: {  	s11 =	sor.u32 $0x10, s3;
	s15 =	sadd.s32 s3, s7;
	v4 =	vld [tilespmem:s30+$0x0]  }
0xf0: {  	s31 =	sadd.s32 s11, s7;
	v5 =	vld [tilespmem:s15+$0x0]  }
0xf1: {  	s14 =	rddreg [dreg:$0xa];
	s26 =	sor.u32 $0x20, s3;
	v3 =	vld [tilespmem:s31+$0x0]  }
0xf2: {  	s14 =	sadd.s32 s8, s14;
	s7 =	sadd.s32 s26, s7  }
0xf3: {  	s20 =	rddreg [dreg:$0xb];
	s1 =	sadd.s32 s13, s14;
	v2 =	vld [tilespmem:s7+$0x0]  }
0xf4: {  	s21 =	rddreg [dreg:$0xc];
	s24 =	sadd.s32 s3, s14;
	[tilespmem:s1+$0x0] =	vst.add.f32.msk $0xffff, v4  }
0xf5: {  	s7 =	sadd.s32 s8, s20;
	s31 =	sadd.s32 s11, s14;
	[tilespmem:s24+$0x0] =	vst.add.f32.msk $0xffff, v5  }
0xf6: {  	s6 =	sadd.s32 s13, s7;
	[tilespmem:s31+$0x0] =	vst.add.f32.msk $0xffff, v3  }
0xf7: {  	s25 =	sadd.s32 s3, s7;
	[tilespmem:s6+$0x0] =	vst.add.f32.msk $0xffff, v4  }
0xf8: {  	s2 =	sadd.s32 s8, s21;
	s29 =	sadd.s32 s11, s7;
	[tilespmem:s25+$0x0] =	vst.add.f32.msk $0xffff, v5  }
0xf9: {  	s20 =	sadd.s32 $0x10900, s0;
	s15 =	sadd.s32 s13, s2;
	s30 =	sadd.s32 s3, s2;
	[tilespmem:s29+$0x0] =	vst.add.f32.msk $0xffff, v3  }
0xfa: {  	s0 =	simm.s32 $0x0;
	s28 =	sadd.s32 s8, s20;
	s8 =	sadd.s32 s26, s14;
	[tilespmem:s15+$0x0] =	vst.add.f32.msk $0xffff, v4  }
0xfb: {  	s14 =	sadd.s32 s26, s2;
	s21 =	sadd.s32 s13, s28;
	s3 =	sadd.s32 s3, s28;
	[tilespmem:s30+$0x0] =	vst.add.f32.msk $0xffff, v5  }
0xfc: {  	s13 =	sadd.s32 s26, s7;
	s24 =	simm.s32 $0x0;
	s25 =	sadd.s32 s11, s28;
	[tilespmem:s21+$0x0] =	vst.add.f32.msk $0xffff, v4  }
0xfd: {  	s29 =	simm.s32 $0x0;
	s15 =	sadd.s32 s26, s28;
	s21 =	sadd.s32 s11, s2;
	[tilespmem:s3+$0x0] =	vst.add.f32.msk $0xffff, v5  }
.LBB2_12:
0xfe: {  	[tilespmem:s21+$0x0] =	vst.add.f32.msk $0xffff, v3  }
0xff: {  	s29 =	sadd.s32 $0x200, s29;
	s0 =	sadd.s32 $0x40, s0;
	[tilespmem:s8+$0x0] =	vst.add.f32.msk $0xffff, v2  }
0x100: {  	s3 =	rddreg [dreg:$0x9];
	[tilespmem:s25+$0x0] =	vst.add.f32.msk $0xffff, v3;
	s7 =	sand.u32 $0x40, s0;
	s11 =	sand.u32 $0x1C00, s29  }
0x101: {  	[tilespmem:s13+$0x0] =	vst.add.f32.msk $0xffff, v2;
	s3 =	sadd.s32 s11, s3;
	s8 =	sor.u32 $0x30, s7  }
0x102: {  	[tilespmem:s14+$0x0] =	vst.add.f32.msk $0xffff, v2;
	s1 =	sadd.s32 s8, s3  }
0x103: {  	s25 =	sor.u32 $0x10, s7;
	s2 =	sadd.s32 s7, s3;
	v4 =	vld [tilespmem:s1+$0x0]  }
0x104: {  	s26 =	sor.u32 $0x20, s7;
	s31 =	sadd.s32 s25, s3;
	v5 =	vld [tilespmem:s2+$0x0]  }
0x105: {  	s6 =	rddreg [dreg:$0xa];
	s3 =	sadd.s32 s26, s3;
	v3 =	vld [tilespmem:s31+$0x0]  }
0x106: {  	s14 =	sadd.s32 s11, s6;
	v6 =	vld [tilespmem:s3+$0x0]  }
0x107: {  	s21 =	sadd.s32 s8, s14;
	[tilespmem:s15+$0x0] =	vst.add.f32.msk $0xffff, v2  }
0x108: {  	s30 =	rddreg [dreg:$0xb];
	s3 =	sadd.s32 s7, s14;
	[tilespmem:s21+$0x0] =	vst.add.f32.msk $0xffff, v4  }
0x109: {  	s13 =	sadd.s32 s11, s30;
	s31 =	sadd.s32 s25, s14;
	[tilespmem:s3+$0x0] =	vst.add.f32.msk $0xffff, v5  }
0x10a: {  	s1 =	sadd.s32 s8, s13;
	[tilespmem:s31+$0x0] =	vst.add.f32.msk $0xffff, v3  }
0x10b: {  	s24 =	sadd.s32 $0x4, s24;
	s28 =	rddreg [dreg:$0xc];
	s15 =	sadd.s32 s7, s13;
	[tilespmem:s1+$0x0] =	vst.add.f32.msk $0xffff, v4  }
0x10c: {  	p0 =	slt.u32 s24, $0x2C;
	s28 =	sadd.s32 s11, s28;
	s6 =	sadd.s32 s25, s13;
	[tilespmem:s15+$0x0] =	vst.add.f32.msk $0xffff, v5  }
.Ltmp4:
0x10d: {  	s2 =	sadd.s32 s8, s28;
	[tilespmem:s6+$0x0] =	vst.add.f32.msk $0xffff, v3;
	(pc) =	sbr.rel @p0 .LBB2_12-.Ltmp4, $4  }
0x10e: {  	s11 =	sadd.s32 s11, s20;
	s30 =	sadd.s32 s7, s28;
	[tilespmem:s2+$0x0] =	vst.add.f32.msk $0xffff, v4  }
0x10f: {  	s13 =	sadd.s32 s26, s13;
	s1 =	sadd.s32 s8, s11;
	[tilespmem:s30+$0x0] =	vst.add.f32.msk $0xffff, v5  }
0x110: {  	s7 =	sadd.s32 s7, s11;
	s21 =	sadd.s32 s25, s28;
	s25 =	sadd.s32 s25, s11;
	[tilespmem:s1+$0x0] =	vst.add.f32.msk $0xffff, v4  }
0x111: {  	v2 =	vmov v6;
	s8 =	sadd.s32 s26, s14;
	s14 =	sadd.s32 s26, s28;
	s15 =	sadd.s32 s26, s11;
	[tilespmem:s7+$0x0] =	vst.add.f32.msk $0xffff, v5  }
0x112: {  	s19 =	sadd.s32 $0x1, s19  }
0x113: {  	[tilespmem:s21+$0x0] =	vst.add.f32.msk $0xffff, v3;
	p0 =	sne.s32 s19, $0x8  }
.Ltmp5:
0x114: {  	[tilespmem:s8+$0x0] =	vst.add.f32.msk $0xffff, v2;
	(pc) =	sbr.rel @p0 .LBB2_11-.Ltmp5, $4  }
0x115: {  	[tilespmem:s25+$0x0] =	vst.add.f32.msk $0xffff, v3  }
0x116: {  	[tilespmem:s13+$0x0] =	vst.add.f32.msk $0xffff, v2  }
0x117: {  	[tilespmem:s14+$0x0] =	vst.add.f32.msk $0xffff, v2  }
0x118: {  	[tilespmem:s15+$0x0] =	vst.add.f32.msk $0xffff, v2  }
0x119: {  	s0 =	sld [smem:$0x7FC];
	_ =	sdelay $0x1  }
0x11a: {  	s1 =	simm.s32 $0xC100  }
0x11b: {  	s20 =	sadd.s32 $0x28, s16;
	s21 =	simm.s32 $0xA;
	s0 =	sadd.s32 s0, s18  }
0x11c: {  	[hbm4b:s0+s22] =	stream.strided.scatter [tilespmem:s1], [sflag:$0xB], $0x6000, s23, s22, $0x38;
	[tilespmem:$0x1E100] =	vst v63  }
0x11d: {  	s0 =	sadd.s32 s5, s20;
	_ =	swait.ge [sflag:s21], $0x6000  }
0x11e: {  	s0 =	sshrl.u32 s0, $0x3;
	[sflag:s21] =	ssyncset.done $0x0  }
0x11f: {  	s0 =	smul.u32 $0x300, s0;
	[sflag:s21] =	ssyncadd.s32 $0xFFFFA000  }
0x120: {  	s1 =	rddreg [dreg:$0x0]  }
0x121: {  	s24 =	simm.s32 $0x6100;
	s0 =	sadd.s32 s1, s0  }
0x122: {  	[tilespmem:s24], [sflag:$0x2] =	stream.strided.gather [hbm4b:s0+s22], $0x6000, s23, s22, $0x38;
	[tilespmem:$0x1E100] =	vst v63  }
0x123: {  	v2 =	vld.msk [tilespmem:s16+$0x28], $0xff;
	_ =	sdelay $0x4  }
0x124: {  	v3 =	vshrl.u32 v2, $0x3  }
0x125: {  	v3 =	vmul.u32 $0x30, v3  }
0x126: {  	v2 =	vand.u32 $0x7, v2  }
0x127: {  	v2 =	vor.u32 v2, v3  }
0x128: {  	v2 =	vperm.xlane v2, v0;
	_ =	sdelay $0x1  }
0x129: {  	v2 =	vadd.s32 v1, v2;
	_ =	sdelay $0x3  }
0x12a: {  	s4 =	simm.s32 $0x0;
	s26 =	simm.s32 $0x19900;
	s25 =	rddreg [dreg:$0x1]  }
0x12b: {  	[tilespmem:s26], [sflag:$0x6] =	stream.indirect_vreg.gather [hbm4b:s25+s4], $0x80, v2, vm0, $0xb8;
	[tilespmem:$0x1E100] =	vst v63  }
0x12c: {  	s28 =	simm.s32 $0x1A100  }
0x12d: {  	[tilespmem:s28], [sflag:$0x6] =	stream.indirect_vreg.gather [hbm4b:s9+s4], $0x80, v2, vm0, $0xb8;
	[tilespmem:$0x1E100] =	vst v63  }
0x12e: {  	s29 =	simm.s32 $0x1A900;
	s30 =	simm.s32 $0x4  }
0x12f: {  	[tilespmem:s29], [sflag:$0x6] =	stream.indirect_vreg.gather [hbm4b:s10+s4], $0x80, v2, vm0, $0xb8;
	[tilespmem:$0x1E100] =	vst v63  }
0x130: {  	_ =	swait.ge [sflag:s30], $0x6000  }
0x131: {  	[sflag:s30] =	ssyncset.done $0x0  }
0x132: {  	s31 =	simm.s32 $0x8;
	[sflag:s30] =	ssyncadd.s32 $0xFFFFA000  }
0x133: {  	_ =	swait.ge [sflag:s31], $0x1800  }
0x134: {  	[sflag:s31] =	ssyncset.done $0x0  }
0x135: {  	s19 =	simm.s32 $0x0;
	[sflag:s31] =	ssyncadd.s32 $0xFFFFE800  }
.LBB2_15:
0x136: {  	s0 =	sshll.u32 s19, $0x7  }
0x137: {  	s1 =	sadd.s32 $0x1C900, s0  }
0x138: {  	s26 =	sadd.s32 $0x12100, s0;
	[dreg:$0xd] =	wrdreg s1  }
0x139: {  	s6 =	sand.u32 $0x1C00, s4;
	s28 =	sadd.s32 $0x13900, s0;
	[dreg:$0xe] =	wrdreg s26  }
0x13a: {  	s7 =	sadd.s32 $0x15100, s0;
	s1 =	sand.u32 $0x40, s4;
	s3 =	rddreg [dreg:$0xd]  }
0x13b: {  	[dreg:$0xf] =	wrdreg s28;
	s8 =	sor.u32 $0x30, s1;
	s3 =	sadd.s32 s6, s3  }
0x13c: {  	[dreg:$0x10] =	wrdreg s7;
	s30 =	sadd.s32 s8, s3  }
0x13d: {  	s13 =	sadd.s32 s1, s3;
	v4 =	vld [tilespmem:s30+$0x0]  }
0x13e: {  	s7 =	sor.u32 $0x10, s1;
	v5 =	vld [tilespmem:s13+$0x0]  }
0x13f: {  	s11 =	rddreg [dreg:$0xe];
	s15 =	sor.u32 $0x20, s1;
	s31 =	sadd.s32 s7, s3  }
0x140: {  	s11 =	sadd.s32 s6, s11;
	s3 =	sadd.s32 s15, s3;
	v3 =	vld [tilespmem:s31+$0x0]  }
0x141: {  	s14 =	rddreg [dreg:$0xf];
	s2 =	sadd.s32 s8, s11;
	v2 =	vld [tilespmem:s3+$0x0]  }
0x142: {  	s21 =	rddreg [dreg:$0x10];
	s28 =	sadd.s32 s1, s11;
	s3 =	sadd.s32 s6, s14;
	[tilespmem:s2+$0x0] =	vst.add.f32.msk $0xffff, v4  }
0x143: {  	s25 =	sadd.s32 s8, s3;
	[tilespmem:s28+$0x0] =	vst.add.f32.msk $0xffff, v5  }
0x144: {  	s14 =	sadd.s32 s6, s21;
	s30 =	sadd.s32 s1, s3;
	[tilespmem:s25+$0x0] =	vst.add.f32.msk $0xffff, v4  }
0x145: {  	s20 =	sadd.s32 $0x16900, s0;
	s26 =	sadd.s32 s8, s14;
	[tilespmem:s30+$0x0] =	vst.add.f32.msk $0xffff, v5  }
0x146: {  	s6 =	sadd.s32 s6, s20;
	s31 =	sadd.s32 s1, s14;
	[tilespmem:s26+$0x0] =	vst.add.f32.msk $0xffff, v4  }
0x147: {  	s8 =	sadd.s32 s8, s6;
	[tilespmem:s31+$0x0] =	vst.add.f32.msk $0xffff, v5  }
0x148: {  	s24 =	simm.s32 $0x0;
	s29 =	simm.s32 $0x0;
	s1 =	sadd.s32 s1, s6;
	[tilespmem:s8+$0x0] =	vst.add.f32.msk $0xffff, v4  }
0x149: {  	s0 =	simm.s32 $0x0;
	s21 =	sadd.s32 s7, s14;
	s26 =	sadd.s32 s7, s11;
	[tilespmem:s1+$0x0] =	vst.add.f32.msk $0xffff, v5  }
0x14a: {  	s13 =	sadd.s32 s15, s3;
	s14 =	sadd.s32 s15, s14;
	s28 =	sadd.s32 s7, s3;
	[tilespmem:s26+$0x0] =	vst.add.f32.msk $0xffff, v3  }
0x14b: {  	s25 =	sadd.s32 s7, s6;
	s8 =	sadd.s32 s15, s11;
	s15 =	sadd.s32 s15, s6;
	[tilespmem:s28+$0x0] =	vst.add.f32.msk $0xffff, v3  }
.LBB2_16:
0x14c: {  	[tilespmem:s21+$0x0] =	vst.add.f32.msk $0xffff, v3  }
0x14d: {  	s29 =	sadd.s32 $0x200, s29;
	s0 =	sadd.s32 $0x40, s0;
	[tilespmem:s8+$0x0] =	vst.add.f32.msk $0xffff, v2  }
0x14e: {  	s1 =	rddreg [dreg:$0xd];
	[tilespmem:s25+$0x0] =	vst.add.f32.msk $0xffff, v3;
	s3 =	sand.u32 $0x40, s0;
	s6 =	sand.u32 $0x1C00, s29  }
0x14f: {  	[tilespmem:s13+$0x0] =	vst.add.f32.msk $0xffff, v2;
	s1 =	sadd.s32 s6, s1;
	s7 =	sor.u32 $0x30, s3  }
0x150: {  	[tilespmem:s14+$0x0] =	vst.add.f32.msk $0xffff, v2;
	s13 =	sadd.s32 s7, s1  }
0x151: {  	s11 =	sor.u32 $0x10, s3;
	s21 =	sadd.s32 s3, s1;
	v4 =	vld [tilespmem:s13+$0x0]  }
0x152: {  	s26 =	sor.u32 $0x20, s3;
	s30 =	sadd.s32 s11, s1;
	v5 =	vld [tilespmem:s21+$0x0]  }
0x153: {  	s25 =	rddreg [dreg:$0xe];
	s1 =	sadd.s32 s26, s1;
	v3 =	vld [tilespmem:s30+$0x0]  }
0x154: {  	s13 =	sadd.s32 s6, s25;
	v6 =	vld [tilespmem:s1+$0x0]  }
0x155: {  	s28 =	rddreg [dreg:$0xf];
	[tilespmem:s15+$0x0] =	vst.add.f32.msk $0xffff, v2;
	s2 =	sadd.s32 s7, s13  }
0x156: {  	s31 =	rddreg [dreg:$0x10];
	s1 =	sadd.s32 s3, s13;
	[tilespmem:s2+$0x0] =	vst.add.f32.msk $0xffff, v4  }
0x157: {  	s14 =	sadd.s32 s6, s28;
	s28 =	sadd.s32 s6, s31;
	s31 =	sadd.s32 s11, s13;
	[tilespmem:s1+$0x0] =	vst.add.f32.msk $0xffff, v5  }
0x158: {  	s21 =	sadd.s32 s7, s14;
	[tilespmem:s31+$0x0] =	vst.add.f32.msk $0xffff, v3  }
0x159: {  	s24 =	sadd.s32 $0x4, s24;
	s15 =	sadd.s32 s3, s14;
	[tilespmem:s21+$0x0] =	vst.add.f32.msk $0xffff, v4  }
0x15a: {  	p0 =	slt.u32 s24, $0x2C;
	s2 =	sadd.s32 s11, s14;
	[tilespmem:s15+$0x0] =	vst.add.f32.msk $0xffff, v5  }
.Ltmp6:
0x15b: {  	s25 =	sadd.s32 s7, s28;
	[tilespmem:s2+$0x0] =	vst.add.f32.msk $0xffff, v3;
	(pc) =	sbr.rel @p0 .LBB2_16-.Ltmp6, $4  }
0x15c: {  	s30 =	sadd.s32 s3, s28;
	s6 =	sadd.s32 s6, s20;
	[tilespmem:s25+$0x0] =	vst.add.f32.msk $0xffff, v4  }
0x15d: {  	s7 =	sadd.s32 s7, s6;
	s8 =	sadd.s32 s26, s13;
	[tilespmem:s30+$0x0] =	vst.add.f32.msk $0xffff, v5  }
0x15e: {  	s13 =	sadd.s32 s26, s14;
	s14 =	sadd.s32 s26, s28;
	[tilespmem:s7+$0x0] =	vst.add.f32.msk $0xffff, v4;
	s7 =	sadd.s32 s3, s6  }
0x15f: {  	v2 =	vmov v6;
	s21 =	sadd.s32 s11, s28;
	s15 =	sadd.s32 s26, s6;
	s25 =	sadd.s32 s11, s6;
	[tilespmem:s7+$0x0] =	vst.add.f32.msk $0xffff, v5  }
0x160: {  	s19 =	sadd.s32 $0x1, s19  }
0x161: {  	[tilespmem:s21+$0x0] =	vst.add.f32.msk $0xffff, v3;
	p0 =	sne.s32 s19, $0x8  }
.Ltmp7:
0x162: {  	[tilespmem:s8+$0x0] =	vst.add.f32.msk $0xffff, v2;
	(pc) =	sbr.rel @p0 .LBB2_15-.Ltmp7, $4  }
0x163: {  	[tilespmem:s25+$0x0] =	vst.add.f32.msk $0xffff, v3  }
0x164: {  	[tilespmem:s13+$0x0] =	vst.add.f32.msk $0xffff, v2  }
0x165: {  	[tilespmem:s14+$0x0] =	vst.add.f32.msk $0xffff, v2  }
0x166: {  	[tilespmem:s15+$0x0] =	vst.add.f32.msk $0xffff, v2  }
0x167: {  	s0 =	sld [smem:$0x7FD];
	_ =	sdelay $0x1  }
0x168: {  	s1 =	simm.s32 $0x12100  }
0x169: {  	s20 =	sadd.s32 $0x30, s16;
	s21 =	simm.s32 $0xB;
	s0 =	sadd.s32 s0, s18  }
0x16a: {  	[hbm4b:s0+s22] =	stream.strided.scatter [tilespmem:s1], [sflag:$0xC], $0x6000, s23, s22, $0x38;
	[tilespmem:$0x1E100] =	vst v63  }
0x16b: {  	s0 =	sadd.s32 s5, s20;
	_ =	swait.ge [sflag:s21], $0x6000  }
0x16c: {  	s0 =	sshrl.u32 s0, $0x3;
	[sflag:s21] =	ssyncset.done $0x0  }
0x16d: {  	s0 =	smul.u32 $0x300, s0;
	[sflag:s21] =	ssyncadd.s32 $0xFFFFA000  }
0x16e: {  	s1 =	rddreg [dreg:$0x0]  }
0x16f: {  	s24 =	simm.s32 $0xC100;
	s0 =	sadd.s32 s1, s0  }
0x170: {  	[tilespmem:s24], [sflag:$0x3] =	stream.strided.gather [hbm4b:s0+s22], $0x6000, s23, s22, $0x38;
	[tilespmem:$0x1E100] =	vst v63  }
0x171: {  	v2 =	vld.msk [tilespmem:s16+$0x30], $0xff;
	_ =	sdelay $0x4  }
0x172: {  	v3 =	vshrl.u32 v2, $0x3  }
0x173: {  	v3 =	vmul.u32 $0x30, v3  }
0x174: {  	v2 =	vand.u32 $0x7, v2  }
0x175: {  	v2 =	vor.u32 v2, v3  }
0x176: {  	v2 =	vperm.xlane v2, v0;
	_ =	sdelay $0x1  }
0x177: {  	v2 =	vadd.s32 v1, v2;
	_ =	sdelay $0x3  }
0x178: {  	s4 =	simm.s32 $0x0;
	s25 =	simm.s32 $0x1B100;
	s31 =	rddreg [dreg:$0x1]  }
0x179: {  	[tilespmem:s25], [sflag:$0x7] =	stream.indirect_vreg.gather [hbm4b:s31+s4], $0x80, v2, vm0, $0xb8;
	[tilespmem:$0x1E100] =	vst v63  }
0x17a: {  	s26 =	simm.s32 $0x1B900  }
0x17b: {  	[tilespmem:s26], [sflag:$0x7] =	stream.indirect_vreg.gather [hbm4b:s9+s4], $0x80, v2, vm0, $0xb8;
	[tilespmem:$0x1E100] =	vst v63  }
0x17c: {  	s28 =	simm.s32 $0x1C100;
	s29 =	simm.s32 $0x1  }
0x17d: {  	[tilespmem:s28], [sflag:$0x7] =	stream.indirect_vreg.gather [hbm4b:s10+s4], $0x80, v2, vm0, $0xb8;
	[tilespmem:$0x1E100] =	vst v63  }
0x17e: {  	_ =	swait.ge [sflag:s29], $0x6000  }
0x17f: {  	[sflag:s29] =	ssyncset.done $0x0  }
0x180: {  	s30 =	simm.s32 $0x5;
	[sflag:s29] =	ssyncadd.s32 $0xFFFFA000  }
0x181: {  	_ =	swait.ge [sflag:s30], $0x1800  }
0x182: {  	[sflag:s30] =	ssyncset.done $0x0  }
0x183: {  	s18 =	simm.s32 $0x0;
	[sflag:s30] =	ssyncadd.s32 $0xFFFFE800  }
.LBB2_19:
0x184: {  	s0 =	sshll.u32 s18, $0x7  }
0x185: {  	s1 =	sadd.s32 $0x18100, s0  }
0x186: {  	s26 =	sadd.s32 $0x100, s0;
	[dreg:$0x11] =	wrdreg s1  }
0x187: {  	s3 =	sand.u32 $0x1C00, s4;
	s28 =	sadd.s32 $0x1900, s0;
	[dreg:$0x12] =	wrdreg s26  }
0x188: {  	s6 =	sadd.s32 $0x3100, s0;
	s1 =	sand.u32 $0x40, s4;
	s2 =	rddreg [dreg:$0x11]  }
0x189: {  	[dreg:$0x13] =	wrdreg s28;
	s7 =	sor.u32 $0x30, s1;
	s2 =	sadd.s32 s3, s2  }
0x18a: {  	[dreg:$0x14] =	wrdreg s6;
	s29 =	sadd.s32 s7, s2  }
0x18b: {  	s6 =	sor.u32 $0x10, s1;
	s11 =	sadd.s32 s1, s2;
	v4 =	vld [tilespmem:s29+$0x0]  }
0x18c: {  	s30 =	sadd.s32 s6, s2;
	v5 =	vld [tilespmem:s11+$0x0]  }
0x18d: {  	s8 =	rddreg [dreg:$0x12];
	s15 =	sor.u32 $0x20, s1;
	v3 =	vld [tilespmem:s30+$0x0]  }
0x18e: {  	s13 =	rddreg [dreg:$0x13];
	s8 =	sadd.s32 s3, s8;
	s2 =	sadd.s32 s15, s2  }
0x18f: {  	v2 =	vld [tilespmem:s2+$0x0];
	s2 =	sadd.s32 s3, s13;
	s13 =	sadd.s32 s7, s8  }
0x190: {  	s14 =	rddreg [dreg:$0x14];
	s25 =	sadd.s32 s1, s8;
	[tilespmem:s13+$0x0] =	vst.add.f32.msk $0xffff, v4  }
0x191: {  	s29 =	sadd.s32 s6, s8;
	[tilespmem:s25+$0x0] =	vst.add.f32.msk $0xffff, v5  }
0x192: {  	s21 =	sadd.s32 s7, s2;
	[tilespmem:s29+$0x0] =	vst.add.f32.msk $0xffff, v3  }
0x193: {  	s26 =	sadd.s32 s1, s2;
	[tilespmem:s21+$0x0] =	vst.add.f32.msk $0xffff, v4  }
0x194: {  	s14 =	sadd.s32 s3, s14;
	s30 =	sadd.s32 s6, s2;
	[tilespmem:s26+$0x0] =	vst.add.f32.msk $0xffff, v5  }
0x195: {  	s20 =	simm.s32 $0x0;
	s19 =	sadd.s32 $0x4900, s0;
	s24 =	sadd.s32 s7, s14;
	[tilespmem:s30+$0x0] =	vst.add.f32.msk $0xffff, v3  }
0x196: {  	s0 =	simm.s32 $0x0;
	s28 =	sadd.s32 s1, s14;
	s3 =	sadd.s32 s3, s19;
	[tilespmem:s24+$0x0] =	vst.add.f32.msk $0xffff, v4  }
0x197: {  	s8 =	sadd.s32 s15, s8;
	s7 =	sadd.s32 s7, s3;
	s1 =	sadd.s32 s1, s3;
	[tilespmem:s28+$0x0] =	vst.add.f32.msk $0xffff, v5  }
0x198: {  	s13 =	sadd.s32 s15, s2;
	s25 =	sadd.s32 s6, s3;
	s21 =	sadd.s32 s6, s14;
	[tilespmem:s7+$0x0] =	vst.add.f32.msk $0xffff, v4  }
0x199: {  	s14 =	sadd.s32 s15, s14;
	s15 =	sadd.s32 s15, s3;
	s24 =	simm.s32 $0x0;
	[tilespmem:s1+$0x0] =	vst.add.f32.msk $0xffff, v5  }
.LBB2_20:
0x19a: {  	[tilespmem:s21+$0x0] =	vst.add.f32.msk $0xffff, v3  }
0x19b: {  	s24 =	sadd.s32 $0x200, s24;
	s0 =	sadd.s32 $0x40, s0;
	[tilespmem:s8+$0x0] =	vst.add.f32.msk $0xffff, v2  }
0x19c: {  	s1 =	rddreg [dreg:$0x11];
	[tilespmem:s25+$0x0] =	vst.add.f32.msk $0xffff, v3;
	s2 =	sand.u32 $0x40, s0;
	s3 =	sand.u32 $0x1C00, s24  }
0x19d: {  	[tilespmem:s13+$0x0] =	vst.add.f32.msk $0xffff, v2;
	s1 =	sadd.s32 s3, s1;
	s6 =	sor.u32 $0x30, s2  }
0x19e: {  	[tilespmem:s14+$0x0] =	vst.add.f32.msk $0xffff, v2;
	s13 =	sadd.s32 s6, s1  }
0x19f: {  	s7 =	sor.u32 $0x10, s2;
	s11 =	sadd.s32 s2, s1;
	v4 =	vld [tilespmem:s13+$0x0]  }
0x1a0: {  	s26 =	sor.u32 $0x20, s2;
	s28 =	sadd.s32 s7, s1;
	v5 =	vld [tilespmem:s11+$0x0]  }
0x1a1: {  	s21 =	rddreg [dreg:$0x12];
	s1 =	sadd.s32 s26, s1;
	v3 =	vld [tilespmem:s28+$0x0]  }
0x1a2: {  	s11 =	sadd.s32 s3, s21;
	v6 =	vld [tilespmem:s1+$0x0]  }
0x1a3: {  	s29 =	rddreg [dreg:$0x14];
	[tilespmem:s15+$0x0] =	vst.add.f32.msk $0xffff, v2;
	s30 =	sadd.s32 s6, s11  }
0x1a4: {  	s25 =	rddreg [dreg:$0x13];
	s1 =	sadd.s32 s2, s11;
	[tilespmem:s30+$0x0] =	vst.add.f32.msk $0xffff, v4  }
0x1a5: {  	s14 =	sadd.s32 s3, s29;
	s13 =	sadd.s32 s3, s25;
	s29 =	sadd.s32 s7, s11;
	[tilespmem:s1+$0x0] =	vst.add.f32.msk $0xffff, v5  }
0x1a6: {  	s21 =	sadd.s32 s6, s13;
	[tilespmem:s29+$0x0] =	vst.add.f32.msk $0xffff, v3  }
0x1a7: {  	s20 =	sadd.s32 $0x4, s20;
	s15 =	sadd.s32 s2, s13;
	[tilespmem:s21+$0x0] =	vst.add.f32.msk $0xffff, v4  }
0x1a8: {  	p0 =	slt.u32 s20, $0x2C;
	s30 =	sadd.s32 s7, s13;
	[tilespmem:s15+$0x0] =	vst.add.f32.msk $0xffff, v5  }
.Ltmp8:
0x1a9: {  	s25 =	sadd.s32 s6, s14;
	[tilespmem:s30+$0x0] =	vst.add.f32.msk $0xffff, v3;
	(pc) =	sbr.rel @p0 .LBB2_20-.Ltmp8, $4  }
0x1aa: {  	s28 =	sadd.s32 s2, s14;
	s3 =	sadd.s32 s3, s19;
	[tilespmem:s25+$0x0] =	vst.add.f32.msk $0xffff, v4  }
0x1ab: {  	s6 =	sadd.s32 s6, s3;
	s8 =	sadd.s32 s26, s11;
	[tilespmem:s28+$0x0] =	vst.add.f32.msk $0xffff, v5  }
0x1ac: {  	s11 =	sadd.s32 s2, s3;
	s13 =	sadd.s32 s26, s13;
	s21 =	sadd.s32 s7, s14;
	[tilespmem:s6+$0x0] =	vst.add.f32.msk $0xffff, v4  }
0x1ad: {  	v2 =	vmov v6;
	s14 =	sadd.s32 s26, s14;
	s15 =	sadd.s32 s26, s3;
	s25 =	sadd.s32 s7, s3;
	[tilespmem:s11+$0x0] =	vst.add.f32.msk $0xffff, v5  }
0x1ae: {  	s18 =	sadd.s32 $0x1, s18  }
0x1af: {  	[tilespmem:s21+$0x0] =	vst.add.f32.msk $0xffff, v3;
	p0 =	sne.s32 s18, $0x8  }
.Ltmp9:
0x1b0: {  	[tilespmem:s8+$0x0] =	vst.add.f32.msk $0xffff, v2;
	(pc) =	sbr.rel @p0 .LBB2_19-.Ltmp9, $4  }
0x1b1: {  	[tilespmem:s25+$0x0] =	vst.add.f32.msk $0xffff, v3  }
0x1b2: {  	[tilespmem:s13+$0x0] =	vst.add.f32.msk $0xffff, v2  }
0x1b3: {  	[tilespmem:s14+$0x0] =	vst.add.f32.msk $0xffff, v2  }
0x1b4: {  	[tilespmem:s15+$0x0] =	vst.add.f32.msk $0xffff, v2  }
0x1b5: {  	s0 =	rddreg [dreg:$0x3];
	s2 =	simm.s32 $0x100  }
0x1b6: {  	s24 =	sadd.s32 $0x38, s16;
	s1 =	simm.s32 $0xC;
	s0 =	sadd.s32 s0, s17  }
0x1b7: {  	[hbm4b:s0+s22] =	stream.strided.scatter [tilespmem:s2], [sflag:$0x9], $0x6000, s23, s22, $0x38;
	[tilespmem:$0x1E100] =	vst v63  }
0x1b8: {  	s0 =	sadd.s32 s5, s24;
	_ =	swait.ge [sflag:s1], $0x6000  }
0x1b9: {  	s0 =	sshrl.u32 s0, $0x3;
	[sflag:s1] =	ssyncset.done $0x0  }
0x1ba: {  	s0 =	smul.u32 $0x300, s0;
	[sflag:s1] =	ssyncadd.s32 $0xFFFFA000  }
0x1bb: {  	s1 =	rddreg [dreg:$0x0]  }
0x1bc: {  	s25 =	simm.s32 $0x12100;
	s0 =	sadd.s32 s1, s0  }
0x1bd: {  	[tilespmem:s25], [sflag:$0x4] =	stream.strided.gather [hbm4b:s0+s22], $0x6000, s23, s22, $0x38;
	[tilespmem:$0x1E100] =	vst v63  }
0x1be: {  	v2 =	vld.msk [tilespmem:s16+$0x38], $0xff;
	_ =	sdelay $0x4  }
0x1bf: {  	v3 =	vshrl.u32 v2, $0x3  }
0x1c0: {  	v3 =	vmul.u32 $0x30, v3  }
0x1c1: {  	v2 =	vand.u32 $0x7, v2  }
0x1c2: {  	v2 =	vor.u32 v2, v3  }
0x1c3: {  	v2 =	vperm.xlane v2, v0;
	_ =	sdelay $0x1  }
0x1c4: {  	v2 =	vadd.s32 v1, v2;
	_ =	sdelay $0x2  }
0x1c5: {  	s12 =	sadd.s32 $0x1, s12  }
0x1c6: {  	s26 =	simm.s32 $0x0;
	s28 =	simm.s32 $0x1C900;
	p0 =	sne.s32 s12, $0x7  }
0x1c7: {  	[tilespmem:s28], [sflag:$0x8] =	stream.indirect_vreg.gather [hbm4b:s31+s26], $0x80, v2, vm0, $0xb8;
	[tilespmem:$0x1E100] =	vst v63  }
.Ltmp10:
0x1c8: {  	_ = 	snop;
	(pc) =	sbr.rel @p0 .LBB2_6-.Ltmp10, $4  }
0x1c9: {  	s29 =	simm.s32 $0x1D100  }
0x1ca: {  	[tilespmem:s29], [sflag:$0x8] =	stream.indirect_vreg.gather [hbm4b:s9+s26], $0x80, v2, vm0, $0xb8;
	[tilespmem:$0x1E100] =	vst v63  }
0x1cb: {  	s30 =	simm.s32 $0x1D900  }
0x1cc: {  	[tilespmem:s30], [sflag:$0x8] =	stream.indirect_vreg.gather [hbm4b:s10+s26], $0x80, v2, vm0, $0xb8;
	[tilespmem:$0x1E100] =	vst v63  }
0x1cd: {  	s0 =	simm.s32 $0x2  }
0x1ce: {  	_ =	swait.ge [sflag:s0], $0x6000  }
0x1cf: {  	[sflag:s0] =	ssyncset.done $0x0  }
0x1d0: {  	s30 =	simm.s32 $0x6;
	[sflag:s0] =	ssyncadd.s32 $0xFFFFA000  }
0x1d1: {  	_ =	swait.ge [sflag:s30], $0x1800  }
0x1d2: {  	[sflag:s30] =	ssyncset.done $0x0  }
0x1d3: {  	s4 =	simm.s32 $0x0;
	s12 =	simm.s32 $0x0;
	[sflag:s30] =	ssyncadd.s32 $0xFFFFE800  }
.LBB2_24:
0x1d4: {  	s0 =	sshll.u32 s12, $0x7  }
0x1d5: {  	s1 =	sadd.s32 $0x19900, s0  }
0x1d6: {  	s17 =	sadd.s32 $0x6100, s0;
	[dreg:$0x15] =	wrdreg s1  }
0x1d7: {  	s3 =	sand.u32 $0x1C00, s4;
	s18 =	sadd.s32 $0x7900, s0;
	[dreg:$0x16] =	wrdreg s17  }
0x1d8: {  	s6 =	sadd.s32 $0x9100, s0;
	s1 =	sand.u32 $0x40, s4;
	s2 =	rddreg [dreg:$0x15]  }
0x1d9: {  	[dreg:$0x17] =	wrdreg s18;
	s7 =	sor.u32 $0x30, s1;
	s2 =	sadd.s32 s3, s2  }
0x1da: {  	[dreg:$0x18] =	wrdreg s6;
	s19 =	sadd.s32 s7, s2  }
0x1db: {  	s20 =	sor.u32 $0x10, s1;
	s11 =	sadd.s32 s1, s2;
	v4 =	vld [tilespmem:s19+$0x0]  }
0x1dc: {  	s30 =	sadd.s32 s20, s2;
	v5 =	vld [tilespmem:s11+$0x0]  }
0x1dd: {  	s8 =	rddreg [dreg:$0x16];
	s15 =	sor.u32 $0x20, s1;
	v3 =	vld [tilespmem:s30+$0x0]  }
0x1de: {  	s8 =	sadd.s32 s3, s8;
	s2 =	sadd.s32 s15, s2  }
0x1df: {  	s13 =	rddreg [dreg:$0x17];
	s17 =	sadd.s32 s7, s8;
	v2 =	vld [tilespmem:s2+$0x0]  }
0x1e0: {  	s14 =	rddreg [dreg:$0x18];
	s25 =	sadd.s32 s1, s8;
	[tilespmem:s17+$0x0] =	vst.add.f32.msk $0xffff, v4  }
0x1e1: {  	s13 =	sadd.s32 s3, s13;
	s29 =	sadd.s32 s20, s8;
	[tilespmem:s25+$0x0] =	vst.add.f32.msk $0xffff, v5  }
0x1e2: {  	s21 =	sadd.s32 s7, s13;
	[tilespmem:s29+$0x0] =	vst.add.f32.msk $0xffff, v3  }
0x1e3: {  	s26 =	sadd.s32 s1, s13;
	[tilespmem:s21+$0x0] =	vst.add.f32.msk $0xffff, v4  }
0x1e4: {  	s16 =	sadd.s32 $0xA900, s0;
	s18 =	sadd.s32 s3, s14;
	s30 =	sadd.s32 s20, s13;
	[tilespmem:s26+$0x0] =	vst.add.f32.msk $0xffff, v5  }
0x1e5: {  	s3 =	sadd.s32 s3, s16;
	s24 =	sadd.s32 s7, s18;
	[tilespmem:s30+$0x0] =	vst.add.f32.msk $0xffff, v3  }
0x1e6: {  	s0 =	simm.s32 $0x0;
	s7 =	sadd.s32 s7, s3;
	s28 =	sadd.s32 s1, s18;
	[tilespmem:s24+$0x0] =	vst.add.f32.msk $0xffff, v4  }
0x1e7: {  	s1 =	sadd.s32 s1, s3;
	s8 =	sadd.s32 s15, s8;
	s14 =	sadd.s32 s15, s18;
	[tilespmem:s28+$0x0] =	vst.add.f32.msk $0xffff, v5  }
0x1e8: {  	s19 =	sadd.s32 s20, s18;
	s13 =	sadd.s32 s15, s13;
	s20 =	sadd.s32 s20, s3;
	[tilespmem:s7+$0x0] =	vst.add.f32.msk $0xffff, v4  }
0x1e9: {  	s15 =	sadd.s32 s15, s3;
	s18 =	simm.s32 $0x0;
	s17 =	simm.s32 $0x0;
	[tilespmem:s1+$0x0] =	vst.add.f32.msk $0xffff, v5  }
.LBB2_25:
0x1ea: {  	[tilespmem:s19+$0x0] =	vst.add.f32.msk $0xffff, v3  }
0x1eb: {  	s18 =	sadd.s32 $0x200, s18;
	s0 =	sadd.s32 $0x40, s0;
	[tilespmem:s8+$0x0] =	vst.add.f32.msk $0xffff, v2  }
0x1ec: {  	s1 =	rddreg [dreg:$0x15];
	[tilespmem:s20+$0x0] =	vst.add.f32.msk $0xffff, v3;
	s2 =	sand.u32 $0x40, s0;
	s3 =	sand.u32 $0x1C00, s18  }
0x1ed: {  	[tilespmem:s13+$0x0] =	vst.add.f32.msk $0xffff, v2;
	s1 =	sadd.s32 s3, s1;
	s6 =	sor.u32 $0x30, s2  }
0x1ee: {  	[tilespmem:s14+$0x0] =	vst.add.f32.msk $0xffff, v2;
	s24 =	sadd.s32 s6, s1  }
0x1ef: {  	s7 =	sor.u32 $0x10, s2;
	s11 =	sadd.s32 s2, s1;
	v4 =	vld [tilespmem:s24+$0x0]  }
0x1f0: {  	s21 =	sor.u32 $0x20, s2;
	s28 =	sadd.s32 s7, s1;
	v5 =	vld [tilespmem:s11+$0x0]  }
0x1f1: {  	s25 =	rddreg [dreg:$0x16];
	s1 =	sadd.s32 s21, s1;
	v3 =	vld [tilespmem:s28+$0x0]  }
0x1f2: {  	s26 =	rddreg [dreg:$0x17];
	s13 =	sadd.s32 s3, s25;
	v6 =	vld [tilespmem:s1+$0x0]  }
0x1f3: {  	s20 =	sadd.s32 s3, s26;
	s26 =	sadd.s32 s6, s13;
	[tilespmem:s15+$0x0] =	vst.add.f32.msk $0xffff, v2  }
0x1f4: {  	s30 =	sadd.s32 s2, s13;
	[tilespmem:s26+$0x0] =	vst.add.f32.msk $0xffff, v4  }
0x1f5: {  	s25 =	sadd.s32 s7, s13;
	[tilespmem:s30+$0x0] =	vst.add.f32.msk $0xffff, v5  }
0x1f6: {  	s28 =	sadd.s32 s6, s20;
	[tilespmem:s25+$0x0] =	vst.add.f32.msk $0xffff, v3  }
0x1f7: {  	s17 =	sadd.s32 $0x4, s17;
	s29 =	rddreg [dreg:$0x18];
	s15 =	sadd.s32 s2, s20;
	[tilespmem:s28+$0x0] =	vst.add.f32.msk $0xffff, v4  }
0x1f8: {  	p0 =	slt.u32 s17, $0x2C;
	s14 =	sadd.s32 s3, s29;
	s26 =	sadd.s32 s7, s20;
	[tilespmem:s15+$0x0] =	vst.add.f32.msk $0xffff, v5  }
.Ltmp11:
0x1f9: {  	s29 =	sadd.s32 s6, s14;
	[tilespmem:s26+$0x0] =	vst.add.f32.msk $0xffff, v3;
	(pc) =	sbr.rel @p0 .LBB2_25-.Ltmp11, $4  }
0x1fa: {  	s3 =	sadd.s32 s3, s16;
	s24 =	sadd.s32 s2, s14;
	[tilespmem:s29+$0x0] =	vst.add.f32.msk $0xffff, v4  }
0x1fb: {  	s19 =	sadd.s32 s7, s14;
	s6 =	sadd.s32 s6, s3;
	[tilespmem:s24+$0x0] =	vst.add.f32.msk $0xffff, v5  }
0x1fc: {  	s8 =	sadd.s32 s21, s13;
	s13 =	sadd.s32 s21, s20;
	s30 =	sadd.s32 s2, s3;
	[tilespmem:s6+$0x0] =	vst.add.f32.msk $0xffff, v4  }
0x1fd: {  	s14 =	sadd.s32 s21, s14;
	v2 =	vmov v6;
	s20 =	sadd.s32 s7, s3;
	s15 =	sadd.s32 s21, s3;
	[tilespmem:s30+$0x0] =	vst.add.f32.msk $0xffff, v5  }
0x1fe: {  	s12 =	sadd.s32 $0x1, s12  }
0x1ff: {  	[tilespmem:s19+$0x0] =	vst.add.f32.msk $0xffff, v3;
	p0 =	sne.s32 s12, $0x8  }
.Ltmp12:
0x200: {  	[tilespmem:s8+$0x0] =	vst.add.f32.msk $0xffff, v2;
	(pc) =	sbr.rel @p0 .LBB2_24-.Ltmp12, $4  }
0x201: {  	[tilespmem:s20+$0x0] =	vst.add.f32.msk $0xffff, v3  }
0x202: {  	[tilespmem:s13+$0x0] =	vst.add.f32.msk $0xffff, v2  }
0x203: {  	[tilespmem:s14+$0x0] =	vst.add.f32.msk $0xffff, v2  }
0x204: {  	[tilespmem:s15+$0x0] =	vst.add.f32.msk $0xffff, v2  }
0x205: {  	s0 =	sld [smem:$0x7F8];
	_ =	sdelay $0x1  }
0x206: {  	s1 =	simm.s32 $0x6100;
	s28 =	simm.s32 $0x9  }
0x207: {  	[hbm4b:s0+s22] =	stream.strided.scatter [tilespmem:s1], [sflag:$0xA], $0x6000, s23, s22, $0x38;
	[tilespmem:$0x1E100] =	vst v63  }
0x208: {  	_ =	swait.ge [sflag:s28], $0x6000  }
0x209: {  	[sflag:s28] =	ssyncset.done $0x0  }
0x20a: {  	s29 =	simm.s32 $0x3;
	[sflag:s28] =	ssyncadd.s32 $0xFFFFA000  }
0x20b: {  	_ =	swait.ge [sflag:s29], $0x6000  }
0x20c: {  	[sflag:s29] =	ssyncset.done $0x0  }
0x20d: {  	s30 =	simm.s32 $0x7;
	[sflag:s29] =	ssyncadd.s32 $0xFFFFA000  }
0x20e: {  	_ =	swait.ge [sflag:s30], $0x1800  }
0x20f: {  	[sflag:s30] =	ssyncset.done $0x0  }
0x210: {  	s4 =	simm.s32 $0x0;
	s12 =	simm.s32 $0x0;
	[sflag:s30] =	ssyncadd.s32 $0xFFFFE800  }
.LBB2_28:
0x211: {  	s0 =	sshll.u32 s12, $0x7  }
0x212: {  	s1 =	sadd.s32 $0x1B100, s0  }
0x213: {  	s17 =	sadd.s32 $0xC100, s0;
	[dreg:$0x19] =	wrdreg s1  }
0x214: {  	s3 =	sand.u32 $0x1C00, s4;
	s18 =	sadd.s32 $0xD900, s0;
	[dreg:$0x1a] =	wrdreg s17  }
0x215: {  	s6 =	sadd.s32 $0xF100, s0;
	s1 =	sand.u32 $0x40, s4;
	s2 =	rddreg [dreg:$0x19]  }
0x216: {  	[dreg:$0x1b] =	wrdreg s18;
	s7 =	sor.u32 $0x30, s1;
	s2 =	sadd.s32 s3, s2  }
0x217: {  	[dreg:$0x1c] =	wrdreg s6;
	s19 =	sadd.s32 s7, s2  }
0x218: {  	s20 =	sor.u32 $0x10, s1;
	s11 =	sadd.s32 s1, s2;
	v4 =	vld [tilespmem:s19+$0x0]  }
0x219: {  	s30 =	sadd.s32 s20, s2;
	v5 =	vld [tilespmem:s11+$0x0]  }
0x21a: {  	s8 =	rddreg [dreg:$0x1a];
	s15 =	sor.u32 $0x20, s1;
	v3 =	vld [tilespmem:s30+$0x0]  }
0x21b: {  	s8 =	sadd.s32 s3, s8;
	s2 =	sadd.s32 s15, s2  }
0x21c: {  	s13 =	rddreg [dreg:$0x1b];
	s17 =	sadd.s32 s7, s8;
	v2 =	vld [tilespmem:s2+$0x0]  }
0x21d: {  	s14 =	rddreg [dreg:$0x1c];
	s25 =	sadd.s32 s1, s8;
	[tilespmem:s17+$0x0] =	vst.add.f32.msk $0xffff, v4  }
0x21e: {  	s13 =	sadd.s32 s3, s13;
	s29 =	sadd.s32 s20, s8;
	[tilespmem:s25+$0x0] =	vst.add.f32.msk $0xffff, v5  }
0x21f: {  	s21 =	sadd.s32 s7, s13;
	[tilespmem:s29+$0x0] =	vst.add.f32.msk $0xffff, v3  }
0x220: {  	s26 =	sadd.s32 s1, s13;
	[tilespmem:s21+$0x0] =	vst.add.f32.msk $0xffff, v4  }
0x221: {  	s16 =	sadd.s32 $0x10900, s0;
	s18 =	sadd.s32 s3, s14;
	s30 =	sadd.s32 s20, s13;
	[tilespmem:s26+$0x0] =	vst.add.f32.msk $0xffff, v5  }
0x222: {  	s3 =	sadd.s32 s3, s16;
	s24 =	sadd.s32 s7, s18;
	[tilespmem:s30+$0x0] =	vst.add.f32.msk $0xffff, v3  }
0x223: {  	s0 =	simm.s32 $0x0;
	s7 =	sadd.s32 s7, s3;
	s28 =	sadd.s32 s1, s18;
	[tilespmem:s24+$0x0] =	vst.add.f32.msk $0xffff, v4  }
0x224: {  	s1 =	sadd.s32 s1, s3;
	s8 =	sadd.s32 s15, s8;
	s14 =	sadd.s32 s15, s18;
	[tilespmem:s28+$0x0] =	vst.add.f32.msk $0xffff, v5  }
0x225: {  	s19 =	sadd.s32 s20, s18;
	s13 =	sadd.s32 s15, s13;
	s20 =	sadd.s32 s20, s3;
	[tilespmem:s7+$0x0] =	vst.add.f32.msk $0xffff, v4  }
0x226: {  	s15 =	sadd.s32 s15, s3;
	s18 =	simm.s32 $0x0;
	s17 =	simm.s32 $0x0;
	[tilespmem:s1+$0x0] =	vst.add.f32.msk $0xffff, v5  }
.LBB2_29:
0x227: {  	[tilespmem:s19+$0x0] =	vst.add.f32.msk $0xffff, v3  }
0x228: {  	s18 =	sadd.s32 $0x200, s18;
	s0 =	sadd.s32 $0x40, s0;
	[tilespmem:s8+$0x0] =	vst.add.f32.msk $0xffff, v2  }
0x229: {  	s1 =	rddreg [dreg:$0x19];
	[tilespmem:s20+$0x0] =	vst.add.f32.msk $0xffff, v3;
	s2 =	sand.u32 $0x40, s0;
	s3 =	sand.u32 $0x1C00, s18  }
0x22a: {  	[tilespmem:s13+$0x0] =	vst.add.f32.msk $0xffff, v2;
	s1 =	sadd.s32 s3, s1;
	s6 =	sor.u32 $0x30, s2  }
0x22b: {  	[tilespmem:s14+$0x0] =	vst.add.f32.msk $0xffff, v2;
	s24 =	sadd.s32 s6, s1  }
0x22c: {  	s7 =	sor.u32 $0x10, s2;
	s11 =	sadd.s32 s2, s1;
	v4 =	vld [tilespmem:s24+$0x0]  }
0x22d: {  	s21 =	sor.u32 $0x20, s2;
	s28 =	sadd.s32 s7, s1;
	v5 =	vld [tilespmem:s11+$0x0]  }
0x22e: {  	s25 =	rddreg [dreg:$0x1a];
	s1 =	sadd.s32 s21, s1;
	v3 =	vld [tilespmem:s28+$0x0]  }
0x22f: {  	s26 =	rddreg [dreg:$0x1b];
	s13 =	sadd.s32 s3, s25;
	v6 =	vld [tilespmem:s1+$0x0]  }
0x230: {  	s20 =	sadd.s32 s3, s26;
	s26 =	sadd.s32 s6, s13;
	[tilespmem:s15+$0x0] =	vst.add.f32.msk $0xffff, v2  }
0x231: {  	s30 =	sadd.s32 s2, s13;
	[tilespmem:s26+$0x0] =	vst.add.f32.msk $0xffff, v4  }
0x232: {  	s25 =	sadd.s32 s7, s13;
	[tilespmem:s30+$0x0] =	vst.add.f32.msk $0xffff, v5  }
0x233: {  	s28 =	sadd.s32 s6, s20;
	[tilespmem:s25+$0x0] =	vst.add.f32.msk $0xffff, v3  }
0x234: {  	s17 =	sadd.s32 $0x4, s17;
	s29 =	rddreg [dreg:$0x1c];
	s15 =	sadd.s32 s2, s20;
	[tilespmem:s28+$0x0] =	vst.add.f32.msk $0xffff, v4  }
0x235: {  	p0 =	slt.u32 s17, $0x2C;
	s14 =	sadd.s32 s3, s29;
	s26 =	sadd.s32 s7, s20;
	[tilespmem:s15+$0x0] =	vst.add.f32.msk $0xffff, v5  }
.Ltmp13:
0x236: {  	s29 =	sadd.s32 s6, s14;
	[tilespmem:s26+$0x0] =	vst.add.f32.msk $0xffff, v3;
	(pc) =	sbr.rel @p0 .LBB2_29-.Ltmp13, $4  }
0x237: {  	s3 =	sadd.s32 s3, s16;
	s24 =	sadd.s32 s2, s14;
	[tilespmem:s29+$0x0] =	vst.add.f32.msk $0xffff, v4  }
0x238: {  	s19 =	sadd.s32 s7, s14;
	s6 =	sadd.s32 s6, s3;
	[tilespmem:s24+$0x0] =	vst.add.f32.msk $0xffff, v5  }
0x239: {  	s8 =	sadd.s32 s21, s13;
	s13 =	sadd.s32 s21, s20;
	s30 =	sadd.s32 s2, s3;
	[tilespmem:s6+$0x0] =	vst.add.f32.msk $0xffff, v4  }
0x23a: {  	s14 =	sadd.s32 s21, s14;
	v2 =	vmov v6;
	s20 =	sadd.s32 s7, s3;
	s15 =	sadd.s32 s21, s3;
	[tilespmem:s30+$0x0] =	vst.add.f32.msk $0xffff, v5  }
0x23b: {  	s12 =	sadd.s32 $0x1, s12  }
0x23c: {  	[tilespmem:s19+$0x0] =	vst.add.f32.msk $0xffff, v3;
	p0 =	sne.s32 s12, $0x8  }
.Ltmp14:
0x23d: {  	[tilespmem:s8+$0x0] =	vst.add.f32.msk $0xffff, v2;
	(pc) =	sbr.rel @p0 .LBB2_28-.Ltmp14, $4  }
0x23e: {  	[tilespmem:s20+$0x0] =	vst.add.f32.msk $0xffff, v3  }
0x23f: {  	[tilespmem:s13+$0x0] =	vst.add.f32.msk $0xffff, v2  }
0x240: {  	[tilespmem:s14+$0x0] =	vst.add.f32.msk $0xffff, v2  }
0x241: {  	[tilespmem:s15+$0x0] =	vst.add.f32.msk $0xffff, v2  }
0x242: {  	s0 =	sld [smem:$0x7F9];
	_ =	sdelay $0x1  }
0x243: {  	s1 =	simm.s32 $0xC100;
	s28 =	simm.s32 $0xA  }
0x244: {  	[hbm4b:s0+s22] =	stream.strided.scatter [tilespmem:s1], [sflag:$0xB], $0x6000, s23, s22, $0x38;
	[tilespmem:$0x1E100] =	vst v63  }
0x245: {  	_ =	swait.ge [sflag:s28], $0x6000  }
0x246: {  	[sflag:s28] =	ssyncset.done $0x0  }
0x247: {  	s29 =	simm.s32 $0x4;
	[sflag:s28] =	ssyncadd.s32 $0xFFFFA000  }
0x248: {  	_ =	swait.ge [sflag:s29], $0x6000  }
0x249: {  	[sflag:s29] =	ssyncset.done $0x0  }
0x24a: {  	s30 =	simm.s32 $0x8;
	[sflag:s29] =	ssyncadd.s32 $0xFFFFA000  }
0x24b: {  	_ =	swait.ge [sflag:s30], $0x1800  }
0x24c: {  	[sflag:s30] =	ssyncset.done $0x0  }
0x24d: {  	s4 =	simm.s32 $0x0;
	s12 =	simm.s32 $0x0;
	[sflag:s30] =	ssyncadd.s32 $0xFFFFE800  }
.LBB2_32:
0x24e: {  	s0 =	sshll.u32 s12, $0x7  }
0x24f: {  	s1 =	sadd.s32 $0x1C900, s0  }
0x250: {  	s17 =	sadd.s32 $0x12100, s0;
	[dreg:$0x1d] =	wrdreg s1  }
0x251: {  	s3 =	sand.u32 $0x1C00, s4;
	s18 =	sadd.s32 $0x13900, s0;
	[dreg:$0x1e] =	wrdreg s17  }
0x252: {  	s6 =	sadd.s32 $0x15100, s0;
	s1 =	sand.u32 $0x40, s4;
	s2 =	rddreg [dreg:$0x1d]  }
0x253: {  	[dreg:$0x1f] =	wrdreg s18;
	s7 =	sor.u32 $0x30, s1;
	s2 =	sadd.s32 s3, s2  }
0x254: {  	[smem:$0x7F0] =	sst s6;
	s19 =	sadd.s32 s7, s2  }
0x255: {  	s20 =	sor.u32 $0x10, s1;
	s11 =	sadd.s32 s1, s2;
	v4 =	vld [tilespmem:s19+$0x0]  }
0x256: {  	s30 =	sadd.s32 s20, s2;
	v5 =	vld [tilespmem:s11+$0x0]  }
0x257: {  	s8 =	rddreg [dreg:$0x1e];
	s15 =	sor.u32 $0x20, s1;
	v3 =	vld [tilespmem:s30+$0x0]  }
0x258: {  	s8 =	sadd.s32 s3, s8;
	s2 =	sadd.s32 s15, s2  }
0x259: {  	s13 =	rddreg [dreg:$0x1f];
	s17 =	sadd.s32 s7, s8;
	v2 =	vld [tilespmem:s2+$0x0]  }
0x25a: {  	s14 =	sld [smem:$0x7F0];
	s25 =	sadd.s32 s1, s8;
	[tilespmem:s17+$0x0] =	vst.add.f32.msk $0xffff, v4  }
0x25b: {  	s13 =	sadd.s32 s3, s13;
	s29 =	sadd.s32 s20, s8;
	[tilespmem:s25+$0x0] =	vst.add.f32.msk $0xffff, v5  }
0x25c: {  	s21 =	sadd.s32 s7, s13;
	[tilespmem:s29+$0x0] =	vst.add.f32.msk $0xffff, v3  }
0x25d: {  	s26 =	sadd.s32 s1, s13;
	[tilespmem:s21+$0x0] =	vst.add.f32.msk $0xffff, v4  }
0x25e: {  	s18 =	sadd.s32 s3, s14;
	s30 =	sadd.s32 s20, s13;
	[tilespmem:s26+$0x0] =	vst.add.f32.msk $0xffff, v5  }
0x25f: {  	s16 =	sadd.s32 $0x16900, s0;
	s0 =	simm.s32 $0x0;
	s24 =	sadd.s32 s7, s18;
	[tilespmem:s30+$0x0] =	vst.add.f32.msk $0xffff, v3  }
0x260: {  	s8 =	sadd.s32 s15, s8;
	s3 =	sadd.s32 s3, s16;
	s28 =	sadd.s32 s1, s18;
	[tilespmem:s24+$0x0] =	vst.add.f32.msk $0xffff, v4  }
0x261: {  	s13 =	sadd.s32 s15, s13;
	s7 =	sadd.s32 s7, s3;
	s1 =	sadd.s32 s1, s3;
	[tilespmem:s28+$0x0] =	vst.add.f32.msk $0xffff, v5  }
0x262: {  	s19 =	sadd.s32 s20, s18;
	s20 =	sadd.s32 s20, s3;
	s14 =	sadd.s32 s15, s18;
	[tilespmem:s7+$0x0] =	vst.add.f32.msk $0xffff, v4  }
0x263: {  	s15 =	sadd.s32 s15, s3;
	s18 =	simm.s32 $0x0;
	s17 =	simm.s32 $0x0;
	[tilespmem:s1+$0x0] =	vst.add.f32.msk $0xffff, v5  }
.LBB2_33:
0x264: {  	[tilespmem:s19+$0x0] =	vst.add.f32.msk $0xffff, v3  }
0x265: {  	s18 =	sadd.s32 $0x200, s18;
	s0 =	sadd.s32 $0x40, s0;
	[tilespmem:s8+$0x0] =	vst.add.f32.msk $0xffff, v2  }
0x266: {  	s1 =	rddreg [dreg:$0x1d];
	[tilespmem:s20+$0x0] =	vst.add.f32.msk $0xffff, v3;
	s2 =	sand.u32 $0x40, s0;
	s3 =	sand.u32 $0x1C00, s18  }
0x267: {  	[tilespmem:s13+$0x0] =	vst.add.f32.msk $0xffff, v2;
	s1 =	sadd.s32 s3, s1;
	s6 =	sor.u32 $0x30, s2  }
0x268: {  	[tilespmem:s14+$0x0] =	vst.add.f32.msk $0xffff, v2;
	s24 =	sadd.s32 s6, s1  }
0x269: {  	s7 =	sor.u32 $0x10, s2;
	s11 =	sadd.s32 s2, s1;
	v4 =	vld [tilespmem:s24+$0x0]  }
0x26a: {  	s21 =	sor.u32 $0x20, s2;
	s28 =	sadd.s32 s7, s1;
	v5 =	vld [tilespmem:s11+$0x0]  }
0x26b: {  	s25 =	rddreg [dreg:$0x1e];
	s1 =	sadd.s32 s21, s1;
	v3 =	vld [tilespmem:s28+$0x0]  }
0x26c: {  	s26 =	rddreg [dreg:$0x1f];
	s13 =	sadd.s32 s3, s25;
	v6 =	vld [tilespmem:s1+$0x0]  }
0x26d: {  	s20 =	sadd.s32 s3, s26;
	s26 =	sadd.s32 s6, s13;
	[tilespmem:s15+$0x0] =	vst.add.f32.msk $0xffff, v2  }
0x26e: {  	s30 =	sadd.s32 s2, s13;
	[tilespmem:s26+$0x0] =	vst.add.f32.msk $0xffff, v4  }
0x26f: {  	s29 =	sld [smem:$0x7F0];
	s25 =	sadd.s32 s7, s13;
	[tilespmem:s30+$0x0] =	vst.add.f32.msk $0xffff, v5  }
0x270: {  	s28 =	sadd.s32 s6, s20;
	[tilespmem:s25+$0x0] =	vst.add.f32.msk $0xffff, v3  }
0x271: {  	s17 =	sadd.s32 $0x4, s17;
	s15 =	sadd.s32 s2, s20;
	[tilespmem:s28+$0x0] =	vst.add.f32.msk $0xffff, v4  }
0x272: {  	p0 =	slt.u32 s17, $0x2C;
	s14 =	sadd.s32 s3, s29;
	s26 =	sadd.s32 s7, s20;
	[tilespmem:s15+$0x0] =	vst.add.f32.msk $0xffff, v5  }
.Ltmp15:
0x273: {  	s29 =	sadd.s32 s6, s14;
	[tilespmem:s26+$0x0] =	vst.add.f32.msk $0xffff, v3;
	(pc) =	sbr.rel @p0 .LBB2_33-.Ltmp15, $4  }
0x274: {  	s3 =	sadd.s32 s3, s16;
	s24 =	sadd.s32 s2, s14;
	[tilespmem:s29+$0x0] =	vst.add.f32.msk $0xffff, v4  }
0x275: {  	s8 =	sadd.s32 s21, s13;
	s6 =	sadd.s32 s6, s3;
	[tilespmem:s24+$0x0] =	vst.add.f32.msk $0xffff, v5  }
0x276: {  	s13 =	sadd.s32 s21, s20;
	s19 =	sadd.s32 s7, s14;
	s30 =	sadd.s32 s2, s3;
	[tilespmem:s6+$0x0] =	vst.add.f32.msk $0xffff, v4  }
0x277: {  	s14 =	sadd.s32 s21, s14;
	v2 =	vmov v6;
	s20 =	sadd.s32 s7, s3;
	s15 =	sadd.s32 s21, s3;
	[tilespmem:s30+$0x0] =	vst.add.f32.msk $0xffff, v5  }
0x278: {  	s12 =	sadd.s32 $0x1, s12  }
0x279: {  	[tilespmem:s19+$0x0] =	vst.add.f32.msk $0xffff, v3;
	p0 =	sne.s32 s12, $0x8  }
.Ltmp16:
0x27a: {  	[tilespmem:s8+$0x0] =	vst.add.f32.msk $0xffff, v2;
	(pc) =	sbr.rel @p0 .LBB2_32-.Ltmp16, $4  }
0x27b: {  	[tilespmem:s20+$0x0] =	vst.add.f32.msk $0xffff, v3  }
0x27c: {  	[tilespmem:s13+$0x0] =	vst.add.f32.msk $0xffff, v2  }
0x27d: {  	[tilespmem:s14+$0x0] =	vst.add.f32.msk $0xffff, v2  }
0x27e: {  	[tilespmem:s15+$0x0] =	vst.add.f32.msk $0xffff, v2  }
0x27f: {  	s0 =	sld [smem:$0x7FA];
	_ =	sdelay $0x1  }
0x280: {  	s1 =	simm.s32 $0x12100;
	s28 =	simm.s32 $0xB  }
0x281: {  	[hbm4b:s0+s22] =	stream.strided.scatter [tilespmem:s1], [sflag:$0xC], $0x6000, s23, s22, $0x38;
	[tilespmem:$0x1E100] =	vst v63  }
0x282: {  	_ =	swait.ge [sflag:s28], $0x6000  }
0x283: {  	[sflag:s28] =	ssyncset.done $0x0  }
0x284: {  	s29 =	simm.s32 $0xC;
	[sflag:s28] =	ssyncadd.s32 $0xFFFFA000  }
0x285: {  	_ =	swait.ge [sflag:s29], $0x6000  }
0x286: {  	s3 =	sld [smem:$0x7F1]  }
0x287: {  	s30 =	sld [smem:$0x7FB];
	_ =	sdelay $0x1  }
0x288: {  	s3 =	sadd.s32 $0x1, s3  }
0x289: {  	p0 =	sne.s32 s3, s30  }
.Ltmp17:
0x28a: {  	_ = 	snop;
	(pc) =	sbr.rel @p0 .LBB2_1-.Ltmp17, $3  }
0x28b: {  	_ =	sdelay $0x1  }
0x28c: {  	[sflag:s29] =	ssyncset.done $0x0  }
0x28d: {  	s2 =	simm.s32 $0x100;
	[sflag:s29] =	ssyncadd.s32 $0xFFFFA000  }
0x28e: {  	_ =	sfence.sel $0x180000  }
0x28f: {  	[bflag:$0x0] =	sbarrier.arrive $0xFFFF  }
0x290: {  	_ =	strace $0x90000047  }
0x291: {  	s0 =	stileid.u32;
	[bflag:$0x2] =	sbarrier.arrive $0xFFFF  }
0x292: {  	p0 =	sne.s32 s0, $0x0;
	s0 =	rddreg [dreg:$0x4]  }
0x293: {  	s0 =	sadd.s32 @!p0 $0x100000, s0  }
0x294: {  	[sflag:s0] =	ssyncadd.tile.s32 @!p0 $0x1;
	_ =	shalt  }
.Lfunc_end2:
_tile_overlayer_lowered:
.L_overlay_start_2:
0x295: {  	(tag) =	ssettag $0x2  }
0x296: {  	s0 =	rddreg [dreg:$0x0];
	s2 =	stileid.u32  }
0x297: {  	s1 =	rddreg [dreg:$0x1];
	p0 =	sne.s32 s2, $0x0  }
0x298: {  	s3 =	rddreg [dreg:$0x2];
	[bflag:$0x3] =	sbarrier.arrive $0xFFFF;
	s2 =	simm.s32 @!p0 $0x1C0D  }
0x299: {  	[timem:s3], [sflag:s2] =	dma.local @!p0 [hbm:s0], s1  }
0x29a: {  	s0 =	simm.s32 @!p0 $0xD  }
0x29b: {  	_ =	swait.ge @!p0 [sflag:s0], s1  }
0x29c: {  	s1 =	ssub.s32 @!p0 $0x0, s1;
	[sflag:s0] =	ssyncset.done @!p0 $0x0  }
0x29d: {  	[sflag:s0] =	ssyncadd.s32 @!p0 s1  }
0x29e: {  	[bflag:$0x3] =	sbarrier.arrive $0xFFFF  }
0x29f: {  	_ =	shalt  }

</sc_bundles>
